<compile_context>
chip_gen: v7x
topology: tpu7x:2x2x1
jax: 0.10.2.dev20260603
libtpu: 0.0.44.dev20260713+nightly
codegen_flags: <defaults>
</compile_context>

<pallas_src>
import jax
import jax.numpy as jnp
from jax import lax
from jax.experimental import pallas as pl
from jax.experimental.pallas import tpu as pltpu
from jax.experimental.pallas import tpu_sc as plsc

NUM_C = 100
L = 16
NCORE = 2
NSUB = 16
NW = NCORE * NSUB
ROWS = 64 * 576
RPW = ROWS // NW
GROUPS = RPW // L
GPB = 6
BPB = 6
NBLK = GROUPS // GPB
CM = NUM_C * NUM_C


def _take16(x, i):
    return lax.gather(
        x, i[:, None],
        lax.GatherDimensionNumbers(
            offset_dims=(), collapsed_slice_dims=(0,), start_index_map=(0,)),
        slice_sizes=(1,),
        mode=lax.GatherScatterMode.PROMISE_IN_BOUNDS)


def _mod_c(x):
    xu = x.astype(jnp.uint32)
    return jnp.minimum(xu, xu - NUM_C).astype(jnp.int32)


def _group_argmax(buf, row0):
    lanes = lax.iota(jnp.int32, L)
    rows = lanes + row0
    m = jnp.full((L,), -jnp.inf, dtype=jnp.float32)
    a = jnp.zeros((L,), dtype=jnp.int32)
    cvec = lanes
    for s in range(NUM_C):
        cidx = cvec if s < NUM_C - L + 1 else _mod_c(cvec)
        v = plsc.load_gather(buf, [rows, cidx])
        gt = v > m
        m = jnp.maximum(m, v)
        a = jnp.where(gt, jnp.int32(s), a)
        cvec = cvec + 1
    return _mod_c(lanes + a)


def _scatter_pairs(cm_v, flat):
    p = lax.iota(jnp.int32, L)
    s, _ = plsc.sort_key_val(flat, flat)
    prev = _take16(s, jnp.maximum(p - 1, 0))
    nxt = _take16(s, jnp.minimum(p + 1, L - 1))
    start = (p == 0) | (s != prev)
    last = (p == L - 1) | (s != nxt)
    run_start = plsc.cummax(jnp.where(start, p, 0))
    cnt = (p - run_start + 1).astype(jnp.float32)
    plsc.addupdate_scatter(cm_v, [s], cnt, mask=last)


def _cm_body(logits_hbm, targets_hbm, out_hbm, tgt_v, buf0_v, buf1_v, cm_v,
             sem0, sem1, semt):
    wid = lax.axis_index("s") * NCORE + lax.axis_index("c")
    base = wid * RPW
    bufs = (buf0_v, buf1_v)
    sems = (sem0, sem1)

    base_b = wid * 2

    def _src(k):
        bb = base_b + k // BPB
        s0 = (k % BPB) * (GPB * L)
        return logits_hbm.at[bb, pl.ds(s0, GPB * L), :]

    for b in range(2):
        pltpu.async_copy(_src(b), bufs[b], sems[b])
    tgt_src = targets_hbm.at[pl.ds(base, RPW)]
    pltpu.async_copy(tgt_src, tgt_v, semt)

    zero = jnp.zeros((L,), dtype=jnp.float32)
    def _z(i, carry):
        for u in range(5):
            cm_v[pl.ds((i * 5 + u) * L, L)] = zero
        return carry
    lax.fori_loop(0, CM // (5 * L), _z, 0)

    pltpu.make_async_copy(tgt_src, tgt_v, semt).wait()

    def _outer(o, carry):
        for b in range(2):
            k = o * 2 + b
            pltpu.make_async_copy(_src(k), bufs[b], sems[b]).wait()

            def _grp(j, carry2):
                a = _group_argmax(bufs[b], j * L)
                t = tgt_v[pl.ds((k * GPB + j) * L, L)]
                _scatter_pairs(cm_v, t * NUM_C + a)
                return carry2
            lax.fori_loop(0, GPB, _grp, 0)

            @pl.when(k + 2 < NBLK)
            def _prefetch():
                pltpu.async_copy(_src(k + 2), bufs[b], sems[b])
        return carry

    lax.fori_loop(0, NBLK // 2, _outer, 0)

    pltpu.sync_copy(cm_v, out_hbm.at[wid])


@jax.jit
def kernel(logits, targets):
    tflat = targets.reshape(-1).astype(jnp.int32)
    mesh = plsc.VectorSubcoreMesh(core_axis_name="c", subcore_axis_name="s")
    partials = pl.kernel(
        _cm_body,
        mesh=mesh,
        out_type=jax.ShapeDtypeStruct((NW, CM), jnp.float32),
        scratch_types=[
            pltpu.VMEM((RPW,), jnp.int32),
            pltpu.VMEM((GPB * L, NUM_C), jnp.float32),
            pltpu.VMEM((GPB * L, NUM_C), jnp.float32),
            pltpu.VMEM((CM,), jnp.float32),
            pltpu.SemaphoreType.DMA,
            pltpu.SemaphoreType.DMA,
            pltpu.SemaphoreType.DMA,
        ],
        compiler_params=pltpu.CompilerParams(needs_layout_passes=False),
    )(logits, tflat)
    return partials.sum(axis=0).reshape(NUM_C, NUM_C)

# --- scband reference (transcript-rebuilt; emitter-appended) ---
"""Pipeline reference for scband-majority-metrics-helper-24532853194785 (READ-ONLY COPY).

The authoritative reference and input builder live on the scoring server;
editing this copy changes nothing except your own understanding.
"""

import jax, jax.numpy as jnp
import numpy as np

NUM_CLASSES = 100

def setup_inputs(seed: int = 0) -> dict:
    key = jax.random.key(seed)
    k1, k2 = jax.random.split(key)
    logits = jax.random.normal(k1, (64, 576, NUM_CLASSES), dtype=jnp.float32)
    targets = jax.random.randint(k2, (64, 576), 0, NUM_CLASSES, dtype=jnp.int64)
    return {"logits": logits, "targets": targets}

def reference(logits, targets):
    # MajorityMetricsHelper.forward: softmax -> argmax -> confusion matrix update
    num_classes = NUM_CLASSES
    logits2 = logits.reshape(-1, logits.shape[-1])
    probs = jax.nn.softmax(logits2, axis=-1)
    t = targets.reshape(-1)
    predictions = jnp.argmax(probs, axis=-1)
    # ConfusionMatrix starts at zeros (fresh module); scatter-add counts
    cm = jnp.zeros((num_classes, num_classes), dtype=jnp.float32)
    cm = cm.at[t, predictions].add(1.0)
    return cm

if __name__ == "__main__":
    import jax
    _d = setup_inputs()
    print(jax.jit(kernel)(*tuple(_d.values())))

</pallas_src>

<mosaic_0001>
#map = affine_map<(d0, d1) -> (0, 0, 0)>
#map1 = affine_map<(d0, d1) -> (0)>
#map2 = affine_map<(d0, d1) -> (0, 0)>
module attributes {stable_mosaic.version = 14 : i64} {
  func.func @_cm_body(%arg0: i32, %arg1: i32, %arg2: memref<64x576x100xf32, #tpu.memory_space<hbm>>, %arg3: memref<36864xi32, #tpu.memory_space<hbm>>, %arg4: memref<32x10000xf32, #tpu.memory_space<hbm>>, %arg5: memref<1152xi32, #tpu.memory_space<vmem>>, %arg6: memref<96x100xf32, #tpu.memory_space<vmem>>, %arg7: memref<96x100xf32, #tpu.memory_space<vmem>>, %arg8: memref<10000xf32, #tpu.memory_space<vmem>>, %arg9: memref<!tpu.dma_semaphore, #tpu.memory_space<semaphore_mem>>, %arg10: memref<!tpu.dma_semaphore, #tpu.memory_space<semaphore_mem>>, %arg11: memref<!tpu.dma_semaphore, #tpu.memory_space<semaphore_mem>>) attributes {dimension_semantics = [#tpu.dimension_semantics<core_parallel>, #tpu.dimension_semantics<subcore_parallel>], iteration_bounds = array<i64: 2, 16>, scalar_prefetch = 0 : i64, scratch_operands = 7 : i64, tpu.core_type = #tpu.core_type<sc_vector_subcore>, window_params = [{transform_indices = #map}, {transform_indices = #map1}, {transform_indices = #map2}]} {
    %mul3A = arith.constant 2 : i32
    %mul3A_0 = arith.muli %arg1, %mul3A : i32
    %add3A = arith.addi %mul3A_0, %arg0 : i32
    %mul3A_1 = arith.constant 1152 : i32
    %mul3A_2 = arith.muli %add3A, %mul3A_1 : i32
    %mul3A_3 = arith.constant 2 : i32
    %mul3A_4 = arith.muli %add3A, %mul3A_3 : i32
    %add3A_5 = arith.constant 0 : i32
    %add3A_6 = arith.addi %mul3A_4, %add3A_5 : i32
    %dma_start3A = arith.constant 0 : i32
    %dma_start3A_7 = arith.constant 0 : i32
    %dma_start3A_8 = tpu.memref_slice %arg2[%add3A_6, %dma_start3A, %dma_start3A_7] : memref<64x576x100xf32, #tpu.memory_space<hbm>> -> memref<1x96x100xf32, #tpu.memory_space<hbm>>
    %dma_start3A_9 = tpu.memref_squeeze %dma_start3A_8 : memref<1x96x100xf32, #tpu.memory_space<hbm>> -> memref<96x100xf32, #tpu.memory_space<hbm>>
    %dma_start3A_10 = arith.constant 0 : i32
    %dma_start3A_11 = arith.constant 0 : i32
    %dma_start3A_12 = tpu.memref_slice %arg2[%add3A_6, %dma_start3A_10, %dma_start3A_11] : memref<64x576x100xf32, #tpu.memory_space<hbm>> -> memref<1x96x100xf32, #tpu.memory_space<hbm>>
    %dma_start3A_13 = tpu.memref_squeeze %dma_start3A_12 : memref<1x96x100xf32, #tpu.memory_space<hbm>> -> memref<96x100xf32, #tpu.memory_space<hbm>>
    tpu.enqueue_dma source(%dma_start3A_13 : memref<96x100xf32, #tpu.memory_space<hbm>>) target(%arg6 : memref<96x100xf32, #tpu.memory_space<vmem>>) target_semaphore(%arg9 : memref<!tpu.dma_semaphore, #tpu.memory_space<semaphore_mem>>)
    %add3A_14 = arith.constant 0 : i32
    %add3A_15 = arith.addi %mul3A_4, %add3A_14 : i32
    %dma_start3A_16 = arith.constant 96 : i32
    %dma_start3A_17 = arith.constant 0 : i32
    %dma_start3A_18 = tpu.memref_slice %arg2[%add3A_15, %dma_start3A_16, %dma_start3A_17] : memref<64x576x100xf32, #tpu.memory_space<hbm>> -> memref<1x96x100xf32, #tpu.memory_space<hbm>>
    %dma_start3A_19 = tpu.memref_squeeze %dma_start3A_18 : memref<1x96x100xf32, #tpu.memory_space<hbm>> -> memref<96x100xf32, #tpu.memory_space<hbm>>
    %dma_start3A_20 = arith.constant 96 : i32
    %dma_start3A_21 = arith.constant 0 : i32
    %dma_start3A_22 = tpu.memref_slice %arg2[%add3A_15, %dma_start3A_20, %dma_start3A_21] : memref<64x576x100xf32, #tpu.memory_space<hbm>> -> memref<1x96x100xf32, #tpu.memory_space<hbm>>
    %dma_start3A_23 = tpu.memref_squeeze %dma_start3A_22 : memref<1x96x100xf32, #tpu.memory_space<hbm>> -> memref<96x100xf32, #tpu.memory_space<hbm>>
    tpu.enqueue_dma source(%dma_start3A_23 : memref<96x100xf32, #tpu.memory_space<hbm>>) target(%arg7 : memref<96x100xf32, #tpu.memory_space<vmem>>) target_semaphore(%arg10 : memref<!tpu.dma_semaphore, #tpu.memory_space<semaphore_mem>>)
    %dma_start3A_24 = tpu.memref_slice %arg3[%mul3A_2] : memref<36864xi32, #tpu.memory_space<hbm>> -> memref<1152xi32, #tpu.memory_space<hbm>>
    %dma_start3A_25 = tpu.memref_slice %arg3[%mul3A_2] : memref<36864xi32, #tpu.memory_space<hbm>> -> memref<1152xi32, #tpu.memory_space<hbm>>
    tpu.enqueue_dma source(%dma_start3A_25 : memref<1152xi32, #tpu.memory_space<hbm>>) target(%arg5 : memref<1152xi32, #tpu.memory_space<vmem>>) target_semaphore(%arg11 : memref<!tpu.dma_semaphore, #tpu.memory_space<semaphore_mem>>)
    %broadcast_in_dim3A = arith.constant 0.000000e+00 : f32
    %broadcast_in_dim3A_26 = vector.broadcast %broadcast_in_dim3A : f32 to vector<16xf32>
    %scan3A = arith.constant 0 : i32
    %scan3A_27 = arith.constant 0 : i32
    %scan3A_28 = arith.constant 125 : i32
    %scan3A_29 = arith.addi %scan3A_27, %scan3A_28 : i32
    %scan3A_30 = arith.constant 1 : i32
    scf.for %scan3A_39 = %scan3A_27 to %scan3A_29 step %scan3A_30  : i32 {
      %mul3A_40 = arith.constant 5 : i32
      %mul3A_41 = arith.muli %scan3A_39, %mul3A_40 : i32
      %add3A_42 = arith.constant 0 : i32
      %add3A_43 = arith.addi %mul3A_41, %add3A_42 : i32
      %mul3A_44 = arith.constant 16 : i32
      %mul3A_45 = arith.muli %add3A_43, %mul3A_44 : i32
      %swap3A = arith.index_cast %mul3A_45 : i32 to index
      %swap3A_46 = tpu.vector_load %arg8[%swap3A] {strides = array<i32>} : memref<10000xf32, #tpu.memory_space<vmem>>, vector<16xf32>,
      tpu.vector_store %arg8[%swap3A], %broadcast_in_dim3A_26 {strides = array<i32>} : memref<10000xf32, #tpu.memory_space<vmem>>, vector<16xf32>,
      %mul3A_47 = arith.constant 5 : i32
      %mul3A_48 = arith.muli %scan3A_39, %mul3A_47 : i32
      %add3A_49 = arith.constant 1 : i32
      %add3A_50 = arith.addi %mul3A_48, %add3A_49 : i32
      %mul3A_51 = arith.constant 16 : i32
      %mul3A_52 = arith.muli %add3A_50, %mul3A_51 : i32
      %swap3A_53 = arith.index_cast %mul3A_52 : i32 to index
      %swap3A_54 = tpu.vector_load %arg8[%swap3A_53] {strides = array<i32>} : memref<10000xf32, #tpu.memory_space<vmem>>, vector<16xf32>,
      tpu.vector_store %arg8[%swap3A_53], %broadcast_in_dim3A_26 {strides = array<i32>} : memref<10000xf32, #tpu.memory_space<vmem>>, vector<16xf32>,
      %mul3A_55 = arith.constant 5 : i32
      %mul3A_56 = arith.muli %scan3A_39, %mul3A_55 : i32
      %add3A_57 = arith.constant 2 : i32
      %add3A_58 = arith.addi %mul3A_56, %add3A_57 : i32
      %mul3A_59 = arith.constant 16 : i32
      %mul3A_60 = arith.muli %add3A_58, %mul3A_59 : i32
      %swap3A_61 = arith.index_cast %mul3A_60 : i32 to index
      %swap3A_62 = tpu.vector_load %arg8[%swap3A_61] {strides = array<i32>} : memref<10000xf32, #tpu.memory_space<vmem>>, vector<16xf32>,
      tpu.vector_store %arg8[%swap3A_61], %broadcast_in_dim3A_26 {strides = array<i32>} : memref<10000xf32, #tpu.memory_space<vmem>>, vector<16xf32>,
      %mul3A_63 = arith.constant 5 : i32
      %mul3A_64 = arith.muli %scan3A_39, %mul3A_63 : i32
      %add3A_65 = arith.constant 3 : i32
      %add3A_66 = arith.addi %mul3A_64, %add3A_65 : i32
      %mul3A_67 = arith.constant 16 : i32
      %mul3A_68 = arith.muli %add3A_66, %mul3A_67 : i32
      %swap3A_69 = arith.index_cast %mul3A_68 : i32 to index
      %swap3A_70 = tpu.vector_load %arg8[%swap3A_69] {strides = array<i32>} : memref<10000xf32, #tpu.memory_space<vmem>>, vector<16xf32>,
      tpu.vector_store %arg8[%swap3A_69], %broadcast_in_dim3A_26 {strides = array<i32>} : memref<10000xf32, #tpu.memory_space<vmem>>, vector<16xf32>,
      %mul3A_71 = arith.constant 5 : i32
      %mul3A_72 = arith.muli %scan3A_39, %mul3A_71 : i32
      %add3A_73 = arith.constant 4 : i32
      %add3A_74 = arith.addi %mul3A_72, %add3A_73 : i32
      %mul3A_75 = arith.constant 16 : i32
      %mul3A_76 = arith.muli %add3A_74, %mul3A_75 : i32
      %swap3A_77 = arith.index_cast %mul3A_76 : i32 to index
      %swap3A_78 = tpu.vector_load %arg8[%swap3A_77] {strides = array<i32>} : memref<10000xf32, #tpu.memory_space<vmem>>, vector<16xf32>,
      tpu.vector_store %arg8[%swap3A_77], %broadcast_in_dim3A_26 {strides = array<i32>} : memref<10000xf32, #tpu.memory_space<vmem>>, vector<16xf32>,
    }
    %scan3A_31 = arith.constant 125 : i32
    %dma_wait3A = tpu.memref_slice %arg3[%mul3A_2] : memref<36864xi32, #tpu.memory_space<hbm>> -> memref<1152xi32, #tpu.memory_space<hbm>>
    %dma_wait3A_32 = tpu.memref_slice %arg3[%mul3A_2] : memref<36864xi32, #tpu.memory_space<hbm>> -> memref<1152xi32, #tpu.memory_space<hbm>>
    tpu.wait_dma2 semaphore(%arg11 : memref<!tpu.dma_semaphore, #tpu.memory_space<semaphore_mem>>) src(%dma_wait3A_32 : memref<1152xi32, #tpu.memory_space<hbm>>) dst(%arg5 : memref<1152xi32, #tpu.memory_space<vmem>>)
    %scan3A_33 = arith.constant 0 : i32
    %scan3A_34 = arith.constant 0 : i32
    %scan3A_35 = arith.constant 6 : i32
    %scan3A_36 = arith.addi %scan3A_34, %scan3A_35 : i32
    %scan3A_37 = arith.constant 1 : i32
    scf.for %scan3A_39 = %scan3A_34 to %scan3A_36 step %scan3A_37  : i32 {
      %mul3A_40 = arith.constant 2 : i32
      %mul3A_41 = arith.muli %scan3A_39, %mul3A_40 : i32
      %add3A_42 = arith.constant 0 : i32
      %add3A_43 = arith.addi %mul3A_41, %add3A_42 : i32
      %jit3A = arith.constant 6 : i32
      %div3A = arith.divsi %add3A_43, %jit3A : i32
      %sign3A = arith.constant 0 : i32
      %sign3A_44 = arith.cmpi sgt, %add3A_43, %sign3A : i32
      %sign3A_45 = arith.extui %sign3A_44 : i1 to i32
      %sign3A_46 = arith.constant 0 : i32
      %sign3A_47 = arith.cmpi slt, %add3A_43, %sign3A_46 : i32
      %sign3A_48 = arith.extui %sign3A_47 : i1 to i32
      %sign3A_49 = arith.subi %sign3A_45, %sign3A_48 : i32
      %sign3A_50 = arith.constant 0 : i32
      %sign3A_51 = arith.cmpi sgt, %jit3A, %sign3A_50 : i32
      %sign3A_52 = arith.extui %sign3A_51 : i1 to i32
      %sign3A_53 = arith.constant 0 : i32
      %sign3A_54 = arith.cmpi slt, %jit3A, %sign3A_53 : i32
      %sign3A_55 = arith.extui %sign3A_54 : i1 to i32
      %sign3A_56 = arith.subi %sign3A_52, %sign3A_55 : i32
      %ne3A = arith.cmpi ne, %sign3A_49, %sign3A_56 : i32
      %rem3A = arith.remsi %add3A_43, %jit3A : i32
      %ne3A_57 = arith.constant 0 : i32
      %ne3A_58 = arith.cmpi ne, %rem3A, %ne3A_57 : i32
      %and3A = arith.andi %ne3A, %ne3A_58 : i1
      %sub3A = arith.constant 1 : i32
      %sub3A_59 = arith.subi %div3A, %sub3A : i32
      %select_n3A = arith.select %and3A, %sub3A_59, %div3A : i32
      %add3A_60 = arith.addi %mul3A_4, %select_n3A : i32
      %jit3A_61 = arith.constant 6 : i32
      %eq3A = arith.constant 0 : i32
      %eq3A_62 = arith.cmpi eq, %jit3A_61, %eq3A : i32
      %jit3A_63 = arith.constant 1 : i32
      %select_n3A_64 = arith.select %eq3A_62, %jit3A_63, %jit3A_61 : i32
      %rem3A_65 = arith.remsi %add3A_43, %select_n3A_64 : i32
      %ne3A_66 = arith.constant 0 : i32
      %ne3A_67 = arith.cmpi ne, %rem3A_65, %ne3A_66 : i32
      %lt3A = arith.constant 0 : i32
      %lt3A_68 = arith.cmpi slt, %rem3A_65, %lt3A : i32
      %lt3A_69 = arith.constant 0 : i32
      %lt3A_70 = arith.cmpi slt, %select_n3A_64, %lt3A_69 : i32
      %ne3A_71 = arith.xori %lt3A_68, %lt3A_70 : i1
      %and3A_72 = arith.andi %ne3A_71, %ne3A_67 : i1
      %add3A_73 = arith.addi %rem3A_65, %select_n3A_64 : i32
      %select_n3A_74 = arith.select %and3A_72, %add3A_73, %rem3A_65 : i32
      %mul3A_75 = arith.constant 96 : i32
      %mul3A_76 = arith.muli %select_n3A_74, %mul3A_75 : i32
      %dma_wait3A_77 = arith.constant 0 : i32
      %dma_wait3A_78 = tpu.memref_slice %arg2[%add3A_60, %mul3A_76, %dma_wait3A_77] : memref<64x576x100xf32, #tpu.memory_space<hbm>> -> memref<1x96x100xf32, #tpu.memory_space<hbm>>
      %dma_wait3A_79 = tpu.memref_squeeze %dma_wait3A_78 : memref<1x96x100xf32, #tpu.memory_space<hbm>> -> memref<96x100xf32, #tpu.memory_space<hbm>>
      %dma_wait3A_80 = arith.constant 0 : i32
      %dma_wait3A_81 = tpu.memref_slice %arg2[%add3A_60, %mul3A_76, %dma_wait3A_80] : memref<64x576x100xf32, #tpu.memory_space<hbm>> -> memref<1x96x100xf32, #tpu.memory_space<hbm>>
      %dma_wait3A_82 = tpu.memref_squeeze %dma_wait3A_81 : memref<1x96x100xf32, #tpu.memory_space<hbm>> -> memref<96x100xf32, #tpu.memory_space<hbm>>
      tpu.wait_dma2 semaphore(%arg9 : memref<!tpu.dma_semaphore, #tpu.memory_space<semaphore_mem>>) src(%dma_wait3A_82 : memref<96x100xf32, #tpu.memory_space<hbm>>) dst(%arg6 : memref<96x100xf32, #tpu.memory_space<vmem>>)
      %scan3A_83 = arith.constant 0 : i32
      %scan3A_84 = arith.constant 0 : i32
      %scan3A_85 = arith.constant 6 : i32
      %scan3A_86 = arith.addi %scan3A_84, %scan3A_85 : i32
      %scan3A_87 = arith.constant 1 : i32
      scf.for %scan3A_160 = %scan3A_84 to %scan3A_86 step %scan3A_87  : i32 {
        %mul3A_161 = arith.constant 16 : i32
        %mul3A_162 = arith.muli %scan3A_160, %mul3A_161 : i32
        %iota3A = tpu.iota {dimensions = array<i32: 0>} : vector<16xi32>
        %add3A_163 = vector.broadcast %mul3A_162 : i32 to vector<16xi32>
        %add3A_164 = arith.addi %iota3A, %add3A_163 : vector<16xi32>
        %broadcast_in_dim3A_165 = arith.constant 0xFF800000 : f32
        %broadcast_in_dim3A_166 = vector.broadcast %broadcast_in_dim3A_165 : f32 to vector<16xf32>
        %broadcast_in_dim3A_167 = arith.constant 0 : i32
        %broadcast_in_dim3A_168 = vector.broadcast %broadcast_in_dim3A_167 : i32 to vector<16xi32>
        %gather3A = tpu.vector_load_idx %arg6[%add3A_164, %iota3A] : memref<96x100xf32, #tpu.memory_space<vmem>>[vector<16xi32>, vector<16xi32>], vector<16xf32>,
        %gt3A = arith.cmpf ogt, %gather3A, %broadcast_in_dim3A_166 : vector<16xf32>
        %max3A = arith.maximumf %broadcast_in_dim3A_166, %gather3A : vector<16xf32>
        %jit3A_169 = arith.constant 0 : i32
        %broadcast_in_dim3A_170 = vector.broadcast %jit3A_169 : i32 to vector<16xi32>
        %select_n3A_171 = arith.select %gt3A, %broadcast_in_dim3A_170, %broadcast_in_dim3A_168 : vector<16xi1>, vector<16xi32>
        %add3A_172 = arith.constant 1 : i32
        %add3A_173 = vector.broadcast %add3A_172 : i32 to vector<16xi32>
        %add3A_174 = arith.addi %iota3A, %add3A_173 : vector<16xi32>
        %gather3A_175 = tpu.vector_load_idx %arg6[%add3A_164, %add3A_174] : memref<96x100xf32, #tpu.memory_space<vmem>>[vector<16xi32>, vector<16xi32>], vector<16xf32>,
        %gt3A_176 = arith.cmpf ogt, %gather3A_175, %max3A : vector<16xf32>
        %max3A_177 = arith.maximumf %max3A, %gather3A_175 : vector<16xf32>
        %jit3A_178 = arith.constant 1 : i32
        %broadcast_in_dim3A_179 = vector.broadcast %jit3A_178 : i32 to vector<16xi32>
        %select_n3A_180 = arith.select %gt3A_176, %broadcast_in_dim3A_179, %select_n3A_171 : vector<16xi1>, vector<16xi32>
        %add3A_181 = arith.constant 1 : i32
        %add3A_182 = vector.broadcast %add3A_181 : i32 to vector<16xi32>
        %add3A_183 = arith.addi %add3A_174, %add3A_182 : vector<16xi32>
        %gather3A_184 = tpu.vector_load_idx %arg6[%add3A_164, %add3A_183] : memref<96x100xf32, #tpu.memory_space<vmem>>[vector<16xi32>, vector<16xi32>], vector<16xf32>,
        %gt3A_185 = arith.cmpf ogt, %gather3A_184, %max3A_177 : vector<16xf32>
        %max3A_186 = arith.maximumf %max3A_177, %gather3A_184 : vector<16xf32>
        %jit3A_187 = arith.constant 2 : i32
        %broadcast_in_dim3A_188 = vector.broadcast %jit3A_187 : i32 to vector<16xi32>
        %select_n3A_189 = arith.select %gt3A_185, %broadcast_in_dim3A_188, %select_n3A_180 : vector<16xi1>, vector<16xi32>
        %add3A_190 = arith.constant 1 : i32
        %add3A_191 = vector.broadcast %add3A_190 : i32 to vector<16xi32>
        %add3A_192 = arith.addi %add3A_183, %add3A_191 : vector<16xi32>
        %gather3A_193 = tpu.vector_load_idx %arg6[%add3A_164, %add3A_192] : memref<96x100xf32, #tpu.memory_space<vmem>>[vector<16xi32>, vector<16xi32>], vector<16xf32>,
        %gt3A_194 = arith.cmpf ogt, %gather3A_193, %max3A_186 : vector<16xf32>
        %max3A_195 = arith.maximumf %max3A_186, %gather3A_193 : vector<16xf32>
        %jit3A_196 = arith.constant 3 : i32
        %broadcast_in_dim3A_197 = vector.broadcast %jit3A_196 : i32 to vector<16xi32>
        %select_n3A_198 = arith.select %gt3A_194, %broadcast_in_dim3A_197, %select_n3A_189 : vector<16xi1>, vector<16xi32>
        %add3A_199 = arith.constant 1 : i32
        %add3A_200 = vector.broadcast %add3A_199 : i32 to vector<16xi32>
        %add3A_201 = arith.addi %add3A_192, %add3A_200 : vector<16xi32>
        %gather3A_202 = tpu.vector_load_idx %arg6[%add3A_164, %add3A_201] : memref<96x100xf32, #tpu.memory_space<vmem>>[vector<16xi32>, vector<16xi32>], vector<16xf32>,
        %gt3A_203 = arith.cmpf ogt, %gather3A_202, %max3A_195 : vector<16xf32>
        %max3A_204 = arith.maximumf %max3A_195, %gather3A_202 : vector<16xf32>
        %jit3A_205 = arith.constant 4 : i32
        %broadcast_in_dim3A_206 = vector.broadcast %jit3A_205 : i32 to vector<16xi32>
        %select_n3A_207 = arith.select %gt3A_203, %broadcast_in_dim3A_206, %select_n3A_198 : vector<16xi1>, vector<16xi32>
        %add3A_208 = arith.constant 1 : i32
        %add3A_209 = vector.broadcast %add3A_208 : i32 to vector<16xi32>
        %add3A_210 = arith.addi %add3A_201, %add3A_209 : vector<16xi32>
        %gather3A_211 = tpu.vector_load_idx %arg6[%add3A_164, %add3A_210] : memref<96x100xf32, #tpu.memory_space<vmem>>[vector<16xi32>, vector<16xi32>], vector<16xf32>,
        %gt3A_212 = arith.cmpf ogt, %gather3A_211, %max3A_204 : vector<16xf32>
        %max3A_213 = arith.maximumf %max3A_204, %gather3A_211 : vector<16xf32>
        %jit3A_214 = arith.constant 5 : i32
        %broadcast_in_dim3A_215 = vector.broadcast %jit3A_214 : i32 to vector<16xi32>
        %select_n3A_216 = arith.select %gt3A_212, %broadcast_in_dim3A_215, %select_n3A_207 : vector<16xi1>, vector<16xi32>
        %add3A_217 = arith.constant 1 : i32
        %add3A_218 = vector.broadcast %add3A_217 : i32 to vector<16xi32>
        %add3A_219 = arith.addi %add3A_210, %add3A_218 : vector<16xi32>
        %gather3A_220 = tpu.vector_load_idx %arg6[%add3A_164, %add3A_219] : memref<96x100xf32, #tpu.memory_space<vmem>>[vector<16xi32>, vector<16xi32>], vector<16xf32>,
        %gt3A_221 = arith.cmpf ogt, %gather3A_220, %max3A_213 : vector<16xf32>
        %max3A_222 = arith.maximumf %max3A_213, %gather3A_220 : vector<16xf32>
        %jit3A_223 = arith.constant 6 : i32
        %broadcast_in_dim3A_224 = vector.broadcast %jit3A_223 : i32 to vector<16xi32>
        %select_n3A_225 = arith.select %gt3A_221, %broadcast_in_dim3A_224, %select_n3A_216 : vector<16xi1>, vector<16xi32>
        %add3A_226 = arith.constant 1 : i32
        %add3A_227 = vector.broadcast %add3A_226 : i32 to vector<16xi32>
        %add3A_228 = arith.addi %add3A_219, %add3A_227 : vector<16xi32>
        %gather3A_229 = tpu.vector_load_idx %arg6[%add3A_164, %add3A_228] : memref<96x100xf32, #tpu.memory_space<vmem>>[vector<16xi32>, vector<16xi32>], vector<16xf32>,
        %gt3A_230 = arith.cmpf ogt, %gather3A_229, %max3A_222 : vector<16xf32>
        %max3A_231 = arith.maximumf %max3A_222, %gather3A_229 : vector<16xf32>
        %jit3A_232 = arith.constant 7 : i32
        %broadcast_in_dim3A_233 = vector.broadcast %jit3A_232 : i32 to vector<16xi32>
        %select_n3A_234 = arith.select %gt3A_230, %broadcast_in_dim3A_233, %select_n3A_225 : vector<16xi1>, vector<16xi32>
        %add3A_235 = arith.constant 1 : i32
        %add3A_236 = vector.broadcast %add3A_235 : i32 to vector<16xi32>
        %add3A_237 = arith.addi %add3A_228, %add3A_236 : vector<16xi32>
        %gather3A_238 = tpu.vector_load_idx %arg6[%add3A_164, %add3A_237] : memref<96x100xf32, #tpu.memory_space<vmem>>[vector<16xi32>, vector<16xi32>], vector<16xf32>,
        %gt3A_239 = arith.cmpf ogt, %gather3A_238, %max3A_231 : vector<16xf32>
        %max3A_240 = arith.maximumf %max3A_231, %gather3A_238 : vector<16xf32>
        %jit3A_241 = arith.constant 8 : i32
        %broadcast_in_dim3A_242 = vector.broadcast %jit3A_241 : i32 to vector<16xi32>
        %select_n3A_243 = arith.select %gt3A_239, %broadcast_in_dim3A_242, %select_n3A_234 : vector<16xi1>, vector<16xi32>
        %add3A_244 = arith.constant 1 : i32
        %add3A_245 = vector.broadcast %add3A_244 : i32 to vector<16xi32>
        %add3A_246 = arith.addi %add3A_237, %add3A_245 : vector<16xi32>
        %gather3A_247 = tpu.vector_load_idx %arg6[%add3A_164, %add3A_246] : memref<96x100xf32, #tpu.memory_space<vmem>>[vector<16xi32>, vector<16xi32>], vector<16xf32>,
        %gt3A_248 = arith.cmpf ogt, %gather3A_247, %max3A_240 : vector<16xf32>
        %max3A_249 = arith.maximumf %max3A_240, %gather3A_247 : vector<16xf32>
        %jit3A_250 = arith.constant 9 : i32
        %broadcast_in_dim3A_251 = vector.broadcast %jit3A_250 : i32 to vector<16xi32>
        %select_n3A_252 = arith.select %gt3A_248, %broadcast_in_dim3A_251, %select_n3A_243 : vector<16xi1>, vector<16xi32>
        %add3A_253 = arith.constant 1 : i32
        %add3A_254 = vector.broadcast %add3A_253 : i32 to vector<16xi32>
        %add3A_255 = arith.addi %add3A_246, %add3A_254 : vector<16xi32>
        %gather3A_256 = tpu.vector_load_idx %arg6[%add3A_164, %add3A_255] : memref<96x100xf32, #tpu.memory_space<vmem>>[vector<16xi32>, vector<16xi32>], vector<16xf32>,
        %gt3A_257 = arith.cmpf ogt, %gather3A_256, %max3A_249 : vector<16xf32>
        %max3A_258 = arith.maximumf %max3A_249, %gather3A_256 : vector<16xf32>
        %jit3A_259 = arith.constant 10 : i32
        %broadcast_in_dim3A_260 = vector.broadcast %jit3A_259 : i32 to vector<16xi32>
        %select_n3A_261 = arith.select %gt3A_257, %broadcast_in_dim3A_260, %select_n3A_252 : vector<16xi1>, vector<16xi32>
        %add3A_262 = arith.constant 1 : i32
        %add3A_263 = vector.broadcast %add3A_262 : i32 to vector<16xi32>
        %add3A_264 = arith.addi %add3A_255, %add3A_263 : vector<16xi32>
        %gather3A_265 = tpu.vector_load_idx %arg6[%add3A_164, %add3A_264] : memref<96x100xf32, #tpu.memory_space<vmem>>[vector<16xi32>, vector<16xi32>], vector<16xf32>,
        %gt3A_266 = arith.cmpf ogt, %gather3A_265, %max3A_258 : vector<16xf32>
        %max3A_267 = arith.maximumf %max3A_258, %gather3A_265 : vector<16xf32>
        %jit3A_268 = arith.constant 11 : i32
        %broadcast_in_dim3A_269 = vector.broadcast %jit3A_268 : i32 to vector<16xi32>
        %select_n3A_270 = arith.select %gt3A_266, %broadcast_in_dim3A_269, %select_n3A_261 : vector<16xi1>, vector<16xi32>
        %add3A_271 = arith.constant 1 : i32
        %add3A_272 = vector.broadcast %add3A_271 : i32 to vector<16xi32>
        %add3A_273 = arith.addi %add3A_264, %add3A_272 : vector<16xi32>
        %gather3A_274 = tpu.vector_load_idx %arg6[%add3A_164, %add3A_273] : memref<96x100xf32, #tpu.memory_space<vmem>>[vector<16xi32>, vector<16xi32>], vector<16xf32>,
        %gt3A_275 = arith.cmpf ogt, %gather3A_274, %max3A_267 : vector<16xf32>
        %max3A_276 = arith.maximumf %max3A_267, %gather3A_274 : vector<16xf32>
        %jit3A_277 = arith.constant 12 : i32
        %broadcast_in_dim3A_278 = vector.broadcast %jit3A_277 : i32 to vector<16xi32>
        %select_n3A_279 = arith.select %gt3A_275, %broadcast_in_dim3A_278, %select_n3A_270 : vector<16xi1>, vector<16xi32>
        %add3A_280 = arith.constant 1 : i32
        %add3A_281 = vector.broadcast %add3A_280 : i32 to vector<16xi32>
        %add3A_282 = arith.addi %add3A_273, %add3A_281 : vector<16xi32>
        %gather3A_283 = tpu.vector_load_idx %arg6[%add3A_164, %add3A_282] : memref<96x100xf32, #tpu.memory_space<vmem>>[vector<16xi32>, vector<16xi32>], vector<16xf32>,
        %gt3A_284 = arith.cmpf ogt, %gather3A_283, %max3A_276 : vector<16xf32>
        %max3A_285 = arith.maximumf %max3A_276, %gather3A_283 : vector<16xf32>
        %jit3A_286 = arith.constant 13 : i32
        %broadcast_in_dim3A_287 = vector.broadcast %jit3A_286 : i32 to vector<16xi32>
        %select_n3A_288 = arith.select %gt3A_284, %broadcast_in_dim3A_287, %select_n3A_279 : vector<16xi1>, vector<16xi32>
        %add3A_289 = arith.constant 1 : i32
        %add3A_290 = vector.broadcast %add3A_289 : i32 to vector<16xi32>
        %add3A_291 = arith.addi %add3A_282, %add3A_290 : vector<16xi32>
        %gather3A_292 = tpu.vector_load_idx %arg6[%add3A_164, %add3A_291] : memref<96x100xf32, #tpu.memory_space<vmem>>[vector<16xi32>, vector<16xi32>], vector<16xf32>,
        %gt3A_293 = arith.cmpf ogt, %gather3A_292, %max3A_285 : vector<16xf32>
        %max3A_294 = arith.maximumf %max3A_285, %gather3A_292 : vector<16xf32>
        %jit3A_295 = arith.constant 14 : i32
        %broadcast_in_dim3A_296 = vector.broadcast %jit3A_295 : i32 to vector<16xi32>
        %select_n3A_297 = arith.select %gt3A_293, %broadcast_in_dim3A_296, %select_n3A_288 : vector<16xi1>, vector<16xi32>
        %add3A_298 = arith.constant 1 : i32
        %add3A_299 = vector.broadcast %add3A_298 : i32 to vector<16xi32>
        %add3A_300 = arith.addi %add3A_291, %add3A_299 : vector<16xi32>
        %gather3A_301 = tpu.vector_load_idx %arg6[%add3A_164, %add3A_300] : memref<96x100xf32, #tpu.memory_space<vmem>>[vector<16xi32>, vector<16xi32>], vector<16xf32>,
        %gt3A_302 = arith.cmpf ogt, %gather3A_301, %max3A_294 : vector<16xf32>
        %max3A_303 = arith.maximumf %max3A_294, %gather3A_301 : vector<16xf32>
        %jit3A_304 = arith.constant 15 : i32
        %broadcast_in_dim3A_305 = vector.broadcast %jit3A_304 : i32 to vector<16xi32>
        %select_n3A_306 = arith.select %gt3A_302, %broadcast_in_dim3A_305, %select_n3A_297 : vector<16xi1>, vector<16xi32>
        %add3A_307 = arith.constant 1 : i32
        %add3A_308 = vector.broadcast %add3A_307 : i32 to vector<16xi32>
        %add3A_309 = arith.addi %add3A_300, %add3A_308 : vector<16xi32>
        %gather3A_310 = tpu.vector_load_idx %arg6[%add3A_164, %add3A_309] : memref<96x100xf32, #tpu.memory_space<vmem>>[vector<16xi32>, vector<16xi32>], vector<16xf32>,
        %gt3A_311 = arith.cmpf ogt, %gather3A_310, %max3A_303 : vector<16xf32>
        %max3A_312 = arith.maximumf %max3A_303, %gather3A_310 : vector<16xf32>
        %jit3A_313 = arith.constant 16 : i32
        %broadcast_in_dim3A_314 = vector.broadcast %jit3A_313 : i32 to vector<16xi32>
        %select_n3A_315 = arith.select %gt3A_311, %broadcast_in_dim3A_314, %select_n3A_306 : vector<16xi1>, vector<16xi32>
        %add3A_316 = arith.constant 1 : i32
        %add3A_317 = vector.broadcast %add3A_316 : i32 to vector<16xi32>
        %add3A_318 = arith.addi %add3A_309, %add3A_317 : vector<16xi32>
        %gather3A_319 = tpu.vector_load_idx %arg6[%add3A_164, %add3A_318] : memref<96x100xf32, #tpu.memory_space<vmem>>[vector<16xi32>, vector<16xi32>], vector<16xf32>,
        %gt3A_320 = arith.cmpf ogt, %gather3A_319, %max3A_312 : vector<16xf32>
        %max3A_321 = arith.maximumf %max3A_312, %gather3A_319 : vector<16xf32>
        %jit3A_322 = arith.constant 17 : i32
        %broadcast_in_dim3A_323 = vector.broadcast %jit3A_322 : i32 to vector<16xi32>
        %select_n3A_324 = arith.select %gt3A_320, %broadcast_in_dim3A_323, %select_n3A_315 : vector<16xi1>, vector<16xi32>
        %add3A_325 = arith.constant 1 : i32
        %add3A_326 = vector.broadcast %add3A_325 : i32 to vector<16xi32>
        %add3A_327 = arith.addi %add3A_318, %add3A_326 : vector<16xi32>
        %gather3A_328 = tpu.vector_load_idx %arg6[%add3A_164, %add3A_327] : memref<96x100xf32, #tpu.memory_space<vmem>>[vector<16xi32>, vector<16xi32>], vector<16xf32>,
        %gt3A_329 = arith.cmpf ogt, %gather3A_328, %max3A_321 : vector<16xf32>
        %max3A_330 = arith.maximumf %max3A_321, %gather3A_328 : vector<16xf32>
        %jit3A_331 = arith.constant 18 : i32
        %broadcast_in_dim3A_332 = vector.broadcast %jit3A_331 : i32 to vector<16xi32>
        %select_n3A_333 = arith.select %gt3A_329, %broadcast_in_dim3A_332, %select_n3A_324 : vector<16xi1>, vector<16xi32>
        %add3A_334 = arith.constant 1 : i32
        %add3A_335 = vector.broadcast %add3A_334 : i32 to vector<16xi32>
        %add3A_336 = arith.addi %add3A_327, %add3A_335 : vector<16xi32>
        %gather3A_337 = tpu.vector_load_idx %arg6[%add3A_164, %add3A_336] : memref<96x100xf32, #tpu.memory_space<vmem>>[vector<16xi32>, vector<16xi32>], vector<16xf32>,
        %gt3A_338 = arith.cmpf ogt, %gather3A_337, %max3A_330 : vector<16xf32>
        %max3A_339 = arith.maximumf %max3A_330, %gather3A_337 : vector<16xf32>
        %jit3A_340 = arith.constant 19 : i32
        %broadcast_in_dim3A_341 = vector.broadcast %jit3A_340 : i32 to vector<16xi32>
        %select_n3A_342 = arith.select %gt3A_338, %broadcast_in_dim3A_341, %select_n3A_333 : vector<16xi1>, vector<16xi32>
        %add3A_343 = arith.constant 1 : i32
        %add3A_344 = vector.broadcast %add3A_343 : i32 to vector<16xi32>
        %add3A_345 = arith.addi %add3A_336, %add3A_344 : vector<16xi32>
        %gather3A_346 = tpu.vector_load_idx %arg6[%add3A_164, %add3A_345] : memref<96x100xf32, #tpu.memory_space<vmem>>[vector<16xi32>, vector<16xi32>], vector<16xf32>,
        %gt3A_347 = arith.cmpf ogt, %gather3A_346, %max3A_339 : vector<16xf32>
        %max3A_348 = arith.maximumf %max3A_339, %gather3A_346 : vector<16xf32>
        %jit3A_349 = arith.constant 20 : i32
        %broadcast_in_dim3A_350 = vector.broadcast %jit3A_349 : i32 to vector<16xi32>
        %select_n3A_351 = arith.select %gt3A_347, %broadcast_in_dim3A_350, %select_n3A_342 : vector<16xi1>, vector<16xi32>
        %add3A_352 = arith.constant 1 : i32
        %add3A_353 = vector.broadcast %add3A_352 : i32 to vector<16xi32>
        %add3A_354 = arith.addi %add3A_345, %add3A_353 : vector<16xi32>
        %gather3A_355 = tpu.vector_load_idx %arg6[%add3A_164, %add3A_354] : memref<96x100xf32, #tpu.memory_space<vmem>>[vector<16xi32>, vector<16xi32>], vector<16xf32>,
        %gt3A_356 = arith.cmpf ogt, %gather3A_355, %max3A_348 : vector<16xf32>
        %max3A_357 = arith.maximumf %max3A_348, %gather3A_355 : vector<16xf32>
        %jit3A_358 = arith.constant 21 : i32
        %broadcast_in_dim3A_359 = vector.broadcast %jit3A_358 : i32 to vector<16xi32>
        %select_n3A_360 = arith.select %gt3A_356, %broadcast_in_dim3A_359, %select_n3A_351 : vector<16xi1>, vector<16xi32>
        %add3A_361 = arith.constant 1 : i32
        %add3A_362 = vector.broadcast %add3A_361 : i32 to vector<16xi32>
        %add3A_363 = arith.addi %add3A_354, %add3A_362 : vector<16xi32>
        %gather3A_364 = tpu.vector_load_idx %arg6[%add3A_164, %add3A_363] : memref<96x100xf32, #tpu.memory_space<vmem>>[vector<16xi32>, vector<16xi32>], vector<16xf32>,
        %gt3A_365 = arith.cmpf ogt, %gather3A_364, %max3A_357 : vector<16xf32>
        %max3A_366 = arith.maximumf %max3A_357, %gather3A_364 : vector<16xf32>
        %jit3A_367 = arith.constant 22 : i32
        %broadcast_in_dim3A_368 = vector.broadcast %jit3A_367 : i32 to vector<16xi32>
        %select_n3A_369 = arith.select %gt3A_365, %broadcast_in_dim3A_368, %select_n3A_360 : vector<16xi1>, vector<16xi32>
        %add3A_370 = arith.constant 1 : i32
        %add3A_371 = vector.broadcast %add3A_370 : i32 to vector<16xi32>
        %add3A_372 = arith.addi %add3A_363, %add3A_371 : vector<16xi32>
        %gather3A_373 = tpu.vector_load_idx %arg6[%add3A_164, %add3A_372] : memref<96x100xf32, #tpu.memory_space<vmem>>[vector<16xi32>, vector<16xi32>], vector<16xf32>,
        %gt3A_374 = arith.cmpf ogt, %gather3A_373, %max3A_366 : vector<16xf32>
        %max3A_375 = arith.maximumf %max3A_366, %gather3A_373 : vector<16xf32>
        %jit3A_376 = arith.constant 23 : i32
        %broadcast_in_dim3A_377 = vector.broadcast %jit3A_376 : i32 to vector<16xi32>
        %select_n3A_378 = arith.select %gt3A_374, %broadcast_in_dim3A_377, %select_n3A_369 : vector<16xi1>, vector<16xi32>
        %add3A_379 = arith.constant 1 : i32
        %add3A_380 = vector.broadcast %add3A_379 : i32 to vector<16xi32>
        %add3A_381 = arith.addi %add3A_372, %add3A_380 : vector<16xi32>
        %gather3A_382 = tpu.vector_load_idx %arg6[%add3A_164, %add3A_381] : memref<96x100xf32, #tpu.memory_space<vmem>>[vector<16xi32>, vector<16xi32>], vector<16xf32>,
        %gt3A_383 = arith.cmpf ogt, %gather3A_382, %max3A_375 : vector<16xf32>
        %max3A_384 = arith.maximumf %max3A_375, %gather3A_382 : vector<16xf32>
        %jit3A_385 = arith.constant 24 : i32
        %broadcast_in_dim3A_386 = vector.broadcast %jit3A_385 : i32 to vector<16xi32>
        %select_n3A_387 = arith.select %gt3A_383, %broadcast_in_dim3A_386, %select_n3A_378 : vector<16xi1>, vector<16xi32>
        %add3A_388 = arith.constant 1 : i32
        %add3A_389 = vector.broadcast %add3A_388 : i32 to vector<16xi32>
        %add3A_390 = arith.addi %add3A_381, %add3A_389 : vector<16xi32>
        %gather3A_391 = tpu.vector_load_idx %arg6[%add3A_164, %add3A_390] : memref<96x100xf32, #tpu.memory_space<vmem>>[vector<16xi32>, vector<16xi32>], vector<16xf32>,
        %gt3A_392 = arith.cmpf ogt, %gather3A_391, %max3A_384 : vector<16xf32>
        %max3A_393 = arith.maximumf %max3A_384, %gather3A_391 : vector<16xf32>
        %jit3A_394 = arith.constant 25 : i32
        %broadcast_in_dim3A_395 = vector.broadcast %jit3A_394 : i32 to vector<16xi32>
        %select_n3A_396 = arith.select %gt3A_392, %broadcast_in_dim3A_395, %select_n3A_387 : vector<16xi1>, vector<16xi32>
        %add3A_397 = arith.constant 1 : i32
        %add3A_398 = vector.broadcast %add3A_397 : i32 to vector<16xi32>
        %add3A_399 = arith.addi %add3A_390, %add3A_398 : vector<16xi32>
        %gather3A_400 = tpu.vector_load_idx %arg6[%add3A_164, %add3A_399] : memref<96x100xf32, #tpu.memory_space<vmem>>[vector<16xi32>, vector<16xi32>], vector<16xf32>,
        %gt3A_401 = arith.cmpf ogt, %gather3A_400, %max3A_393 : vector<16xf32>
        %max3A_402 = arith.maximumf %max3A_393, %gather3A_400 : vector<16xf32>
        %jit3A_403 = arith.constant 26 : i32
        %broadcast_in_dim3A_404 = vector.broadcast %jit3A_403 : i32 to vector<16xi32>
        %select_n3A_405 = arith.select %gt3A_401, %broadcast_in_dim3A_404, %select_n3A_396 : vector<16xi1>, vector<16xi32>
        %add3A_406 = arith.constant 1 : i32
        %add3A_407 = vector.broadcast %add3A_406 : i32 to vector<16xi32>
        %add3A_408 = arith.addi %add3A_399, %add3A_407 : vector<16xi32>
        %gather3A_409 = tpu.vector_load_idx %arg6[%add3A_164, %add3A_408] : memref<96x100xf32, #tpu.memory_space<vmem>>[vector<16xi32>, vector<16xi32>], vector<16xf32>,
        %gt3A_410 = arith.cmpf ogt, %gather3A_409, %max3A_402 : vector<16xf32>
        %max3A_411 = arith.maximumf %max3A_402, %gather3A_409 : vector<16xf32>
        %jit3A_412 = arith.constant 27 : i32
        %broadcast_in_dim3A_413 = vector.broadcast %jit3A_412 : i32 to vector<16xi32>
        %select_n3A_414 = arith.select %gt3A_410, %broadcast_in_dim3A_413, %select_n3A_405 : vector<16xi1>, vector<16xi32>
        %add3A_415 = arith.constant 1 : i32
        %add3A_416 = vector.broadcast %add3A_415 : i32 to vector<16xi32>
        %add3A_417 = arith.addi %add3A_408, %add3A_416 : vector<16xi32>
        %gather3A_418 = tpu.vector_load_idx %arg6[%add3A_164, %add3A_417] : memref<96x100xf32, #tpu.memory_space<vmem>>[vector<16xi32>, vector<16xi32>], vector<16xf32>,
        %gt3A_419 = arith.cmpf ogt, %gather3A_418, %max3A_411 : vector<16xf32>
        %max3A_420 = arith.maximumf %max3A_411, %gather3A_418 : vector<16xf32>
        %jit3A_421 = arith.constant 28 : i32
        %broadcast_in_dim3A_422 = vector.broadcast %jit3A_421 : i32 to vector<16xi32>
        %select_n3A_423 = arith.select %gt3A_419, %broadcast_in_dim3A_422, %select_n3A_414 : vector<16xi1>, vector<16xi32>
        %add3A_424 = arith.constant 1 : i32
        %add3A_425 = vector.broadcast %add3A_424 : i32 to vector<16xi32>
        %add3A_426 = arith.addi %add3A_417, %add3A_425 : vector<16xi32>
        %gather3A_427 = tpu.vector_load_idx %arg6[%add3A_164, %add3A_426] : memref<96x100xf32, #tpu.memory_space<vmem>>[vector<16xi32>, vector<16xi32>], vector<16xf32>,
        %gt3A_428 = arith.cmpf ogt, %gather3A_427, %max3A_420 : vector<16xf32>
        %max3A_429 = arith.maximumf %max3A_420, %gather3A_427 : vector<16xf32>
        %jit3A_430 = arith.constant 29 : i32
        %broadcast_in_dim3A_431 = vector.broadcast %jit3A_430 : i32 to vector<16xi32>
        %select_n3A_432 = arith.select %gt3A_428, %broadcast_in_dim3A_431, %select_n3A_423 : vector<16xi1>, vector<16xi32>
        %add3A_433 = arith.constant 1 : i32
        %add3A_434 = vector.broadcast %add3A_433 : i32 to vector<16xi32>
        %add3A_435 = arith.addi %add3A_426, %add3A_434 : vector<16xi32>
        %gather3A_436 = tpu.vector_load_idx %arg6[%add3A_164, %add3A_435] : memref<96x100xf32, #tpu.memory_space<vmem>>[vector<16xi32>, vector<16xi32>], vector<16xf32>,
        %gt3A_437 = arith.cmpf ogt, %gather3A_436, %max3A_429 : vector<16xf32>
        %max3A_438 = arith.maximumf %max3A_429, %gather3A_436 : vector<16xf32>
        %jit3A_439 = arith.constant 30 : i32
        %broadcast_in_dim3A_440 = vector.broadcast %jit3A_439 : i32 to vector<16xi32>
        %select_n3A_441 = arith.select %gt3A_437, %broadcast_in_dim3A_440, %select_n3A_432 : vector<16xi1>, vector<16xi32>
        %add3A_442 = arith.constant 1 : i32
        %add3A_443 = vector.broadcast %add3A_442 : i32 to vector<16xi32>
        %add3A_444 = arith.addi %add3A_435, %add3A_443 : vector<16xi32>
        %gather3A_445 = tpu.vector_load_idx %arg6[%add3A_164, %add3A_444] : memref<96x100xf32, #tpu.memory_space<vmem>>[vector<16xi32>, vector<16xi32>], vector<16xf32>,
        %gt3A_446 = arith.cmpf ogt, %gather3A_445, %max3A_438 : vector<16xf32>
        %max3A_447 = arith.maximumf %max3A_438, %gather3A_445 : vector<16xf32>
        %jit3A_448 = arith.constant 31 : i32
        %broadcast_in_dim3A_449 = vector.broadcast %jit3A_448 : i32 to vector<16xi32>
        %select_n3A_450 = arith.select %gt3A_446, %broadcast_in_dim3A_449, %select_n3A_441 : vector<16xi1>, vector<16xi32>
        %add3A_451 = arith.constant 1 : i32
        %add3A_452 = vector.broadcast %add3A_451 : i32 to vector<16xi32>
        %add3A_453 = arith.addi %add3A_444, %add3A_452 : vector<16xi32>
        %gather3A_454 = tpu.vector_load_idx %arg6[%add3A_164, %add3A_453] : memref<96x100xf32, #tpu.memory_space<vmem>>[vector<16xi32>, vector<16xi32>], vector<16xf32>,
        %gt3A_455 = arith.cmpf ogt, %gather3A_454, %max3A_447 : vector<16xf32>
        %max3A_456 = arith.maximumf %max3A_447, %gather3A_454 : vector<16xf32>
        %jit3A_457 = arith.constant 32 : i32
        %broadcast_in_dim3A_458 = vector.broadcast %jit3A_457 : i32 to vector<16xi32>
        %select_n3A_459 = arith.select %gt3A_455, %broadcast_in_dim3A_458, %select_n3A_450 : vector<16xi1>, vector<16xi32>
        %add3A_460 = arith.constant 1 : i32
        %add3A_461 = vector.broadcast %add3A_460 : i32 to vector<16xi32>
        %add3A_462 = arith.addi %add3A_453, %add3A_461 : vector<16xi32>
        %gather3A_463 = tpu.vector_load_idx %arg6[%add3A_164, %add3A_462] : memref<96x100xf32, #tpu.memory_space<vmem>>[vector<16xi32>, vector<16xi32>], vector<16xf32>,
        %gt3A_464 = arith.cmpf ogt, %gather3A_463, %max3A_456 : vector<16xf32>
        %max3A_465 = arith.maximumf %max3A_456, %gather3A_463 : vector<16xf32>
        %jit3A_466 = arith.constant 33 : i32
        %broadcast_in_dim3A_467 = vector.broadcast %jit3A_466 : i32 to vector<16xi32>
        %select_n3A_468 = arith.select %gt3A_464, %broadcast_in_dim3A_467, %select_n3A_459 : vector<16xi1>, vector<16xi32>
        %add3A_469 = arith.constant 1 : i32
        %add3A_470 = vector.broadcast %add3A_469 : i32 to vector<16xi32>
        %add3A_471 = arith.addi %add3A_462, %add3A_470 : vector<16xi32>
        %gather3A_472 = tpu.vector_load_idx %arg6[%add3A_164, %add3A_471] : memref<96x100xf32, #tpu.memory_space<vmem>>[vector<16xi32>, vector<16xi32>], vector<16xf32>,
        %gt3A_473 = arith.cmpf ogt, %gather3A_472, %max3A_465 : vector<16xf32>
        %max3A_474 = arith.maximumf %max3A_465, %gather3A_472 : vector<16xf32>
        %jit3A_475 = arith.constant 34 : i32
        %broadcast_in_dim3A_476 = vector.broadcast %jit3A_475 : i32 to vector<16xi32>
        %select_n3A_477 = arith.select %gt3A_473, %broadcast_in_dim3A_476, %select_n3A_468 : vector<16xi1>, vector<16xi32>
        %add3A_478 = arith.constant 1 : i32
        %add3A_479 = vector.broadcast %add3A_478 : i32 to vector<16xi32>
        %add3A_480 = arith.addi %add3A_471, %add3A_479 : vector<16xi32>
        %gather3A_481 = tpu.vector_load_idx %arg6[%add3A_164, %add3A_480] : memref<96x100xf32, #tpu.memory_space<vmem>>[vector<16xi32>, vector<16xi32>], vector<16xf32>,
        %gt3A_482 = arith.cmpf ogt, %gather3A_481, %max3A_474 : vector<16xf32>
        %max3A_483 = arith.maximumf %max3A_474, %gather3A_481 : vector<16xf32>
        %jit3A_484 = arith.constant 35 : i32
        %broadcast_in_dim3A_485 = vector.broadcast %jit3A_484 : i32 to vector<16xi32>
        %select_n3A_486 = arith.select %gt3A_482, %broadcast_in_dim3A_485, %select_n3A_477 : vector<16xi1>, vector<16xi32>
        %add3A_487 = arith.constant 1 : i32
        %add3A_488 = vector.broadcast %add3A_487 : i32 to vector<16xi32>
        %add3A_489 = arith.addi %add3A_480, %add3A_488 : vector<16xi32>
        %gather3A_490 = tpu.vector_load_idx %arg6[%add3A_164, %add3A_489] : memref<96x100xf32, #tpu.memory_space<vmem>>[vector<16xi32>, vector<16xi32>], vector<16xf32>,
        %gt3A_491 = arith.cmpf ogt, %gather3A_490, %max3A_483 : vector<16xf32>
        %max3A_492 = arith.maximumf %max3A_483, %gather3A_490 : vector<16xf32>
        %jit3A_493 = arith.constant 36 : i32
        %broadcast_in_dim3A_494 = vector.broadcast %jit3A_493 : i32 to vector<16xi32>
        %select_n3A_495 = arith.select %gt3A_491, %broadcast_in_dim3A_494, %select_n3A_486 : vector<16xi1>, vector<16xi32>
        %add3A_496 = arith.constant 1 : i32
        %add3A_497 = vector.broadcast %add3A_496 : i32 to vector<16xi32>
        %add3A_498 = arith.addi %add3A_489, %add3A_497 : vector<16xi32>
        %gather3A_499 = tpu.vector_load_idx %arg6[%add3A_164, %add3A_498] : memref<96x100xf32, #tpu.memory_space<vmem>>[vector<16xi32>, vector<16xi32>], vector<16xf32>,
        %gt3A_500 = arith.cmpf ogt, %gather3A_499, %max3A_492 : vector<16xf32>
        %max3A_501 = arith.maximumf %max3A_492, %gather3A_499 : vector<16xf32>
        %jit3A_502 = arith.constant 37 : i32
        %broadcast_in_dim3A_503 = vector.broadcast %jit3A_502 : i32 to vector<16xi32>
        %select_n3A_504 = arith.select %gt3A_500, %broadcast_in_dim3A_503, %select_n3A_495 : vector<16xi1>, vector<16xi32>
        %add3A_505 = arith.constant 1 : i32
        %add3A_506 = vector.broadcast %add3A_505 : i32 to vector<16xi32>
        %add3A_507 = arith.addi %add3A_498, %add3A_506 : vector<16xi32>
        %gather3A_508 = tpu.vector_load_idx %arg6[%add3A_164, %add3A_507] : memref<96x100xf32, #tpu.memory_space<vmem>>[vector<16xi32>, vector<16xi32>], vector<16xf32>,
        %gt3A_509 = arith.cmpf ogt, %gather3A_508, %max3A_501 : vector<16xf32>
        %max3A_510 = arith.maximumf %max3A_501, %gather3A_508 : vector<16xf32>
        %jit3A_511 = arith.constant 38 : i32
        %broadcast_in_dim3A_512 = vector.broadcast %jit3A_511 : i32 to vector<16xi32>
        %select_n3A_513 = arith.select %gt3A_509, %broadcast_in_dim3A_512, %select_n3A_504 : vector<16xi1>, vector<16xi32>
        %add3A_514 = arith.constant 1 : i32
        %add3A_515 = vector.broadcast %add3A_514 : i32 to vector<16xi32>
        %add3A_516 = arith.addi %add3A_507, %add3A_515 : vector<16xi32>
        %gather3A_517 = tpu.vector_load_idx %arg6[%add3A_164, %add3A_516] : memref<96x100xf32, #tpu.memory_space<vmem>>[vector<16xi32>, vector<16xi32>], vector<16xf32>,
        %gt3A_518 = arith.cmpf ogt, %gather3A_517, %max3A_510 : vector<16xf32>
        %max3A_519 = arith.maximumf %max3A_510, %gather3A_517 : vector<16xf32>
        %jit3A_520 = arith.constant 39 : i32
        %broadcast_in_dim3A_521 = vector.broadcast %jit3A_520 : i32 to vector<16xi32>
        %select_n3A_522 = arith.select %gt3A_518, %broadcast_in_dim3A_521, %select_n3A_513 : vector<16xi1>, vector<16xi32>
        %add3A_523 = arith.constant 1 : i32
        %add3A_524 = vector.broadcast %add3A_523 : i32 to vector<16xi32>
        %add3A_525 = arith.addi %add3A_516, %add3A_524 : vector<16xi32>
        %gather3A_526 = tpu.vector_load_idx %arg6[%add3A_164, %add3A_525] : memref<96x100xf32, #tpu.memory_space<vmem>>[vector<16xi32>, vector<16xi32>], vector<16xf32>,
        %gt3A_527 = arith.cmpf ogt, %gather3A_526, %max3A_519 : vector<16xf32>
        %max3A_528 = arith.maximumf %max3A_519, %gather3A_526 : vector<16xf32>
        %jit3A_529 = arith.constant 40 : i32
        %broadcast_in_dim3A_530 = vector.broadcast %jit3A_529 : i32 to vector<16xi32>
        %select_n3A_531 = arith.select %gt3A_527, %broadcast_in_dim3A_530, %select_n3A_522 : vector<16xi1>, vector<16xi32>
        %add3A_532 = arith.constant 1 : i32
        %add3A_533 = vector.broadcast %add3A_532 : i32 to vector<16xi32>
        %add3A_534 = arith.addi %add3A_525, %add3A_533 : vector<16xi32>
        %gather3A_535 = tpu.vector_load_idx %arg6[%add3A_164, %add3A_534] : memref<96x100xf32, #tpu.memory_space<vmem>>[vector<16xi32>, vector<16xi32>], vector<16xf32>,
        %gt3A_536 = arith.cmpf ogt, %gather3A_535, %max3A_528 : vector<16xf32>
        %max3A_537 = arith.maximumf %max3A_528, %gather3A_535 : vector<16xf32>
        %jit3A_538 = arith.constant 41 : i32
        %broadcast_in_dim3A_539 = vector.broadcast %jit3A_538 : i32 to vector<16xi32>
        %select_n3A_540 = arith.select %gt3A_536, %broadcast_in_dim3A_539, %select_n3A_531 : vector<16xi1>, vector<16xi32>
        %add3A_541 = arith.constant 1 : i32
        %add3A_542 = vector.broadcast %add3A_541 : i32 to vector<16xi32>
        %add3A_543 = arith.addi %add3A_534, %add3A_542 : vector<16xi32>
        %gather3A_544 = tpu.vector_load_idx %arg6[%add3A_164, %add3A_543] : memref<96x100xf32, #tpu.memory_space<vmem>>[vector<16xi32>, vector<16xi32>], vector<16xf32>,
        %gt3A_545 = arith.cmpf ogt, %gather3A_544, %max3A_537 : vector<16xf32>
        %max3A_546 = arith.maximumf %max3A_537, %gather3A_544 : vector<16xf32>
        %jit3A_547 = arith.constant 42 : i32
        %broadcast_in_dim3A_548 = vector.broadcast %jit3A_547 : i32 to vector<16xi32>
        %select_n3A_549 = arith.select %gt3A_545, %broadcast_in_dim3A_548, %select_n3A_540 : vector<16xi1>, vector<16xi32>
        %add3A_550 = arith.constant 1 : i32
        %add3A_551 = vector.broadcast %add3A_550 : i32 to vector<16xi32>
        %add3A_552 = arith.addi %add3A_543, %add3A_551 : vector<16xi32>
        %gather3A_553 = tpu.vector_load_idx %arg6[%add3A_164, %add3A_552] : memref<96x100xf32, #tpu.memory_space<vmem>>[vector<16xi32>, vector<16xi32>], vector<16xf32>,
        %gt3A_554 = arith.cmpf ogt, %gather3A_553, %max3A_546 : vector<16xf32>
        %max3A_555 = arith.maximumf %max3A_546, %gather3A_553 : vector<16xf32>
        %jit3A_556 = arith.constant 43 : i32
        %broadcast_in_dim3A_557 = vector.broadcast %jit3A_556 : i32 to vector<16xi32>
        %select_n3A_558 = arith.select %gt3A_554, %broadcast_in_dim3A_557, %select_n3A_549 : vector<16xi1>, vector<16xi32>
        %add3A_559 = arith.constant 1 : i32
        %add3A_560 = vector.broadcast %add3A_559 : i32 to vector<16xi32>
        %add3A_561 = arith.addi %add3A_552, %add3A_560 : vector<16xi32>
        %gather3A_562 = tpu.vector_load_idx %arg6[%add3A_164, %add3A_561] : memref<96x100xf32, #tpu.memory_space<vmem>>[vector<16xi32>, vector<16xi32>], vector<16xf32>,
        %gt3A_563 = arith.cmpf ogt, %gather3A_562, %max3A_555 : vector<16xf32>
        %max3A_564 = arith.maximumf %max3A_555, %gather3A_562 : vector<16xf32>
        %jit3A_565 = arith.constant 44 : i32
        %broadcast_in_dim3A_566 = vector.broadcast %jit3A_565 : i32 to vector<16xi32>
        %select_n3A_567 = arith.select %gt3A_563, %broadcast_in_dim3A_566, %select_n3A_558 : vector<16xi1>, vector<16xi32>
        %add3A_568 = arith.constant 1 : i32
        %add3A_569 = vector.broadcast %add3A_568 : i32 to vector<16xi32>
        %add3A_570 = arith.addi %add3A_561, %add3A_569 : vector<16xi32>
        %gather3A_571 = tpu.vector_load_idx %arg6[%add3A_164, %add3A_570] : memref<96x100xf32, #tpu.memory_space<vmem>>[vector<16xi32>, vector<16xi32>], vector<16xf32>,
        %gt3A_572 = arith.cmpf ogt, %gather3A_571, %max3A_564 : vector<16xf32>
        %max3A_573 = arith.maximumf %max3A_564, %gather3A_571 : vector<16xf32>
        %jit3A_574 = arith.constant 45 : i32
        %broadcast_in_dim3A_575 = vector.broadcast %jit3A_574 : i32 to vector<16xi32>
        %select_n3A_576 = arith.select %gt3A_572, %broadcast_in_dim3A_575, %select_n3A_567 : vector<16xi1>, vector<16xi32>
        %add3A_577 = arith.constant 1 : i32
        %add3A_578 = vector.broadcast %add3A_577 : i32 to vector<16xi32>
        %add3A_579 = arith.addi %add3A_570, %add3A_578 : vector<16xi32>
        %gather3A_580 = tpu.vector_load_idx %arg6[%add3A_164, %add3A_579] : memref<96x100xf32, #tpu.memory_space<vmem>>[vector<16xi32>, vector<16xi32>], vector<16xf32>,
        %gt3A_581 = arith.cmpf ogt, %gather3A_580, %max3A_573 : vector<16xf32>
        %max3A_582 = arith.maximumf %max3A_573, %gather3A_580 : vector<16xf32>
        %jit3A_583 = arith.constant 46 : i32
        %broadcast_in_dim3A_584 = vector.broadcast %jit3A_583 : i32 to vector<16xi32>
        %select_n3A_585 = arith.select %gt3A_581, %broadcast_in_dim3A_584, %select_n3A_576 : vector<16xi1>, vector<16xi32>
        %add3A_586 = arith.constant 1 : i32
        %add3A_587 = vector.broadcast %add3A_586 : i32 to vector<16xi32>
        %add3A_588 = arith.addi %add3A_579, %add3A_587 : vector<16xi32>
        %gather3A_589 = tpu.vector_load_idx %arg6[%add3A_164, %add3A_588] : memref<96x100xf32, #tpu.memory_space<vmem>>[vector<16xi32>, vector<16xi32>], vector<16xf32>,
        %gt3A_590 = arith.cmpf ogt, %gather3A_589, %max3A_582 : vector<16xf32>
        %max3A_591 = arith.maximumf %max3A_582, %gather3A_589 : vector<16xf32>
        %jit3A_592 = arith.constant 47 : i32
        %broadcast_in_dim3A_593 = vector.broadcast %jit3A_592 : i32 to vector<16xi32>
        %select_n3A_594 = arith.select %gt3A_590, %broadcast_in_dim3A_593, %select_n3A_585 : vector<16xi1>, vector<16xi32>
        %add3A_595 = arith.constant 1 : i32
        %add3A_596 = vector.broadcast %add3A_595 : i32 to vector<16xi32>
        %add3A_597 = arith.addi %add3A_588, %add3A_596 : vector<16xi32>
        %gather3A_598 = tpu.vector_load_idx %arg6[%add3A_164, %add3A_597] : memref<96x100xf32, #tpu.memory_space<vmem>>[vector<16xi32>, vector<16xi32>], vector<16xf32>,
        %gt3A_599 = arith.cmpf ogt, %gather3A_598, %max3A_591 : vector<16xf32>
        %max3A_600 = arith.maximumf %max3A_591, %gather3A_598 : vector<16xf32>
        %jit3A_601 = arith.constant 48 : i32
        %broadcast_in_dim3A_602 = vector.broadcast %jit3A_601 : i32 to vector<16xi32>
        %select_n3A_603 = arith.select %gt3A_599, %broadcast_in_dim3A_602, %select_n3A_594 : vector<16xi1>, vector<16xi32>
        %add3A_604 = arith.constant 1 : i32
        %add3A_605 = vector.broadcast %add3A_604 : i32 to vector<16xi32>
        %add3A_606 = arith.addi %add3A_597, %add3A_605 : vector<16xi32>
        %gather3A_607 = tpu.vector_load_idx %arg6[%add3A_164, %add3A_606] : memref<96x100xf32, #tpu.memory_space<vmem>>[vector<16xi32>, vector<16xi32>], vector<16xf32>,
        %gt3A_608 = arith.cmpf ogt, %gather3A_607, %max3A_600 : vector<16xf32>
        %max3A_609 = arith.maximumf %max3A_600, %gather3A_607 : vector<16xf32>
        %jit3A_610 = arith.constant 49 : i32
        %broadcast_in_dim3A_611 = vector.broadcast %jit3A_610 : i32 to vector<16xi32>
        %select_n3A_612 = arith.select %gt3A_608, %broadcast_in_dim3A_611, %select_n3A_603 : vector<16xi1>, vector<16xi32>
        %add3A_613 = arith.constant 1 : i32
        %add3A_614 = vector.broadcast %add3A_613 : i32 to vector<16xi32>
        %add3A_615 = arith.addi %add3A_606, %add3A_614 : vector<16xi32>
        %gather3A_616 = tpu.vector_load_idx %arg6[%add3A_164, %add3A_615] : memref<96x100xf32, #tpu.memory_space<vmem>>[vector<16xi32>, vector<16xi32>], vector<16xf32>,
        %gt3A_617 = arith.cmpf ogt, %gather3A_616, %max3A_609 : vector<16xf32>
        %max3A_618 = arith.maximumf %max3A_609, %gather3A_616 : vector<16xf32>
        %jit3A_619 = arith.constant 50 : i32
        %broadcast_in_dim3A_620 = vector.broadcast %jit3A_619 : i32 to vector<16xi32>
        %select_n3A_621 = arith.select %gt3A_617, %broadcast_in_dim3A_620, %select_n3A_612 : vector<16xi1>, vector<16xi32>
        %add3A_622 = arith.constant 1 : i32
        %add3A_623 = vector.broadcast %add3A_622 : i32 to vector<16xi32>
        %add3A_624 = arith.addi %add3A_615, %add3A_623 : vector<16xi32>
        %gather3A_625 = tpu.vector_load_idx %arg6[%add3A_164, %add3A_624] : memref<96x100xf32, #tpu.memory_space<vmem>>[vector<16xi32>, vector<16xi32>], vector<16xf32>,
        %gt3A_626 = arith.cmpf ogt, %gather3A_625, %max3A_618 : vector<16xf32>
        %max3A_627 = arith.maximumf %max3A_618, %gather3A_625 : vector<16xf32>
        %jit3A_628 = arith.constant 51 : i32
        %broadcast_in_dim3A_629 = vector.broadcast %jit3A_628 : i32 to vector<16xi32>
        %select_n3A_630 = arith.select %gt3A_626, %broadcast_in_dim3A_629, %select_n3A_621 : vector<16xi1>, vector<16xi32>
        %add3A_631 = arith.constant 1 : i32
        %add3A_632 = vector.broadcast %add3A_631 : i32 to vector<16xi32>
        %add3A_633 = arith.addi %add3A_624, %add3A_632 : vector<16xi32>
        %gather3A_634 = tpu.vector_load_idx %arg6[%add3A_164, %add3A_633] : memref<96x100xf32, #tpu.memory_space<vmem>>[vector<16xi32>, vector<16xi32>], vector<16xf32>,
        %gt3A_635 = arith.cmpf ogt, %gather3A_634, %max3A_627 : vector<16xf32>
        %max3A_636 = arith.maximumf %max3A_627, %gather3A_634 : vector<16xf32>
        %jit3A_637 = arith.constant 52 : i32
        %broadcast_in_dim3A_638 = vector.broadcast %jit3A_637 : i32 to vector<16xi32>
        %select_n3A_639 = arith.select %gt3A_635, %broadcast_in_dim3A_638, %select_n3A_630 : vector<16xi1>, vector<16xi32>
        %add3A_640 = arith.constant 1 : i32
        %add3A_641 = vector.broadcast %add3A_640 : i32 to vector<16xi32>
        %add3A_642 = arith.addi %add3A_633, %add3A_641 : vector<16xi32>
        %gather3A_643 = tpu.vector_load_idx %arg6[%add3A_164, %add3A_642] : memref<96x100xf32, #tpu.memory_space<vmem>>[vector<16xi32>, vector<16xi32>], vector<16xf32>,
        %gt3A_644 = arith.cmpf ogt, %gather3A_643, %max3A_636 : vector<16xf32>
        %max3A_645 = arith.maximumf %max3A_636, %gather3A_643 : vector<16xf32>
        %jit3A_646 = arith.constant 53 : i32
        %broadcast_in_dim3A_647 = vector.broadcast %jit3A_646 : i32 to vector<16xi32>
        %select_n3A_648 = arith.select %gt3A_644, %broadcast_in_dim3A_647, %select_n3A_639 : vector<16xi1>, vector<16xi32>
        %add3A_649 = arith.constant 1 : i32
        %add3A_650 = vector.broadcast %add3A_649 : i32 to vector<16xi32>
        %add3A_651 = arith.addi %add3A_642, %add3A_650 : vector<16xi32>
        %gather3A_652 = tpu.vector_load_idx %arg6[%add3A_164, %add3A_651] : memref<96x100xf32, #tpu.memory_space<vmem>>[vector<16xi32>, vector<16xi32>], vector<16xf32>,
        %gt3A_653 = arith.cmpf ogt, %gather3A_652, %max3A_645 : vector<16xf32>
        %max3A_654 = arith.maximumf %max3A_645, %gather3A_652 : vector<16xf32>
        %jit3A_655 = arith.constant 54 : i32
        %broadcast_in_dim3A_656 = vector.broadcast %jit3A_655 : i32 to vector<16xi32>
        %select_n3A_657 = arith.select %gt3A_653, %broadcast_in_dim3A_656, %select_n3A_648 : vector<16xi1>, vector<16xi32>
        %add3A_658 = arith.constant 1 : i32
        %add3A_659 = vector.broadcast %add3A_658 : i32 to vector<16xi32>
        %add3A_660 = arith.addi %add3A_651, %add3A_659 : vector<16xi32>
        %gather3A_661 = tpu.vector_load_idx %arg6[%add3A_164, %add3A_660] : memref<96x100xf32, #tpu.memory_space<vmem>>[vector<16xi32>, vector<16xi32>], vector<16xf32>,
        %gt3A_662 = arith.cmpf ogt, %gather3A_661, %max3A_654 : vector<16xf32>
        %max3A_663 = arith.maximumf %max3A_654, %gather3A_661 : vector<16xf32>
        %jit3A_664 = arith.constant 55 : i32
        %broadcast_in_dim3A_665 = vector.broadcast %jit3A_664 : i32 to vector<16xi32>
        %select_n3A_666 = arith.select %gt3A_662, %broadcast_in_dim3A_665, %select_n3A_657 : vector<16xi1>, vector<16xi32>
        %add3A_667 = arith.constant 1 : i32
        %add3A_668 = vector.broadcast %add3A_667 : i32 to vector<16xi32>
        %add3A_669 = arith.addi %add3A_660, %add3A_668 : vector<16xi32>
        %gather3A_670 = tpu.vector_load_idx %arg6[%add3A_164, %add3A_669] : memref<96x100xf32, #tpu.memory_space<vmem>>[vector<16xi32>, vector<16xi32>], vector<16xf32>,
        %gt3A_671 = arith.cmpf ogt, %gather3A_670, %max3A_663 : vector<16xf32>
        %max3A_672 = arith.maximumf %max3A_663, %gather3A_670 : vector<16xf32>
        %jit3A_673 = arith.constant 56 : i32
        %broadcast_in_dim3A_674 = vector.broadcast %jit3A_673 : i32 to vector<16xi32>
        %select_n3A_675 = arith.select %gt3A_671, %broadcast_in_dim3A_674, %select_n3A_666 : vector<16xi1>, vector<16xi32>
        %add3A_676 = arith.constant 1 : i32
        %add3A_677 = vector.broadcast %add3A_676 : i32 to vector<16xi32>
        %add3A_678 = arith.addi %add3A_669, %add3A_677 : vector<16xi32>
        %gather3A_679 = tpu.vector_load_idx %arg6[%add3A_164, %add3A_678] : memref<96x100xf32, #tpu.memory_space<vmem>>[vector<16xi32>, vector<16xi32>], vector<16xf32>,
        %gt3A_680 = arith.cmpf ogt, %gather3A_679, %max3A_672 : vector<16xf32>
        %max3A_681 = arith.maximumf %max3A_672, %gather3A_679 : vector<16xf32>
        %jit3A_682 = arith.constant 57 : i32
        %broadcast_in_dim3A_683 = vector.broadcast %jit3A_682 : i32 to vector<16xi32>
        %select_n3A_684 = arith.select %gt3A_680, %broadcast_in_dim3A_683, %select_n3A_675 : vector<16xi1>, vector<16xi32>
        %add3A_685 = arith.constant 1 : i32
        %add3A_686 = vector.broadcast %add3A_685 : i32 to vector<16xi32>
        %add3A_687 = arith.addi %add3A_678, %add3A_686 : vector<16xi32>
        %gather3A_688 = tpu.vector_load_idx %arg6[%add3A_164, %add3A_687] : memref<96x100xf32, #tpu.memory_space<vmem>>[vector<16xi32>, vector<16xi32>], vector<16xf32>,
        %gt3A_689 = arith.cmpf ogt, %gather3A_688, %max3A_681 : vector<16xf32>
        %max3A_690 = arith.maximumf %max3A_681, %gather3A_688 : vector<16xf32>
        %jit3A_691 = arith.constant 58 : i32
        %broadcast_in_dim3A_692 = vector.broadcast %jit3A_691 : i32 to vector<16xi32>
        %select_n3A_693 = arith.select %gt3A_689, %broadcast_in_dim3A_692, %select_n3A_684 : vector<16xi1>, vector<16xi32>
        %add3A_694 = arith.constant 1 : i32
        %add3A_695 = vector.broadcast %add3A_694 : i32 to vector<16xi32>
        %add3A_696 = arith.addi %add3A_687, %add3A_695 : vector<16xi32>
        %gather3A_697 = tpu.vector_load_idx %arg6[%add3A_164, %add3A_696] : memref<96x100xf32, #tpu.memory_space<vmem>>[vector<16xi32>, vector<16xi32>], vector<16xf32>,
        %gt3A_698 = arith.cmpf ogt, %gather3A_697, %max3A_690 : vector<16xf32>
        %max3A_699 = arith.maximumf %max3A_690, %gather3A_697 : vector<16xf32>
        %jit3A_700 = arith.constant 59 : i32
        %broadcast_in_dim3A_701 = vector.broadcast %jit3A_700 : i32 to vector<16xi32>
        %select_n3A_702 = arith.select %gt3A_698, %broadcast_in_dim3A_701, %select_n3A_693 : vector<16xi1>, vector<16xi32>
        %add3A_703 = arith.constant 1 : i32
        %add3A_704 = vector.broadcast %add3A_703 : i32 to vector<16xi32>
        %add3A_705 = arith.addi %add3A_696, %add3A_704 : vector<16xi32>
        %gather3A_706 = tpu.vector_load_idx %arg6[%add3A_164, %add3A_705] : memref<96x100xf32, #tpu.memory_space<vmem>>[vector<16xi32>, vector<16xi32>], vector<16xf32>,
        %gt3A_707 = arith.cmpf ogt, %gather3A_706, %max3A_699 : vector<16xf32>
        %max3A_708 = arith.maximumf %max3A_699, %gather3A_706 : vector<16xf32>
        %jit3A_709 = arith.constant 60 : i32
        %broadcast_in_dim3A_710 = vector.broadcast %jit3A_709 : i32 to vector<16xi32>
        %select_n3A_711 = arith.select %gt3A_707, %broadcast_in_dim3A_710, %select_n3A_702 : vector<16xi1>, vector<16xi32>
        %add3A_712 = arith.constant 1 : i32
        %add3A_713 = vector.broadcast %add3A_712 : i32 to vector<16xi32>
        %add3A_714 = arith.addi %add3A_705, %add3A_713 : vector<16xi32>
        %gather3A_715 = tpu.vector_load_idx %arg6[%add3A_164, %add3A_714] : memref<96x100xf32, #tpu.memory_space<vmem>>[vector<16xi32>, vector<16xi32>], vector<16xf32>,
        %gt3A_716 = arith.cmpf ogt, %gather3A_715, %max3A_708 : vector<16xf32>
        %max3A_717 = arith.maximumf %max3A_708, %gather3A_715 : vector<16xf32>
        %jit3A_718 = arith.constant 61 : i32
        %broadcast_in_dim3A_719 = vector.broadcast %jit3A_718 : i32 to vector<16xi32>
        %select_n3A_720 = arith.select %gt3A_716, %broadcast_in_dim3A_719, %select_n3A_711 : vector<16xi1>, vector<16xi32>
        %add3A_721 = arith.constant 1 : i32
        %add3A_722 = vector.broadcast %add3A_721 : i32 to vector<16xi32>
        %add3A_723 = arith.addi %add3A_714, %add3A_722 : vector<16xi32>
        %gather3A_724 = tpu.vector_load_idx %arg6[%add3A_164, %add3A_723] : memref<96x100xf32, #tpu.memory_space<vmem>>[vector<16xi32>, vector<16xi32>], vector<16xf32>,
        %gt3A_725 = arith.cmpf ogt, %gather3A_724, %max3A_717 : vector<16xf32>
        %max3A_726 = arith.maximumf %max3A_717, %gather3A_724 : vector<16xf32>
        %jit3A_727 = arith.constant 62 : i32
        %broadcast_in_dim3A_728 = vector.broadcast %jit3A_727 : i32 to vector<16xi32>
        %select_n3A_729 = arith.select %gt3A_725, %broadcast_in_dim3A_728, %select_n3A_720 : vector<16xi1>, vector<16xi32>
        %add3A_730 = arith.constant 1 : i32
        %add3A_731 = vector.broadcast %add3A_730 : i32 to vector<16xi32>
        %add3A_732 = arith.addi %add3A_723, %add3A_731 : vector<16xi32>
        %gather3A_733 = tpu.vector_load_idx %arg6[%add3A_164, %add3A_732] : memref<96x100xf32, #tpu.memory_space<vmem>>[vector<16xi32>, vector<16xi32>], vector<16xf32>,
        %gt3A_734 = arith.cmpf ogt, %gather3A_733, %max3A_726 : vector<16xf32>
        %max3A_735 = arith.maximumf %max3A_726, %gather3A_733 : vector<16xf32>
        %jit3A_736 = arith.constant 63 : i32
        %broadcast_in_dim3A_737 = vector.broadcast %jit3A_736 : i32 to vector<16xi32>
        %select_n3A_738 = arith.select %gt3A_734, %broadcast_in_dim3A_737, %select_n3A_729 : vector<16xi1>, vector<16xi32>
        %add3A_739 = arith.constant 1 : i32
        %add3A_740 = vector.broadcast %add3A_739 : i32 to vector<16xi32>
        %add3A_741 = arith.addi %add3A_732, %add3A_740 : vector<16xi32>
        %gather3A_742 = tpu.vector_load_idx %arg6[%add3A_164, %add3A_741] : memref<96x100xf32, #tpu.memory_space<vmem>>[vector<16xi32>, vector<16xi32>], vector<16xf32>,
        %gt3A_743 = arith.cmpf ogt, %gather3A_742, %max3A_735 : vector<16xf32>
        %max3A_744 = arith.maximumf %max3A_735, %gather3A_742 : vector<16xf32>
        %jit3A_745 = arith.constant 64 : i32
        %broadcast_in_dim3A_746 = vector.broadcast %jit3A_745 : i32 to vector<16xi32>
        %select_n3A_747 = arith.select %gt3A_743, %broadcast_in_dim3A_746, %select_n3A_738 : vector<16xi1>, vector<16xi32>
        %add3A_748 = arith.constant 1 : i32
        %add3A_749 = vector.broadcast %add3A_748 : i32 to vector<16xi32>
        %add3A_750 = arith.addi %add3A_741, %add3A_749 : vector<16xi32>
        %gather3A_751 = tpu.vector_load_idx %arg6[%add3A_164, %add3A_750] : memref<96x100xf32, #tpu.memory_space<vmem>>[vector<16xi32>, vector<16xi32>], vector<16xf32>,
        %gt3A_752 = arith.cmpf ogt, %gather3A_751, %max3A_744 : vector<16xf32>
        %max3A_753 = arith.maximumf %max3A_744, %gather3A_751 : vector<16xf32>
        %jit3A_754 = arith.constant 65 : i32
        %broadcast_in_dim3A_755 = vector.broadcast %jit3A_754 : i32 to vector<16xi32>
        %select_n3A_756 = arith.select %gt3A_752, %broadcast_in_dim3A_755, %select_n3A_747 : vector<16xi1>, vector<16xi32>
        %add3A_757 = arith.constant 1 : i32
        %add3A_758 = vector.broadcast %add3A_757 : i32 to vector<16xi32>
        %add3A_759 = arith.addi %add3A_750, %add3A_758 : vector<16xi32>
        %gather3A_760 = tpu.vector_load_idx %arg6[%add3A_164, %add3A_759] : memref<96x100xf32, #tpu.memory_space<vmem>>[vector<16xi32>, vector<16xi32>], vector<16xf32>,
        %gt3A_761 = arith.cmpf ogt, %gather3A_760, %max3A_753 : vector<16xf32>
        %max3A_762 = arith.maximumf %max3A_753, %gather3A_760 : vector<16xf32>
        %jit3A_763 = arith.constant 66 : i32
        %broadcast_in_dim3A_764 = vector.broadcast %jit3A_763 : i32 to vector<16xi32>
        %select_n3A_765 = arith.select %gt3A_761, %broadcast_in_dim3A_764, %select_n3A_756 : vector<16xi1>, vector<16xi32>
        %add3A_766 = arith.constant 1 : i32
        %add3A_767 = vector.broadcast %add3A_766 : i32 to vector<16xi32>
        %add3A_768 = arith.addi %add3A_759, %add3A_767 : vector<16xi32>
        %gather3A_769 = tpu.vector_load_idx %arg6[%add3A_164, %add3A_768] : memref<96x100xf32, #tpu.memory_space<vmem>>[vector<16xi32>, vector<16xi32>], vector<16xf32>,
        %gt3A_770 = arith.cmpf ogt, %gather3A_769, %max3A_762 : vector<16xf32>
        %max3A_771 = arith.maximumf %max3A_762, %gather3A_769 : vector<16xf32>
        %jit3A_772 = arith.constant 67 : i32
        %broadcast_in_dim3A_773 = vector.broadcast %jit3A_772 : i32 to vector<16xi32>
        %select_n3A_774 = arith.select %gt3A_770, %broadcast_in_dim3A_773, %select_n3A_765 : vector<16xi1>, vector<16xi32>
        %add3A_775 = arith.constant 1 : i32
        %add3A_776 = vector.broadcast %add3A_775 : i32 to vector<16xi32>
        %add3A_777 = arith.addi %add3A_768, %add3A_776 : vector<16xi32>
        %gather3A_778 = tpu.vector_load_idx %arg6[%add3A_164, %add3A_777] : memref<96x100xf32, #tpu.memory_space<vmem>>[vector<16xi32>, vector<16xi32>], vector<16xf32>,
        %gt3A_779 = arith.cmpf ogt, %gather3A_778, %max3A_771 : vector<16xf32>
        %max3A_780 = arith.maximumf %max3A_771, %gather3A_778 : vector<16xf32>
        %jit3A_781 = arith.constant 68 : i32
        %broadcast_in_dim3A_782 = vector.broadcast %jit3A_781 : i32 to vector<16xi32>
        %select_n3A_783 = arith.select %gt3A_779, %broadcast_in_dim3A_782, %select_n3A_774 : vector<16xi1>, vector<16xi32>
        %add3A_784 = arith.constant 1 : i32
        %add3A_785 = vector.broadcast %add3A_784 : i32 to vector<16xi32>
        %add3A_786 = arith.addi %add3A_777, %add3A_785 : vector<16xi32>
        %gather3A_787 = tpu.vector_load_idx %arg6[%add3A_164, %add3A_786] : memref<96x100xf32, #tpu.memory_space<vmem>>[vector<16xi32>, vector<16xi32>], vector<16xf32>,
        %gt3A_788 = arith.cmpf ogt, %gather3A_787, %max3A_780 : vector<16xf32>
        %max3A_789 = arith.maximumf %max3A_780, %gather3A_787 : vector<16xf32>
        %jit3A_790 = arith.constant 69 : i32
        %broadcast_in_dim3A_791 = vector.broadcast %jit3A_790 : i32 to vector<16xi32>
        %select_n3A_792 = arith.select %gt3A_788, %broadcast_in_dim3A_791, %select_n3A_783 : vector<16xi1>, vector<16xi32>
        %add3A_793 = arith.constant 1 : i32
        %add3A_794 = vector.broadcast %add3A_793 : i32 to vector<16xi32>
        %add3A_795 = arith.addi %add3A_786, %add3A_794 : vector<16xi32>
        %gather3A_796 = tpu.vector_load_idx %arg6[%add3A_164, %add3A_795] : memref<96x100xf32, #tpu.memory_space<vmem>>[vector<16xi32>, vector<16xi32>], vector<16xf32>,
        %gt3A_797 = arith.cmpf ogt, %gather3A_796, %max3A_789 : vector<16xf32>
        %max3A_798 = arith.maximumf %max3A_789, %gather3A_796 : vector<16xf32>
        %jit3A_799 = arith.constant 70 : i32
        %broadcast_in_dim3A_800 = vector.broadcast %jit3A_799 : i32 to vector<16xi32>
        %select_n3A_801 = arith.select %gt3A_797, %broadcast_in_dim3A_800, %select_n3A_792 : vector<16xi1>, vector<16xi32>
        %add3A_802 = arith.constant 1 : i32
        %add3A_803 = vector.broadcast %add3A_802 : i32 to vector<16xi32>
        %add3A_804 = arith.addi %add3A_795, %add3A_803 : vector<16xi32>
        %gather3A_805 = tpu.vector_load_idx %arg6[%add3A_164, %add3A_804] : memref<96x100xf32, #tpu.memory_space<vmem>>[vector<16xi32>, vector<16xi32>], vector<16xf32>,
        %gt3A_806 = arith.cmpf ogt, %gather3A_805, %max3A_798 : vector<16xf32>
        %max3A_807 = arith.maximumf %max3A_798, %gather3A_805 : vector<16xf32>
        %jit3A_808 = arith.constant 71 : i32
        %broadcast_in_dim3A_809 = vector.broadcast %jit3A_808 : i32 to vector<16xi32>
        %select_n3A_810 = arith.select %gt3A_806, %broadcast_in_dim3A_809, %select_n3A_801 : vector<16xi1>, vector<16xi32>
        %add3A_811 = arith.constant 1 : i32
        %add3A_812 = vector.broadcast %add3A_811 : i32 to vector<16xi32>
        %add3A_813 = arith.addi %add3A_804, %add3A_812 : vector<16xi32>
        %gather3A_814 = tpu.vector_load_idx %arg6[%add3A_164, %add3A_813] : memref<96x100xf32, #tpu.memory_space<vmem>>[vector<16xi32>, vector<16xi32>], vector<16xf32>,
        %gt3A_815 = arith.cmpf ogt, %gather3A_814, %max3A_807 : vector<16xf32>
        %max3A_816 = arith.maximumf %max3A_807, %gather3A_814 : vector<16xf32>
        %jit3A_817 = arith.constant 72 : i32
        %broadcast_in_dim3A_818 = vector.broadcast %jit3A_817 : i32 to vector<16xi32>
        %select_n3A_819 = arith.select %gt3A_815, %broadcast_in_dim3A_818, %select_n3A_810 : vector<16xi1>, vector<16xi32>
        %add3A_820 = arith.constant 1 : i32
        %add3A_821 = vector.broadcast %add3A_820 : i32 to vector<16xi32>
        %add3A_822 = arith.addi %add3A_813, %add3A_821 : vector<16xi32>
        %gather3A_823 = tpu.vector_load_idx %arg6[%add3A_164, %add3A_822] : memref<96x100xf32, #tpu.memory_space<vmem>>[vector<16xi32>, vector<16xi32>], vector<16xf32>,
        %gt3A_824 = arith.cmpf ogt, %gather3A_823, %max3A_816 : vector<16xf32>
        %max3A_825 = arith.maximumf %max3A_816, %gather3A_823 : vector<16xf32>
        %jit3A_826 = arith.constant 73 : i32
        %broadcast_in_dim3A_827 = vector.broadcast %jit3A_826 : i32 to vector<16xi32>
        %select_n3A_828 = arith.select %gt3A_824, %broadcast_in_dim3A_827, %select_n3A_819 : vector<16xi1>, vector<16xi32>
        %add3A_829 = arith.constant 1 : i32
        %add3A_830 = vector.broadcast %add3A_829 : i32 to vector<16xi32>
        %add3A_831 = arith.addi %add3A_822, %add3A_830 : vector<16xi32>
        %gather3A_832 = tpu.vector_load_idx %arg6[%add3A_164, %add3A_831] : memref<96x100xf32, #tpu.memory_space<vmem>>[vector<16xi32>, vector<16xi32>], vector<16xf32>,
        %gt3A_833 = arith.cmpf ogt, %gather3A_832, %max3A_825 : vector<16xf32>
        %max3A_834 = arith.maximumf %max3A_825, %gather3A_832 : vector<16xf32>
        %jit3A_835 = arith.constant 74 : i32
        %broadcast_in_dim3A_836 = vector.broadcast %jit3A_835 : i32 to vector<16xi32>
        %select_n3A_837 = arith.select %gt3A_833, %broadcast_in_dim3A_836, %select_n3A_828 : vector<16xi1>, vector<16xi32>
        %add3A_838 = arith.constant 1 : i32
        %add3A_839 = vector.broadcast %add3A_838 : i32 to vector<16xi32>
        %add3A_840 = arith.addi %add3A_831, %add3A_839 : vector<16xi32>
        %gather3A_841 = tpu.vector_load_idx %arg6[%add3A_164, %add3A_840] : memref<96x100xf32, #tpu.memory_space<vmem>>[vector<16xi32>, vector<16xi32>], vector<16xf32>,
        %gt3A_842 = arith.cmpf ogt, %gather3A_841, %max3A_834 : vector<16xf32>
        %max3A_843 = arith.maximumf %max3A_834, %gather3A_841 : vector<16xf32>
        %jit3A_844 = arith.constant 75 : i32
        %broadcast_in_dim3A_845 = vector.broadcast %jit3A_844 : i32 to vector<16xi32>
        %select_n3A_846 = arith.select %gt3A_842, %broadcast_in_dim3A_845, %select_n3A_837 : vector<16xi1>, vector<16xi32>
        %add3A_847 = arith.constant 1 : i32
        %add3A_848 = vector.broadcast %add3A_847 : i32 to vector<16xi32>
        %add3A_849 = arith.addi %add3A_840, %add3A_848 : vector<16xi32>
        %gather3A_850 = tpu.vector_load_idx %arg6[%add3A_164, %add3A_849] : memref<96x100xf32, #tpu.memory_space<vmem>>[vector<16xi32>, vector<16xi32>], vector<16xf32>,
        %gt3A_851 = arith.cmpf ogt, %gather3A_850, %max3A_843 : vector<16xf32>
        %max3A_852 = arith.maximumf %max3A_843, %gather3A_850 : vector<16xf32>
        %jit3A_853 = arith.constant 76 : i32
        %broadcast_in_dim3A_854 = vector.broadcast %jit3A_853 : i32 to vector<16xi32>
        %select_n3A_855 = arith.select %gt3A_851, %broadcast_in_dim3A_854, %select_n3A_846 : vector<16xi1>, vector<16xi32>
        %add3A_856 = arith.constant 1 : i32
        %add3A_857 = vector.broadcast %add3A_856 : i32 to vector<16xi32>
        %add3A_858 = arith.addi %add3A_849, %add3A_857 : vector<16xi32>
        %gather3A_859 = tpu.vector_load_idx %arg6[%add3A_164, %add3A_858] : memref<96x100xf32, #tpu.memory_space<vmem>>[vector<16xi32>, vector<16xi32>], vector<16xf32>,
        %gt3A_860 = arith.cmpf ogt, %gather3A_859, %max3A_852 : vector<16xf32>
        %max3A_861 = arith.maximumf %max3A_852, %gather3A_859 : vector<16xf32>
        %jit3A_862 = arith.constant 77 : i32
        %broadcast_in_dim3A_863 = vector.broadcast %jit3A_862 : i32 to vector<16xi32>
        %select_n3A_864 = arith.select %gt3A_860, %broadcast_in_dim3A_863, %select_n3A_855 : vector<16xi1>, vector<16xi32>
        %add3A_865 = arith.constant 1 : i32
        %add3A_866 = vector.broadcast %add3A_865 : i32 to vector<16xi32>
        %add3A_867 = arith.addi %add3A_858, %add3A_866 : vector<16xi32>
        %gather3A_868 = tpu.vector_load_idx %arg6[%add3A_164, %add3A_867] : memref<96x100xf32, #tpu.memory_space<vmem>>[vector<16xi32>, vector<16xi32>], vector<16xf32>,
        %gt3A_869 = arith.cmpf ogt, %gather3A_868, %max3A_861 : vector<16xf32>
        %max3A_870 = arith.maximumf %max3A_861, %gather3A_868 : vector<16xf32>
        %jit3A_871 = arith.constant 78 : i32
        %broadcast_in_dim3A_872 = vector.broadcast %jit3A_871 : i32 to vector<16xi32>
        %select_n3A_873 = arith.select %gt3A_869, %broadcast_in_dim3A_872, %select_n3A_864 : vector<16xi1>, vector<16xi32>
        %add3A_874 = arith.constant 1 : i32
        %add3A_875 = vector.broadcast %add3A_874 : i32 to vector<16xi32>
        %add3A_876 = arith.addi %add3A_867, %add3A_875 : vector<16xi32>
        %gather3A_877 = tpu.vector_load_idx %arg6[%add3A_164, %add3A_876] : memref<96x100xf32, #tpu.memory_space<vmem>>[vector<16xi32>, vector<16xi32>], vector<16xf32>,
        %gt3A_878 = arith.cmpf ogt, %gather3A_877, %max3A_870 : vector<16xf32>
        %max3A_879 = arith.maximumf %max3A_870, %gather3A_877 : vector<16xf32>
        %jit3A_880 = arith.constant 79 : i32
        %broadcast_in_dim3A_881 = vector.broadcast %jit3A_880 : i32 to vector<16xi32>
        %select_n3A_882 = arith.select %gt3A_878, %broadcast_in_dim3A_881, %select_n3A_873 : vector<16xi1>, vector<16xi32>
        %add3A_883 = arith.constant 1 : i32
        %add3A_884 = vector.broadcast %add3A_883 : i32 to vector<16xi32>
        %add3A_885 = arith.addi %add3A_876, %add3A_884 : vector<16xi32>
        %gather3A_886 = tpu.vector_load_idx %arg6[%add3A_164, %add3A_885] : memref<96x100xf32, #tpu.memory_space<vmem>>[vector<16xi32>, vector<16xi32>], vector<16xf32>,
        %gt3A_887 = arith.cmpf ogt, %gather3A_886, %max3A_879 : vector<16xf32>
        %max3A_888 = arith.maximumf %max3A_879, %gather3A_886 : vector<16xf32>
        %jit3A_889 = arith.constant 80 : i32
        %broadcast_in_dim3A_890 = vector.broadcast %jit3A_889 : i32 to vector<16xi32>
        %select_n3A_891 = arith.select %gt3A_887, %broadcast_in_dim3A_890, %select_n3A_882 : vector<16xi1>, vector<16xi32>
        %add3A_892 = arith.constant 1 : i32
        %add3A_893 = vector.broadcast %add3A_892 : i32 to vector<16xi32>
        %add3A_894 = arith.addi %add3A_885, %add3A_893 : vector<16xi32>
        %gather3A_895 = tpu.vector_load_idx %arg6[%add3A_164, %add3A_894] : memref<96x100xf32, #tpu.memory_space<vmem>>[vector<16xi32>, vector<16xi32>], vector<16xf32>,
        %gt3A_896 = arith.cmpf ogt, %gather3A_895, %max3A_888 : vector<16xf32>
        %max3A_897 = arith.maximumf %max3A_888, %gather3A_895 : vector<16xf32>
        %jit3A_898 = arith.constant 81 : i32
        %broadcast_in_dim3A_899 = vector.broadcast %jit3A_898 : i32 to vector<16xi32>
        %select_n3A_900 = arith.select %gt3A_896, %broadcast_in_dim3A_899, %select_n3A_891 : vector<16xi1>, vector<16xi32>
        %add3A_901 = arith.constant 1 : i32
        %add3A_902 = vector.broadcast %add3A_901 : i32 to vector<16xi32>
        %add3A_903 = arith.addi %add3A_894, %add3A_902 : vector<16xi32>
        %gather3A_904 = tpu.vector_load_idx %arg6[%add3A_164, %add3A_903] : memref<96x100xf32, #tpu.memory_space<vmem>>[vector<16xi32>, vector<16xi32>], vector<16xf32>,
        %gt3A_905 = arith.cmpf ogt, %gather3A_904, %max3A_897 : vector<16xf32>
        %max3A_906 = arith.maximumf %max3A_897, %gather3A_904 : vector<16xf32>
        %jit3A_907 = arith.constant 82 : i32
        %broadcast_in_dim3A_908 = vector.broadcast %jit3A_907 : i32 to vector<16xi32>
        %select_n3A_909 = arith.select %gt3A_905, %broadcast_in_dim3A_908, %select_n3A_900 : vector<16xi1>, vector<16xi32>
        %add3A_910 = arith.constant 1 : i32
        %add3A_911 = vector.broadcast %add3A_910 : i32 to vector<16xi32>
        %add3A_912 = arith.addi %add3A_903, %add3A_911 : vector<16xi32>
        %gather3A_913 = tpu.vector_load_idx %arg6[%add3A_164, %add3A_912] : memref<96x100xf32, #tpu.memory_space<vmem>>[vector<16xi32>, vector<16xi32>], vector<16xf32>,
        %gt3A_914 = arith.cmpf ogt, %gather3A_913, %max3A_906 : vector<16xf32>
        %max3A_915 = arith.maximumf %max3A_906, %gather3A_913 : vector<16xf32>
        %jit3A_916 = arith.constant 83 : i32
        %broadcast_in_dim3A_917 = vector.broadcast %jit3A_916 : i32 to vector<16xi32>
        %select_n3A_918 = arith.select %gt3A_914, %broadcast_in_dim3A_917, %select_n3A_909 : vector<16xi1>, vector<16xi32>
        %add3A_919 = arith.constant 1 : i32
        %add3A_920 = vector.broadcast %add3A_919 : i32 to vector<16xi32>
        %add3A_921 = arith.addi %add3A_912, %add3A_920 : vector<16xi32>
        %gather3A_922 = tpu.vector_load_idx %arg6[%add3A_164, %add3A_921] : memref<96x100xf32, #tpu.memory_space<vmem>>[vector<16xi32>, vector<16xi32>], vector<16xf32>,
        %gt3A_923 = arith.cmpf ogt, %gather3A_922, %max3A_915 : vector<16xf32>
        %max3A_924 = arith.maximumf %max3A_915, %gather3A_922 : vector<16xf32>
        %jit3A_925 = arith.constant 84 : i32
        %broadcast_in_dim3A_926 = vector.broadcast %jit3A_925 : i32 to vector<16xi32>
        %select_n3A_927 = arith.select %gt3A_923, %broadcast_in_dim3A_926, %select_n3A_918 : vector<16xi1>, vector<16xi32>
        %add3A_928 = arith.constant 1 : i32
        %add3A_929 = vector.broadcast %add3A_928 : i32 to vector<16xi32>
        %add3A_930 = arith.addi %add3A_921, %add3A_929 : vector<16xi32>
        %sub3A_931 = arith.constant 100 : i32
        %sub3A_932 = vector.broadcast %sub3A_931 : i32 to vector<16xi32>
        %sub3A_933 = arith.subi %add3A_930, %sub3A_932 : vector<16xi32>
        %min3A = arith.minui %add3A_930, %sub3A_933 : vector<16xi32>
        %gather3A_934 = tpu.vector_load_idx %arg6[%add3A_164, %min3A] : memref<96x100xf32, #tpu.memory_space<vmem>>[vector<16xi32>, vector<16xi32>], vector<16xf32>,
        %gt3A_935 = arith.cmpf ogt, %gather3A_934, %max3A_924 : vector<16xf32>
        %max3A_936 = arith.maximumf %max3A_924, %gather3A_934 : vector<16xf32>
        %jit3A_937 = arith.constant 85 : i32
        %broadcast_in_dim3A_938 = vector.broadcast %jit3A_937 : i32 to vector<16xi32>
        %select_n3A_939 = arith.select %gt3A_935, %broadcast_in_dim3A_938, %select_n3A_927 : vector<16xi1>, vector<16xi32>
        %add3A_940 = arith.constant 1 : i32
        %add3A_941 = vector.broadcast %add3A_940 : i32 to vector<16xi32>
        %add3A_942 = arith.addi %add3A_930, %add3A_941 : vector<16xi32>
        %sub3A_943 = arith.constant 100 : i32
        %sub3A_944 = vector.broadcast %sub3A_943 : i32 to vector<16xi32>
        %sub3A_945 = arith.subi %add3A_942, %sub3A_944 : vector<16xi32>
        %min3A_946 = arith.minui %add3A_942, %sub3A_945 : vector<16xi32>
        %gather3A_947 = tpu.vector_load_idx %arg6[%add3A_164, %min3A_946] : memref<96x100xf32, #tpu.memory_space<vmem>>[vector<16xi32>, vector<16xi32>], vector<16xf32>,
        %gt3A_948 = arith.cmpf ogt, %gather3A_947, %max3A_936 : vector<16xf32>
        %max3A_949 = arith.maximumf %max3A_936, %gather3A_947 : vector<16xf32>
        %jit3A_950 = arith.constant 86 : i32
        %broadcast_in_dim3A_951 = vector.broadcast %jit3A_950 : i32 to vector<16xi32>
        %select_n3A_952 = arith.select %gt3A_948, %broadcast_in_dim3A_951, %select_n3A_939 : vector<16xi1>, vector<16xi32>
        %add3A_953 = arith.constant 1 : i32
        %add3A_954 = vector.broadcast %add3A_953 : i32 to vector<16xi32>
        %add3A_955 = arith.addi %add3A_942, %add3A_954 : vector<16xi32>
        %sub3A_956 = arith.constant 100 : i32
        %sub3A_957 = vector.broadcast %sub3A_956 : i32 to vector<16xi32>
        %sub3A_958 = arith.subi %add3A_955, %sub3A_957 : vector<16xi32>
        %min3A_959 = arith.minui %add3A_955, %sub3A_958 : vector<16xi32>
        %gather3A_960 = tpu.vector_load_idx %arg6[%add3A_164, %min3A_959] : memref<96x100xf32, #tpu.memory_space<vmem>>[vector<16xi32>, vector<16xi32>], vector<16xf32>,
        %gt3A_961 = arith.cmpf ogt, %gather3A_960, %max3A_949 : vector<16xf32>
        %max3A_962 = arith.maximumf %max3A_949, %gather3A_960 : vector<16xf32>
        %jit3A_963 = arith.constant 87 : i32
        %broadcast_in_dim3A_964 = vector.broadcast %jit3A_963 : i32 to vector<16xi32>
        %select_n3A_965 = arith.select %gt3A_961, %broadcast_in_dim3A_964, %select_n3A_952 : vector<16xi1>, vector<16xi32>
        %add3A_966 = arith.constant 1 : i32
        %add3A_967 = vector.broadcast %add3A_966 : i32 to vector<16xi32>
        %add3A_968 = arith.addi %add3A_955, %add3A_967 : vector<16xi32>
        %sub3A_969 = arith.constant 100 : i32
        %sub3A_970 = vector.broadcast %sub3A_969 : i32 to vector<16xi32>
        %sub3A_971 = arith.subi %add3A_968, %sub3A_970 : vector<16xi32>
        %min3A_972 = arith.minui %add3A_968, %sub3A_971 : vector<16xi32>
        %gather3A_973 = tpu.vector_load_idx %arg6[%add3A_164, %min3A_972] : memref<96x100xf32, #tpu.memory_space<vmem>>[vector<16xi32>, vector<16xi32>], vector<16xf32>,
        %gt3A_974 = arith.cmpf ogt, %gather3A_973, %max3A_962 : vector<16xf32>
        %max3A_975 = arith.maximumf %max3A_962, %gather3A_973 : vector<16xf32>
        %jit3A_976 = arith.constant 88 : i32
        %broadcast_in_dim3A_977 = vector.broadcast %jit3A_976 : i32 to vector<16xi32>
        %select_n3A_978 = arith.select %gt3A_974, %broadcast_in_dim3A_977, %select_n3A_965 : vector<16xi1>, vector<16xi32>
        %add3A_979 = arith.constant 1 : i32
        %add3A_980 = vector.broadcast %add3A_979 : i32 to vector<16xi32>
        %add3A_981 = arith.addi %add3A_968, %add3A_980 : vector<16xi32>
        %sub3A_982 = arith.constant 100 : i32
        %sub3A_983 = vector.broadcast %sub3A_982 : i32 to vector<16xi32>
        %sub3A_984 = arith.subi %add3A_981, %sub3A_983 : vector<16xi32>
        %min3A_985 = arith.minui %add3A_981, %sub3A_984 : vector<16xi32>
        %gather3A_986 = tpu.vector_load_idx %arg6[%add3A_164, %min3A_985] : memref<96x100xf32, #tpu.memory_space<vmem>>[vector<16xi32>, vector<16xi32>], vector<16xf32>,
        %gt3A_987 = arith.cmpf ogt, %gather3A_986, %max3A_975 : vector<16xf32>
        %max3A_988 = arith.maximumf %max3A_975, %gather3A_986 : vector<16xf32>
        %jit3A_989 = arith.constant 89 : i32
        %broadcast_in_dim3A_990 = vector.broadcast %jit3A_989 : i32 to vector<16xi32>
        %select_n3A_991 = arith.select %gt3A_987, %broadcast_in_dim3A_990, %select_n3A_978 : vector<16xi1>, vector<16xi32>
        %add3A_992 = arith.constant 1 : i32
        %add3A_993 = vector.broadcast %add3A_992 : i32 to vector<16xi32>
        %add3A_994 = arith.addi %add3A_981, %add3A_993 : vector<16xi32>
        %sub3A_995 = arith.constant 100 : i32
        %sub3A_996 = vector.broadcast %sub3A_995 : i32 to vector<16xi32>
        %sub3A_997 = arith.subi %add3A_994, %sub3A_996 : vector<16xi32>
        %min3A_998 = arith.minui %add3A_994, %sub3A_997 : vector<16xi32>
        %gather3A_999 = tpu.vector_load_idx %arg6[%add3A_164, %min3A_998] : memref<96x100xf32, #tpu.memory_space<vmem>>[vector<16xi32>, vector<16xi32>], vector<16xf32>,
        %gt3A_1000 = arith.cmpf ogt, %gather3A_999, %max3A_988 : vector<16xf32>
        %max3A_1001 = arith.maximumf %max3A_988, %gather3A_999 : vector<16xf32>
        %jit3A_1002 = arith.constant 90 : i32
        %broadcast_in_dim3A_1003 = vector.broadcast %jit3A_1002 : i32 to vector<16xi32>
        %select_n3A_1004 = arith.select %gt3A_1000, %broadcast_in_dim3A_1003, %select_n3A_991 : vector<16xi1>, vector<16xi32>
        %add3A_1005 = arith.constant 1 : i32
        %add3A_1006 = vector.broadcast %add3A_1005 : i32 to vector<16xi32>
        %add3A_1007 = arith.addi %add3A_994, %add3A_1006 : vector<16xi32>
        %sub3A_1008 = arith.constant 100 : i32
        %sub3A_1009 = vector.broadcast %sub3A_1008 : i32 to vector<16xi32>
        %sub3A_1010 = arith.subi %add3A_1007, %sub3A_1009 : vector<16xi32>
        %min3A_1011 = arith.minui %add3A_1007, %sub3A_1010 : vector<16xi32>
        %gather3A_1012 = tpu.vector_load_idx %arg6[%add3A_164, %min3A_1011] : memref<96x100xf32, #tpu.memory_space<vmem>>[vector<16xi32>, vector<16xi32>], vector<16xf32>,
        %gt3A_1013 = arith.cmpf ogt, %gather3A_1012, %max3A_1001 : vector<16xf32>
        %max3A_1014 = arith.maximumf %max3A_1001, %gather3A_1012 : vector<16xf32>
        %jit3A_1015 = arith.constant 91 : i32
        %broadcast_in_dim3A_1016 = vector.broadcast %jit3A_1015 : i32 to vector<16xi32>
        %select_n3A_1017 = arith.select %gt3A_1013, %broadcast_in_dim3A_1016, %select_n3A_1004 : vector<16xi1>, vector<16xi32>
        %add3A_1018 = arith.constant 1 : i32
        %add3A_1019 = vector.broadcast %add3A_1018 : i32 to vector<16xi32>
        %add3A_1020 = arith.addi %add3A_1007, %add3A_1019 : vector<16xi32>
        %sub3A_1021 = arith.constant 100 : i32
        %sub3A_1022 = vector.broadcast %sub3A_1021 : i32 to vector<16xi32>
        %sub3A_1023 = arith.subi %add3A_1020, %sub3A_1022 : vector<16xi32>
        %min3A_1024 = arith.minui %add3A_1020, %sub3A_1023 : vector<16xi32>
        %gather3A_1025 = tpu.vector_load_idx %arg6[%add3A_164, %min3A_1024] : memref<96x100xf32, #tpu.memory_space<vmem>>[vector<16xi32>, vector<16xi32>], vector<16xf32>,
        %gt3A_1026 = arith.cmpf ogt, %gather3A_1025, %max3A_1014 : vector<16xf32>
        %max3A_1027 = arith.maximumf %max3A_1014, %gather3A_1025 : vector<16xf32>
        %jit3A_1028 = arith.constant 92 : i32
        %broadcast_in_dim3A_1029 = vector.broadcast %jit3A_1028 : i32 to vector<16xi32>
        %select_n3A_1030 = arith.select %gt3A_1026, %broadcast_in_dim3A_1029, %select_n3A_1017 : vector<16xi1>, vector<16xi32>
        %add3A_1031 = arith.constant 1 : i32
        %add3A_1032 = vector.broadcast %add3A_1031 : i32 to vector<16xi32>
        %add3A_1033 = arith.addi %add3A_1020, %add3A_1032 : vector<16xi32>
        %sub3A_1034 = arith.constant 100 : i32
        %sub3A_1035 = vector.broadcast %sub3A_1034 : i32 to vector<16xi32>
        %sub3A_1036 = arith.subi %add3A_1033, %sub3A_1035 : vector<16xi32>
        %min3A_1037 = arith.minui %add3A_1033, %sub3A_1036 : vector<16xi32>
        %gather3A_1038 = tpu.vector_load_idx %arg6[%add3A_164, %min3A_1037] : memref<96x100xf32, #tpu.memory_space<vmem>>[vector<16xi32>, vector<16xi32>], vector<16xf32>,
        %gt3A_1039 = arith.cmpf ogt, %gather3A_1038, %max3A_1027 : vector<16xf32>
        %max3A_1040 = arith.maximumf %max3A_1027, %gather3A_1038 : vector<16xf32>
        %jit3A_1041 = arith.constant 93 : i32
        %broadcast_in_dim3A_1042 = vector.broadcast %jit3A_1041 : i32 to vector<16xi32>
        %select_n3A_1043 = arith.select %gt3A_1039, %broadcast_in_dim3A_1042, %select_n3A_1030 : vector<16xi1>, vector<16xi32>
        %add3A_1044 = arith.constant 1 : i32
        %add3A_1045 = vector.broadcast %add3A_1044 : i32 to vector<16xi32>
        %add3A_1046 = arith.addi %add3A_1033, %add3A_1045 : vector<16xi32>
        %sub3A_1047 = arith.constant 100 : i32
        %sub3A_1048 = vector.broadcast %sub3A_1047 : i32 to vector<16xi32>
        %sub3A_1049 = arith.subi %add3A_1046, %sub3A_1048 : vector<16xi32>
        %min3A_1050 = arith.minui %add3A_1046, %sub3A_1049 : vector<16xi32>
        %gather3A_1051 = tpu.vector_load_idx %arg6[%add3A_164, %min3A_1050] : memref<96x100xf32, #tpu.memory_space<vmem>>[vector<16xi32>, vector<16xi32>], vector<16xf32>,
        %gt3A_1052 = arith.cmpf ogt, %gather3A_1051, %max3A_1040 : vector<16xf32>
        %max3A_1053 = arith.maximumf %max3A_1040, %gather3A_1051 : vector<16xf32>
        %jit3A_1054 = arith.constant 94 : i32
        %broadcast_in_dim3A_1055 = vector.broadcast %jit3A_1054 : i32 to vector<16xi32>
        %select_n3A_1056 = arith.select %gt3A_1052, %broadcast_in_dim3A_1055, %select_n3A_1043 : vector<16xi1>, vector<16xi32>
        %add3A_1057 = arith.constant 1 : i32
        %add3A_1058 = vector.broadcast %add3A_1057 : i32 to vector<16xi32>
        %add3A_1059 = arith.addi %add3A_1046, %add3A_1058 : vector<16xi32>
        %sub3A_1060 = arith.constant 100 : i32
        %sub3A_1061 = vector.broadcast %sub3A_1060 : i32 to vector<16xi32>
        %sub3A_1062 = arith.subi %add3A_1059, %sub3A_1061 : vector<16xi32>
        %min3A_1063 = arith.minui %add3A_1059, %sub3A_1062 : vector<16xi32>
        %gather3A_1064 = tpu.vector_load_idx %arg6[%add3A_164, %min3A_1063] : memref<96x100xf32, #tpu.memory_space<vmem>>[vector<16xi32>, vector<16xi32>], vector<16xf32>,
        %gt3A_1065 = arith.cmpf ogt, %gather3A_1064, %max3A_1053 : vector<16xf32>
        %max3A_1066 = arith.maximumf %max3A_1053, %gather3A_1064 : vector<16xf32>
        %jit3A_1067 = arith.constant 95 : i32
        %broadcast_in_dim3A_1068 = vector.broadcast %jit3A_1067 : i32 to vector<16xi32>
        %select_n3A_1069 = arith.select %gt3A_1065, %broadcast_in_dim3A_1068, %select_n3A_1056 : vector<16xi1>, vector<16xi32>
        %add3A_1070 = arith.constant 1 : i32
        %add3A_1071 = vector.broadcast %add3A_1070 : i32 to vector<16xi32>
        %add3A_1072 = arith.addi %add3A_1059, %add3A_1071 : vector<16xi32>
        %sub3A_1073 = arith.constant 100 : i32
        %sub3A_1074 = vector.broadcast %sub3A_1073 : i32 to vector<16xi32>
        %sub3A_1075 = arith.subi %add3A_1072, %sub3A_1074 : vector<16xi32>
        %min3A_1076 = arith.minui %add3A_1072, %sub3A_1075 : vector<16xi32>
        %gather3A_1077 = tpu.vector_load_idx %arg6[%add3A_164, %min3A_1076] : memref<96x100xf32, #tpu.memory_space<vmem>>[vector<16xi32>, vector<16xi32>], vector<16xf32>,
        %gt3A_1078 = arith.cmpf ogt, %gather3A_1077, %max3A_1066 : vector<16xf32>
        %max3A_1079 = arith.maximumf %max3A_1066, %gather3A_1077 : vector<16xf32>
        %jit3A_1080 = arith.constant 96 : i32
        %broadcast_in_dim3A_1081 = vector.broadcast %jit3A_1080 : i32 to vector<16xi32>
        %select_n3A_1082 = arith.select %gt3A_1078, %broadcast_in_dim3A_1081, %select_n3A_1069 : vector<16xi1>, vector<16xi32>
        %add3A_1083 = arith.constant 1 : i32
        %add3A_1084 = vector.broadcast %add3A_1083 : i32 to vector<16xi32>
        %add3A_1085 = arith.addi %add3A_1072, %add3A_1084 : vector<16xi32>
        %sub3A_1086 = arith.constant 100 : i32
        %sub3A_1087 = vector.broadcast %sub3A_1086 : i32 to vector<16xi32>
        %sub3A_1088 = arith.subi %add3A_1085, %sub3A_1087 : vector<16xi32>
        %min3A_1089 = arith.minui %add3A_1085, %sub3A_1088 : vector<16xi32>
        %gather3A_1090 = tpu.vector_load_idx %arg6[%add3A_164, %min3A_1089] : memref<96x100xf32, #tpu.memory_space<vmem>>[vector<16xi32>, vector<16xi32>], vector<16xf32>,
        %gt3A_1091 = arith.cmpf ogt, %gather3A_1090, %max3A_1079 : vector<16xf32>
        %max3A_1092 = arith.maximumf %max3A_1079, %gather3A_1090 : vector<16xf32>
        %jit3A_1093 = arith.constant 97 : i32
        %broadcast_in_dim3A_1094 = vector.broadcast %jit3A_1093 : i32 to vector<16xi32>
        %select_n3A_1095 = arith.select %gt3A_1091, %broadcast_in_dim3A_1094, %select_n3A_1082 : vector<16xi1>, vector<16xi32>
        %add3A_1096 = arith.constant 1 : i32
        %add3A_1097 = vector.broadcast %add3A_1096 : i32 to vector<16xi32>
        %add3A_1098 = arith.addi %add3A_1085, %add3A_1097 : vector<16xi32>
        %sub3A_1099 = arith.constant 100 : i32
        %sub3A_1100 = vector.broadcast %sub3A_1099 : i32 to vector<16xi32>
        %sub3A_1101 = arith.subi %add3A_1098, %sub3A_1100 : vector<16xi32>
        %min3A_1102 = arith.minui %add3A_1098, %sub3A_1101 : vector<16xi32>
        %gather3A_1103 = tpu.vector_load_idx %arg6[%add3A_164, %min3A_1102] : memref<96x100xf32, #tpu.memory_space<vmem>>[vector<16xi32>, vector<16xi32>], vector<16xf32>,
        %gt3A_1104 = arith.cmpf ogt, %gather3A_1103, %max3A_1092 : vector<16xf32>
        %max3A_1105 = arith.maximumf %max3A_1092, %gather3A_1103 : vector<16xf32>
        %jit3A_1106 = arith.constant 98 : i32
        %broadcast_in_dim3A_1107 = vector.broadcast %jit3A_1106 : i32 to vector<16xi32>
        %select_n3A_1108 = arith.select %gt3A_1104, %broadcast_in_dim3A_1107, %select_n3A_1095 : vector<16xi1>, vector<16xi32>
        %add3A_1109 = arith.constant 1 : i32
        %add3A_1110 = vector.broadcast %add3A_1109 : i32 to vector<16xi32>
        %add3A_1111 = arith.addi %add3A_1098, %add3A_1110 : vector<16xi32>
        %sub3A_1112 = arith.constant 100 : i32
        %sub3A_1113 = vector.broadcast %sub3A_1112 : i32 to vector<16xi32>
        %sub3A_1114 = arith.subi %add3A_1111, %sub3A_1113 : vector<16xi32>
        %min3A_1115 = arith.minui %add3A_1111, %sub3A_1114 : vector<16xi32>
        %gather3A_1116 = tpu.vector_load_idx %arg6[%add3A_164, %min3A_1115] : memref<96x100xf32, #tpu.memory_space<vmem>>[vector<16xi32>, vector<16xi32>], vector<16xf32>,
        %gt3A_1117 = arith.cmpf ogt, %gather3A_1116, %max3A_1105 : vector<16xf32>
        %max3A_1118 = arith.maximumf %max3A_1105, %gather3A_1116 : vector<16xf32>
        %jit3A_1119 = arith.constant 99 : i32
        %broadcast_in_dim3A_1120 = vector.broadcast %jit3A_1119 : i32 to vector<16xi32>
        %select_n3A_1121 = arith.select %gt3A_1117, %broadcast_in_dim3A_1120, %select_n3A_1108 : vector<16xi1>, vector<16xi32>
        %add3A_1122 = arith.constant 1 : i32
        %add3A_1123 = vector.broadcast %add3A_1122 : i32 to vector<16xi32>
        %add3A_1124 = arith.addi %add3A_1111, %add3A_1123 : vector<16xi32>
        %add3A_1125 = arith.addi %iota3A, %select_n3A_1121 : vector<16xi32>
        %sub3A_1126 = arith.constant 100 : i32
        %sub3A_1127 = vector.broadcast %sub3A_1126 : i32 to vector<16xi32>
        %sub3A_1128 = arith.subi %add3A_1125, %sub3A_1127 : vector<16xi32>
        %min3A_1129 = arith.minui %add3A_1125, %sub3A_1128 : vector<16xi32>
        %mul3A_1130 = arith.constant 6 : i32
        %mul3A_1131 = arith.muli %add3A_43, %mul3A_1130 : i32
        %add3A_1132 = arith.addi %mul3A_1131, %scan3A_160 : i32
        %mul3A_1133 = arith.constant 16 : i32
        %mul3A_1134 = arith.muli %add3A_1132, %mul3A_1133 : i32
        %get3A = arith.index_cast %mul3A_1134 : i32 to index
        %get3A_1135 = tpu.vector_load %arg5[%get3A] {strides = array<i32>} : memref<1152xi32, #tpu.memory_space<vmem>>, vector<16xi32>,
        %mul3A_1136 = arith.constant 100 : i32
        %mul3A_1137 = vector.broadcast %mul3A_1136 : i32 to vector<16xi32>
        %mul3A_1138 = arith.muli %get3A_1135, %mul3A_1137 : vector<16xi32>
        %add3A_1139 = arith.addi %mul3A_1138, %min3A_1129 : vector<16xi32>
        %iota3A_1140 = tpu.iota {dimensions = array<i32: 0>} : vector<16xi32>
        %masked_sort3A = arith.constant dense<true> : vector<16xi1>
        %masked_sort3A_1141 = arith.constant -2147483648 : i32
        %masked_sort3A_1142 = vector.broadcast %masked_sort3A_1141 : i32 to vector<16xi32>
        %masked_sort3A_1143 = arith.xori %add3A_1139, %masked_sort3A_1142 : vector<16xi32>
        %masked_sort3A_1144, %masked_sort3A_1145, %masked_sort3A_1146 = tpu.sort %masked_sort3A_1143, %add3A_1139 masked %masked_sort3A : (vector<16xi32>, vector<16xi32>, vector<16xi1>) -> (vector<16xi1>, vector<16xi32>, vector<16xi32>)
        %masked_sort3A_1147 = arith.xori %masked_sort3A_1145, %masked_sort3A_1142 : vector<16xi32>
        %sub3A_1148 = arith.constant 1 : i32
        %sub3A_1149 = vector.broadcast %sub3A_1148 : i32 to vector<16xi32>
        %sub3A_1150 = arith.subi %iota3A_1140, %sub3A_1149 : vector<16xi32>
        %max3A_1151 = arith.constant 0 : i32
        %max3A_1152 = vector.broadcast %max3A_1151 : i32 to vector<16xi32>
        %max3A_1153 = arith.maxsi %sub3A_1150, %max3A_1152 : vector<16xi32>
        %broadcast_in_dim3A_1154 = vector.shape_cast %max3A_1153 : vector<16xi32> to vector<16x1xi32>
        %gather3A_1155 = vector.shape_cast %broadcast_in_dim3A_1154 : vector<16x1xi32> to vector<16xi32>
        %gather3A_1156 = tpu.dynamic_gather %masked_sort3A_1147[%gather3A_1155] in [0] : vector<16xi32>, vector<16xi32> -> vector<16xi32>
        %add3A_1157 = arith.constant 1 : i32
        %add3A_1158 = vector.broadcast %add3A_1157 : i32 to vector<16xi32>
        %add3A_1159 = arith.addi %iota3A_1140, %add3A_1158 : vector<16xi32>
        %min3A_1160 = arith.constant 15 : i32
        %min3A_1161 = vector.broadcast %min3A_1160 : i32 to vector<16xi32>
        %min3A_1162 = arith.minsi %add3A_1159, %min3A_1161 : vector<16xi32>
        %broadcast_in_dim3A_1163 = vector.shape_cast %min3A_1162 : vector<16xi32> to vector<16x1xi32>
        %gather3A_1164 = vector.shape_cast %broadcast_in_dim3A_1163 : vector<16x1xi32> to vector<16xi32>
        %gather3A_1165 = tpu.dynamic_gather %masked_sort3A_1147[%gather3A_1164] in [0] : vector<16xi32>, vector<16xi32> -> vector<16xi32>
        %eq3A_1166 = arith.constant 0 : i32
        %eq3A_1167 = vector.broadcast %eq3A_1166 : i32 to vector<16xi32>
        %eq3A_1168 = arith.cmpi eq, %iota3A_1140, %eq3A_1167 : vector<16xi32>
        %ne3A_1169 = arith.cmpi ne, %masked_sort3A_1147, %gather3A_1156 : vector<16xi32>
        %or3A = arith.ori %eq3A_1168, %ne3A_1169 : vector<16xi1>
        %eq3A_1170 = arith.constant 15 : i32
        %eq3A_1171 = vector.broadcast %eq3A_1170 : i32 to vector<16xi32>
        %eq3A_1172 = arith.cmpi eq, %iota3A_1140, %eq3A_1171 : vector<16xi32>
        %ne3A_1173 = arith.cmpi ne, %masked_sort3A_1147, %gather3A_1165 : vector<16xi32>
        %or3A_1174 = arith.ori %eq3A_1172, %ne3A_1173 : vector<16xi1>
        %jit3A_1175 = arith.constant 0 : i32
        %broadcast_in_dim3A_1176 = vector.broadcast %jit3A_1175 : i32 to vector<16xi32>
        %select_n3A_1177 = arith.select %or3A, %iota3A_1140, %broadcast_in_dim3A_1176 : vector<16xi1>, vector<16xi32>
        %broadcast_in_dim3A_1178 = arith.constant true
        %broadcast_in_dim3A_1179 = vector.broadcast %broadcast_in_dim3A_1178 : i1 to vector<16xi1>
        %masked_cummax3A = arith.constant -2147483648 : i32
        %masked_cummax3A_1180 = vector.broadcast %masked_cummax3A : i32 to vector<16xi32>
        %masked_cummax3A_1181 = arith.xori %select_n3A_1177, %masked_cummax3A_1180 : vector<16xi32>
        %masked_cummax3A_1182 = tpu.scan <max>, %masked_cummax3A_1181 masked %broadcast_in_dim3A_1179 : vector<16xi32>, vector<16xi1> -> vector<16xi32>
        %masked_cummax3A_1183 = arith.xori %masked_cummax3A_1182, %masked_cummax3A_1180 : vector<16xi32>
        %sub3A_1184 = arith.subi %iota3A_1140, %masked_cummax3A_1183 : vector<16xi32>
        %add3A_1185 = arith.constant 1 : i32
        %add3A_1186 = vector.broadcast %add3A_1185 : i32 to vector<16xi32>
        %add3A_1187 = arith.addi %sub3A_1184, %add3A_1186 : vector<16xi32>
        %convert_element_type3A_1188 = arith.sitofp %add3A_1187 : vector<16xi32> to vector<16xf32>
        tpu.vector_store_idx %arg8[%masked_sort3A_1147], %convert_element_type3A_1188 masked %or3A_1174 {add = true} : memref<10000xf32, #tpu.memory_space<vmem>>[vector<16xi32>], vector<16xf32>, vector<16xi1>
      }
      %scan3A_88 = arith.constant 6 : i32
      %add3A_89 = arith.constant 2 : i32
      %add3A_90 = arith.addi %add3A_43, %add3A_89 : i32
      %lt3A_91 = arith.constant 12 : i32
      %lt3A_92 = arith.cmpi slt, %add3A_90, %lt3A_91 : i32
      %convert_element_type3A = arith.extui %lt3A_92 : i1 to i32
      %cond3A = arith.constant 0 : i32
      %cond3A_93 = arith.cmpi ne, %convert_element_type3A, %cond3A : i32
      scf.if %cond3A_93 {
        %add3A_160 = arith.constant 2 : i32
        %add3A_161 = arith.addi %add3A_43, %add3A_160 : i32
        %jit3A_162 = arith.constant 6 : i32
        %div3A_163 = arith.divsi %add3A_161, %jit3A_162 : i32
        %sign3A_164 = arith.constant 0 : i32
        %sign3A_165 = arith.cmpi sgt, %add3A_161, %sign3A_164 : i32
        %sign3A_166 = arith.extui %sign3A_165 : i1 to i32
        %sign3A_167 = arith.constant 0 : i32
        %sign3A_168 = arith.cmpi slt, %add3A_161, %sign3A_167 : i32
        %sign3A_169 = arith.extui %sign3A_168 : i1 to i32
        %sign3A_170 = arith.subi %sign3A_166, %sign3A_169 : i32
        %sign3A_171 = arith.constant 0 : i32
        %sign3A_172 = arith.cmpi sgt, %jit3A_162, %sign3A_171 : i32
        %sign3A_173 = arith.extui %sign3A_172 : i1 to i32
        %sign3A_174 = arith.constant 0 : i32
        %sign3A_175 = arith.cmpi slt, %jit3A_162, %sign3A_174 : i32
        %sign3A_176 = arith.extui %sign3A_175 : i1 to i32
        %sign3A_177 = arith.subi %sign3A_173, %sign3A_176 : i32
        %ne3A_178 = arith.cmpi ne, %sign3A_170, %sign3A_177 : i32
        %rem3A_179 = arith.remsi %add3A_161, %jit3A_162 : i32
        %ne3A_180 = arith.constant 0 : i32
        %ne3A_181 = arith.cmpi ne, %rem3A_179, %ne3A_180 : i32
        %and3A_182 = arith.andi %ne3A_178, %ne3A_181 : i1
        %sub3A_183 = arith.constant 1 : i32
        %sub3A_184 = arith.subi %div3A_163, %sub3A_183 : i32
        %select_n3A_185 = arith.select %and3A_182, %sub3A_184, %div3A_163 : i32
        %add3A_186 = arith.addi %mul3A_4, %select_n3A_185 : i32
        %jit3A_187 = arith.constant 6 : i32
        %eq3A_188 = arith.constant 0 : i32
        %eq3A_189 = arith.cmpi eq, %jit3A_187, %eq3A_188 : i32
        %jit3A_190 = arith.constant 1 : i32
        %select_n3A_191 = arith.select %eq3A_189, %jit3A_190, %jit3A_187 : i32
        %rem3A_192 = arith.remsi %add3A_161, %select_n3A_191 : i32
        %ne3A_193 = arith.constant 0 : i32
        %ne3A_194 = arith.cmpi ne, %rem3A_192, %ne3A_193 : i32
        %lt3A_195 = arith.constant 0 : i32
        %lt3A_196 = arith.cmpi slt, %rem3A_192, %lt3A_195 : i32
        %lt3A_197 = arith.constant 0 : i32
        %lt3A_198 = arith.cmpi slt, %select_n3A_191, %lt3A_197 : i32
        %ne3A_199 = arith.xori %lt3A_196, %lt3A_198 : i1
        %and3A_200 = arith.andi %ne3A_199, %ne3A_194 : i1
        %add3A_201 = arith.addi %rem3A_192, %select_n3A_191 : i32
        %select_n3A_202 = arith.select %and3A_200, %add3A_201, %rem3A_192 : i32
        %mul3A_203 = arith.constant 96 : i32
        %mul3A_204 = arith.muli %select_n3A_202, %mul3A_203 : i32
        %dma_start3A_205 = arith.constant 0 : i32
        %dma_start3A_206 = tpu.memref_slice %arg2[%add3A_186, %mul3A_204, %dma_start3A_205] : memref<64x576x100xf32, #tpu.memory_space<hbm>> -> memref<1x96x100xf32, #tpu.memory_space<hbm>>
        %dma_start3A_207 = tpu.memref_squeeze %dma_start3A_206 : memref<1x96x100xf32, #tpu.memory_space<hbm>> -> memref<96x100xf32, #tpu.memory_space<hbm>>
        %dma_start3A_208 = arith.constant 0 : i32
        %dma_start3A_209 = tpu.memref_slice %arg2[%add3A_186, %mul3A_204, %dma_start3A_208] : memref<64x576x100xf32, #tpu.memory_space<hbm>> -> memref<1x96x100xf32, #tpu.memory_space<hbm>>
        %dma_start3A_210 = tpu.memref_squeeze %dma_start3A_209 : memref<1x96x100xf32, #tpu.memory_space<hbm>> -> memref<96x100xf32, #tpu.memory_space<hbm>>
        tpu.enqueue_dma source(%dma_start3A_210 : memref<96x100xf32, #tpu.memory_space<hbm>>) target(%arg6 : memref<96x100xf32, #tpu.memory_space<vmem>>) target_semaphore(%arg9 : memref<!tpu.dma_semaphore, #tpu.memory_space<semaphore_mem>>)
      } else {
      }
      %mul3A_94 = arith.constant 2 : i32
      %mul3A_95 = arith.muli %scan3A_39, %mul3A_94 : i32
      %add3A_96 = arith.constant 1 : i32
      %add3A_97 = arith.addi %mul3A_95, %add3A_96 : i32
      %jit3A_98 = arith.constant 6 : i32
      %div3A_99 = arith.divsi %add3A_97, %jit3A_98 : i32
      %sign3A_100 = arith.constant 0 : i32
      %sign3A_101 = arith.cmpi sgt, %add3A_97, %sign3A_100 : i32
      %sign3A_102 = arith.extui %sign3A_101 : i1 to i32
      %sign3A_103 = arith.constant 0 : i32
      %sign3A_104 = arith.cmpi slt, %add3A_97, %sign3A_103 : i32
      %sign3A_105 = arith.extui %sign3A_104 : i1 to i32
      %sign3A_106 = arith.subi %sign3A_102, %sign3A_105 : i32
      %sign3A_107 = arith.constant 0 : i32
      %sign3A_108 = arith.cmpi sgt, %jit3A_98, %sign3A_107 : i32
      %sign3A_109 = arith.extui %sign3A_108 : i1 to i32
      %sign3A_110 = arith.constant 0 : i32
      %sign3A_111 = arith.cmpi slt, %jit3A_98, %sign3A_110 : i32
      %sign3A_112 = arith.extui %sign3A_111 : i1 to i32
      %sign3A_113 = arith.subi %sign3A_109, %sign3A_112 : i32
      %ne3A_114 = arith.cmpi ne, %sign3A_106, %sign3A_113 : i32
      %rem3A_115 = arith.remsi %add3A_97, %jit3A_98 : i32
      %ne3A_116 = arith.constant 0 : i32
      %ne3A_117 = arith.cmpi ne, %rem3A_115, %ne3A_116 : i32
      %and3A_118 = arith.andi %ne3A_114, %ne3A_117 : i1
      %sub3A_119 = arith.constant 1 : i32
      %sub3A_120 = arith.subi %div3A_99, %sub3A_119 : i32
      %select_n3A_121 = arith.select %and3A_118, %sub3A_120, %div3A_99 : i32
      %add3A_122 = arith.addi %mul3A_4, %select_n3A_121 : i32
      %jit3A_123 = arith.constant 6 : i32
      %eq3A_124 = arith.constant 0 : i32
      %eq3A_125 = arith.cmpi eq, %jit3A_123, %eq3A_124 : i32
      %jit3A_126 = arith.constant 1 : i32
      %select_n3A_127 = arith.select %eq3A_125, %jit3A_126, %jit3A_123 : i32
      %rem3A_128 = arith.remsi %add3A_97, %select_n3A_127 : i32
      %ne3A_129 = arith.constant 0 : i32
      %ne3A_130 = arith.cmpi ne, %rem3A_128, %ne3A_129 : i32
      %lt3A_131 = arith.constant 0 : i32
      %lt3A_132 = arith.cmpi slt, %rem3A_128, %lt3A_131 : i32
      %lt3A_133 = arith.constant 0 : i32
      %lt3A_134 = arith.cmpi slt, %select_n3A_127, %lt3A_133 : i32
      %ne3A_135 = arith.xori %lt3A_132, %lt3A_134 : i1
      %and3A_136 = arith.andi %ne3A_135, %ne3A_130 : i1
      %add3A_137 = arith.addi %rem3A_128, %select_n3A_127 : i32
      %select_n3A_138 = arith.select %and3A_136, %add3A_137, %rem3A_128 : i32
      %mul3A_139 = arith.constant 96 : i32
      %mul3A_140 = arith.muli %select_n3A_138, %mul3A_139 : i32
      %dma_wait3A_141 = arith.constant 0 : i32
      %dma_wait3A_142 = tpu.memref_slice %arg2[%add3A_122, %mul3A_140, %dma_wait3A_141] : memref<64x576x100xf32, #tpu.memory_space<hbm>> -> memref<1x96x100xf32, #tpu.memory_space<hbm>>
      %dma_wait3A_143 = tpu.memref_squeeze %dma_wait3A_142 : memref<1x96x100xf32, #tpu.memory_space<hbm>> -> memref<96x100xf32, #tpu.memory_space<hbm>>
      %dma_wait3A_144 = arith.constant 0 : i32
      %dma_wait3A_145 = tpu.memref_slice %arg2[%add3A_122, %mul3A_140, %dma_wait3A_144] : memref<64x576x100xf32, #tpu.memory_space<hbm>> -> memref<1x96x100xf32, #tpu.memory_space<hbm>>
      %dma_wait3A_146 = tpu.memref_squeeze %dma_wait3A_145 : memref<1x96x100xf32, #tpu.memory_space<hbm>> -> memref<96x100xf32, #tpu.memory_space<hbm>>
      tpu.wait_dma2 semaphore(%arg10 : memref<!tpu.dma_semaphore, #tpu.memory_space<semaphore_mem>>) src(%dma_wait3A_146 : memref<96x100xf32, #tpu.memory_space<hbm>>) dst(%arg7 : memref<96x100xf32, #tpu.memory_space<vmem>>)
      %scan3A_147 = arith.constant 0 : i32
      %scan3A_148 = arith.constant 0 : i32
      %scan3A_149 = arith.constant 6 : i32
      %scan3A_150 = arith.addi %scan3A_148, %scan3A_149 : i32
      %scan3A_151 = arith.constant 1 : i32
      scf.for %scan3A_160 = %scan3A_148 to %scan3A_150 step %scan3A_151  : i32 {
        %mul3A_161 = arith.constant 16 : i32
        %mul3A_162 = arith.muli %scan3A_160, %mul3A_161 : i32
        %iota3A = tpu.iota {dimensions = array<i32: 0>} : vector<16xi32>
        %add3A_163 = vector.broadcast %mul3A_162 : i32 to vector<16xi32>
        %add3A_164 = arith.addi %iota3A, %add3A_163 : vector<16xi32>
        %broadcast_in_dim3A_165 = arith.constant 0xFF800000 : f32
        %broadcast_in_dim3A_166 = vector.broadcast %broadcast_in_dim3A_165 : f32 to vector<16xf32>
        %broadcast_in_dim3A_167 = arith.constant 0 : i32
        %broadcast_in_dim3A_168 = vector.broadcast %broadcast_in_dim3A_167 : i32 to vector<16xi32>
        %gather3A = tpu.vector_load_idx %arg7[%add3A_164, %iota3A] : memref<96x100xf32, #tpu.memory_space<vmem>>[vector<16xi32>, vector<16xi32>], vector<16xf32>,
        %gt3A = arith.cmpf ogt, %gather3A, %broadcast_in_dim3A_166 : vector<16xf32>
        %max3A = arith.maximumf %broadcast_in_dim3A_166, %gather3A : vector<16xf32>
        %jit3A_169 = arith.constant 0 : i32
        %broadcast_in_dim3A_170 = vector.broadcast %jit3A_169 : i32 to vector<16xi32>
        %select_n3A_171 = arith.select %gt3A, %broadcast_in_dim3A_170, %broadcast_in_dim3A_168 : vector<16xi1>, vector<16xi32>
        %add3A_172 = arith.constant 1 : i32
        %add3A_173 = vector.broadcast %add3A_172 : i32 to vector<16xi32>
        %add3A_174 = arith.addi %iota3A, %add3A_173 : vector<16xi32>
        %gather3A_175 = tpu.vector_load_idx %arg7[%add3A_164, %add3A_174] : memref<96x100xf32, #tpu.memory_space<vmem>>[vector<16xi32>, vector<16xi32>], vector<16xf32>,
        %gt3A_176 = arith.cmpf ogt, %gather3A_175, %max3A : vector<16xf32>
        %max3A_177 = arith.maximumf %max3A, %gather3A_175 : vector<16xf32>
        %jit3A_178 = arith.constant 1 : i32
        %broadcast_in_dim3A_179 = vector.broadcast %jit3A_178 : i32 to vector<16xi32>
        %select_n3A_180 = arith.select %gt3A_176, %broadcast_in_dim3A_179, %select_n3A_171 : vector<16xi1>, vector<16xi32>
        %add3A_181 = arith.constant 1 : i32
        %add3A_182 = vector.broadcast %add3A_181 : i32 to vector<16xi32>
        %add3A_183 = arith.addi %add3A_174, %add3A_182 : vector<16xi32>
        %gather3A_184 = tpu.vector_load_idx %arg7[%add3A_164, %add3A_183] : memref<96x100xf32, #tpu.memory_space<vmem>>[vector<16xi32>, vector<16xi32>], vector<16xf32>,
        %gt3A_185 = arith.cmpf ogt, %gather3A_184, %max3A_177 : vector<16xf32>
        %max3A_186 = arith.maximumf %max3A_177, %gather3A_184 : vector<16xf32>
        %jit3A_187 = arith.constant 2 : i32
        %broadcast_in_dim3A_188 = vector.broadcast %jit3A_187 : i32 to vector<16xi32>
        %select_n3A_189 = arith.select %gt3A_185, %broadcast_in_dim3A_188, %select_n3A_180 : vector<16xi1>, vector<16xi32>
        %add3A_190 = arith.constant 1 : i32
        %add3A_191 = vector.broadcast %add3A_190 : i32 to vector<16xi32>
        %add3A_192 = arith.addi %add3A_183, %add3A_191 : vector<16xi32>
        %gather3A_193 = tpu.vector_load_idx %arg7[%add3A_164, %add3A_192] : memref<96x100xf32, #tpu.memory_space<vmem>>[vector<16xi32>, vector<16xi32>], vector<16xf32>,
        %gt3A_194 = arith.cmpf ogt, %gather3A_193, %max3A_186 : vector<16xf32>
        %max3A_195 = arith.maximumf %max3A_186, %gather3A_193 : vector<16xf32>
        %jit3A_196 = arith.constant 3 : i32
        %broadcast_in_dim3A_197 = vector.broadcast %jit3A_196 : i32 to vector<16xi32>
        %select_n3A_198 = arith.select %gt3A_194, %broadcast_in_dim3A_197, %select_n3A_189 : vector<16xi1>, vector<16xi32>
        %add3A_199 = arith.constant 1 : i32
        %add3A_200 = vector.broadcast %add3A_199 : i32 to vector<16xi32>
        %add3A_201 = arith.addi %add3A_192, %add3A_200 : vector<16xi32>
        %gather3A_202 = tpu.vector_load_idx %arg7[%add3A_164, %add3A_201] : memref<96x100xf32, #tpu.memory_space<vmem>>[vector<16xi32>, vector<16xi32>], vector<16xf32>,
        %gt3A_203 = arith.cmpf ogt, %gather3A_202, %max3A_195 : vector<16xf32>
        %max3A_204 = arith.maximumf %max3A_195, %gather3A_202 : vector<16xf32>
        %jit3A_205 = arith.constant 4 : i32
        %broadcast_in_dim3A_206 = vector.broadcast %jit3A_205 : i32 to vector<16xi32>
        %select_n3A_207 = arith.select %gt3A_203, %broadcast_in_dim3A_206, %select_n3A_198 : vector<16xi1>, vector<16xi32>
        %add3A_208 = arith.constant 1 : i32
        %add3A_209 = vector.broadcast %add3A_208 : i32 to vector<16xi32>
        %add3A_210 = arith.addi %add3A_201, %add3A_209 : vector<16xi32>
        %gather3A_211 = tpu.vector_load_idx %arg7[%add3A_164, %add3A_210] : memref<96x100xf32, #tpu.memory_space<vmem>>[vector<16xi32>, vector<16xi32>], vector<16xf32>,
        %gt3A_212 = arith.cmpf ogt, %gather3A_211, %max3A_204 : vector<16xf32>
        %max3A_213 = arith.maximumf %max3A_204, %gather3A_211 : vector<16xf32>
        %jit3A_214 = arith.constant 5 : i32
        %broadcast_in_dim3A_215 = vector.broadcast %jit3A_214 : i32 to vector<16xi32>
        %select_n3A_216 = arith.select %gt3A_212, %broadcast_in_dim3A_215, %select_n3A_207 : vector<16xi1>, vector<16xi32>
        %add3A_217 = arith.constant 1 : i32
        %add3A_218 = vector.broadcast %add3A_217 : i32 to vector<16xi32>
        %add3A_219 = arith.addi %add3A_210, %add3A_218 : vector<16xi32>
        %gather3A_220 = tpu.vector_load_idx %arg7[%add3A_164, %add3A_219] : memref<96x100xf32, #tpu.memory_space<vmem>>[vector<16xi32>, vector<16xi32>], vector<16xf32>,
        %gt3A_221 = arith.cmpf ogt, %gather3A_220, %max3A_213 : vector<16xf32>
        %max3A_222 = arith.maximumf %max3A_213, %gather3A_220 : vector<16xf32>
        %jit3A_223 = arith.constant 6 : i32
        %broadcast_in_dim3A_224 = vector.broadcast %jit3A_223 : i32 to vector<16xi32>
        %select_n3A_225 = arith.select %gt3A_221, %broadcast_in_dim3A_224, %select_n3A_216 : vector<16xi1>, vector<16xi32>
        %add3A_226 = arith.constant 1 : i32
        %add3A_227 = vector.broadcast %add3A_226 : i32 to vector<16xi32>
        %add3A_228 = arith.addi %add3A_219, %add3A_227 : vector<16xi32>
        %gather3A_229 = tpu.vector_load_idx %arg7[%add3A_164, %add3A_228] : memref<96x100xf32, #tpu.memory_space<vmem>>[vector<16xi32>, vector<16xi32>], vector<16xf32>,
        %gt3A_230 = arith.cmpf ogt, %gather3A_229, %max3A_222 : vector<16xf32>
        %max3A_231 = arith.maximumf %max3A_222, %gather3A_229 : vector<16xf32>
        %jit3A_232 = arith.constant 7 : i32
        %broadcast_in_dim3A_233 = vector.broadcast %jit3A_232 : i32 to vector<16xi32>
        %select_n3A_234 = arith.select %gt3A_230, %broadcast_in_dim3A_233, %select_n3A_225 : vector<16xi1>, vector<16xi32>
        %add3A_235 = arith.constant 1 : i32
        %add3A_236 = vector.broadcast %add3A_235 : i32 to vector<16xi32>
        %add3A_237 = arith.addi %add3A_228, %add3A_236 : vector<16xi32>
        %gather3A_238 = tpu.vector_load_idx %arg7[%add3A_164, %add3A_237] : memref<96x100xf32, #tpu.memory_space<vmem>>[vector<16xi32>, vector<16xi32>], vector<16xf32>,
        %gt3A_239 = arith.cmpf ogt, %gather3A_238, %max3A_231 : vector<16xf32>
        %max3A_240 = arith.maximumf %max3A_231, %gather3A_238 : vector<16xf32>
        %jit3A_241 = arith.constant 8 : i32
        %broadcast_in_dim3A_242 = vector.broadcast %jit3A_241 : i32 to vector<16xi32>
        %select_n3A_243 = arith.select %gt3A_239, %broadcast_in_dim3A_242, %select_n3A_234 : vector<16xi1>, vector<16xi32>
        %add3A_244 = arith.constant 1 : i32
        %add3A_245 = vector.broadcast %add3A_244 : i32 to vector<16xi32>
        %add3A_246 = arith.addi %add3A_237, %add3A_245 : vector<16xi32>
        %gather3A_247 = tpu.vector_load_idx %arg7[%add3A_164, %add3A_246] : memref<96x100xf32, #tpu.memory_space<vmem>>[vector<16xi32>, vector<16xi32>], vector<16xf32>,
        %gt3A_248 = arith.cmpf ogt, %gather3A_247, %max3A_240 : vector<16xf32>
        %max3A_249 = arith.maximumf %max3A_240, %gather3A_247 : vector<16xf32>
        %jit3A_250 = arith.constant 9 : i32
        %broadcast_in_dim3A_251 = vector.broadcast %jit3A_250 : i32 to vector<16xi32>
        %select_n3A_252 = arith.select %gt3A_248, %broadcast_in_dim3A_251, %select_n3A_243 : vector<16xi1>, vector<16xi32>
        %add3A_253 = arith.constant 1 : i32
        %add3A_254 = vector.broadcast %add3A_253 : i32 to vector<16xi32>
        %add3A_255 = arith.addi %add3A_246, %add3A_254 : vector<16xi32>
        %gather3A_256 = tpu.vector_load_idx %arg7[%add3A_164, %add3A_255] : memref<96x100xf32, #tpu.memory_space<vmem>>[vector<16xi32>, vector<16xi32>], vector<16xf32>,
        %gt3A_257 = arith.cmpf ogt, %gather3A_256, %max3A_249 : vector<16xf32>
        %max3A_258 = arith.maximumf %max3A_249, %gather3A_256 : vector<16xf32>
        %jit3A_259 = arith.constant 10 : i32
        %broadcast_in_dim3A_260 = vector.broadcast %jit3A_259 : i32 to vector<16xi32>
        %select_n3A_261 = arith.select %gt3A_257, %broadcast_in_dim3A_260, %select_n3A_252 : vector<16xi1>, vector<16xi32>
        %add3A_262 = arith.constant 1 : i32
        %add3A_263 = vector.broadcast %add3A_262 : i32 to vector<16xi32>
        %add3A_264 = arith.addi %add3A_255, %add3A_263 : vector<16xi32>
        %gather3A_265 = tpu.vector_load_idx %arg7[%add3A_164, %add3A_264] : memref<96x100xf32, #tpu.memory_space<vmem>>[vector<16xi32>, vector<16xi32>], vector<16xf32>,
        %gt3A_266 = arith.cmpf ogt, %gather3A_265, %max3A_258 : vector<16xf32>
        %max3A_267 = arith.maximumf %max3A_258, %gather3A_265 : vector<16xf32>
        %jit3A_268 = arith.constant 11 : i32
        %broadcast_in_dim3A_269 = vector.broadcast %jit3A_268 : i32 to vector<16xi32>
        %select_n3A_270 = arith.select %gt3A_266, %broadcast_in_dim3A_269, %select_n3A_261 : vector<16xi1>, vector<16xi32>
        %add3A_271 = arith.constant 1 : i32
        %add3A_272 = vector.broadcast %add3A_271 : i32 to vector<16xi32>
        %add3A_273 = arith.addi %add3A_264, %add3A_272 : vector<16xi32>
        %gather3A_274 = tpu.vector_load_idx %arg7[%add3A_164, %add3A_273] : memref<96x100xf32, #tpu.memory_space<vmem>>[vector<16xi32>, vector<16xi32>], vector<16xf32>,
        %gt3A_275 = arith.cmpf ogt, %gather3A_274, %max3A_267 : vector<16xf32>
        %max3A_276 = arith.maximumf %max3A_267, %gather3A_274 : vector<16xf32>
        %jit3A_277 = arith.constant 12 : i32
        %broadcast_in_dim3A_278 = vector.broadcast %jit3A_277 : i32 to vector<16xi32>
        %select_n3A_279 = arith.select %gt3A_275, %broadcast_in_dim3A_278, %select_n3A_270 : vector<16xi1>, vector<16xi32>
        %add3A_280 = arith.constant 1 : i32
        %add3A_281 = vector.broadcast %add3A_280 : i32 to vector<16xi32>
        %add3A_282 = arith.addi %add3A_273, %add3A_281 : vector<16xi32>
        %gather3A_283 = tpu.vector_load_idx %arg7[%add3A_164, %add3A_282] : memref<96x100xf32, #tpu.memory_space<vmem>>[vector<16xi32>, vector<16xi32>], vector<16xf32>,
        %gt3A_284 = arith.cmpf ogt, %gather3A_283, %max3A_276 : vector<16xf32>
        %max3A_285 = arith.maximumf %max3A_276, %gather3A_283 : vector<16xf32>
        %jit3A_286 = arith.constant 13 : i32
        %broadcast_in_dim3A_287 = vector.broadcast %jit3A_286 : i32 to vector<16xi32>
        %select_n3A_288 = arith.select %gt3A_284, %broadcast_in_dim3A_287, %select_n3A_279 : vector<16xi1>, vector<16xi32>
        %add3A_289 = arith.constant 1 : i32
        %add3A_290 = vector.broadcast %add3A_289 : i32 to vector<16xi32>
        %add3A_291 = arith.addi %add3A_282, %add3A_290 : vector<16xi32>
        %gather3A_292 = tpu.vector_load_idx %arg7[%add3A_164, %add3A_291] : memref<96x100xf32, #tpu.memory_space<vmem>>[vector<16xi32>, vector<16xi32>], vector<16xf32>,
        %gt3A_293 = arith.cmpf ogt, %gather3A_292, %max3A_285 : vector<16xf32>
        %max3A_294 = arith.maximumf %max3A_285, %gather3A_292 : vector<16xf32>
        %jit3A_295 = arith.constant 14 : i32
        %broadcast_in_dim3A_296 = vector.broadcast %jit3A_295 : i32 to vector<16xi32>
        %select_n3A_297 = arith.select %gt3A_293, %broadcast_in_dim3A_296, %select_n3A_288 : vector<16xi1>, vector<16xi32>
        %add3A_298 = arith.constant 1 : i32
        %add3A_299 = vector.broadcast %add3A_298 : i32 to vector<16xi32>
        %add3A_300 = arith.addi %add3A_291, %add3A_299 : vector<16xi32>
        %gather3A_301 = tpu.vector_load_idx %arg7[%add3A_164, %add3A_300] : memref<96x100xf32, #tpu.memory_space<vmem>>[vector<16xi32>, vector<16xi32>], vector<16xf32>,
        %gt3A_302 = arith.cmpf ogt, %gather3A_301, %max3A_294 : vector<16xf32>
        %max3A_303 = arith.maximumf %max3A_294, %gather3A_301 : vector<16xf32>
        %jit3A_304 = arith.constant 15 : i32
        %broadcast_in_dim3A_305 = vector.broadcast %jit3A_304 : i32 to vector<16xi32>
        %select_n3A_306 = arith.select %gt3A_302, %broadcast_in_dim3A_305, %select_n3A_297 : vector<16xi1>, vector<16xi32>
        %add3A_307 = arith.constant 1 : i32
        %add3A_308 = vector.broadcast %add3A_307 : i32 to vector<16xi32>
        %add3A_309 = arith.addi %add3A_300, %add3A_308 : vector<16xi32>
        %gather3A_310 = tpu.vector_load_idx %arg7[%add3A_164, %add3A_309] : memref<96x100xf32, #tpu.memory_space<vmem>>[vector<16xi32>, vector<16xi32>], vector<16xf32>,
        %gt3A_311 = arith.cmpf ogt, %gather3A_310, %max3A_303 : vector<16xf32>
        %max3A_312 = arith.maximumf %max3A_303, %gather3A_310 : vector<16xf32>
        %jit3A_313 = arith.constant 16 : i32
        %broadcast_in_dim3A_314 = vector.broadcast %jit3A_313 : i32 to vector<16xi32>
        %select_n3A_315 = arith.select %gt3A_311, %broadcast_in_dim3A_314, %select_n3A_306 : vector<16xi1>, vector<16xi32>
        %add3A_316 = arith.constant 1 : i32
        %add3A_317 = vector.broadcast %add3A_316 : i32 to vector<16xi32>
        %add3A_318 = arith.addi %add3A_309, %add3A_317 : vector<16xi32>
        %gather3A_319 = tpu.vector_load_idx %arg7[%add3A_164, %add3A_318] : memref<96x100xf32, #tpu.memory_space<vmem>>[vector<16xi32>, vector<16xi32>], vector<16xf32>,
        %gt3A_320 = arith.cmpf ogt, %gather3A_319, %max3A_312 : vector<16xf32>
        %max3A_321 = arith.maximumf %max3A_312, %gather3A_319 : vector<16xf32>
        %jit3A_322 = arith.constant 17 : i32
        %broadcast_in_dim3A_323 = vector.broadcast %jit3A_322 : i32 to vector<16xi32>
        %select_n3A_324 = arith.select %gt3A_320, %broadcast_in_dim3A_323, %select_n3A_315 : vector<16xi1>, vector<16xi32>
        %add3A_325 = arith.constant 1 : i32
        %add3A_326 = vector.broadcast %add3A_325 : i32 to vector<16xi32>
        %add3A_327 = arith.addi %add3A_318, %add3A_326 : vector<16xi32>
        %gather3A_328 = tpu.vector_load_idx %arg7[%add3A_164, %add3A_327] : memref<96x100xf32, #tpu.memory_space<vmem>>[vector<16xi32>, vector<16xi32>], vector<16xf32>,
        %gt3A_329 = arith.cmpf ogt, %gather3A_328, %max3A_321 : vector<16xf32>
        %max3A_330 = arith.maximumf %max3A_321, %gather3A_328 : vector<16xf32>
        %jit3A_331 = arith.constant 18 : i32
        %broadcast_in_dim3A_332 = vector.broadcast %jit3A_331 : i32 to vector<16xi32>
        %select_n3A_333 = arith.select %gt3A_329, %broadcast_in_dim3A_332, %select_n3A_324 : vector<16xi1>, vector<16xi32>
        %add3A_334 = arith.constant 1 : i32
        %add3A_335 = vector.broadcast %add3A_334 : i32 to vector<16xi32>
        %add3A_336 = arith.addi %add3A_327, %add3A_335 : vector<16xi32>
        %gather3A_337 = tpu.vector_load_idx %arg7[%add3A_164, %add3A_336] : memref<96x100xf32, #tpu.memory_space<vmem>>[vector<16xi32>, vector<16xi32>], vector<16xf32>,
        %gt3A_338 = arith.cmpf ogt, %gather3A_337, %max3A_330 : vector<16xf32>
        %max3A_339 = arith.maximumf %max3A_330, %gather3A_337 : vector<16xf32>
        %jit3A_340 = arith.constant 19 : i32
        %broadcast_in_dim3A_341 = vector.broadcast %jit3A_340 : i32 to vector<16xi32>
        %select_n3A_342 = arith.select %gt3A_338, %broadcast_in_dim3A_341, %select_n3A_333 : vector<16xi1>, vector<16xi32>
        %add3A_343 = arith.constant 1 : i32
        %add3A_344 = vector.broadcast %add3A_343 : i32 to vector<16xi32>
        %add3A_345 = arith.addi %add3A_336, %add3A_344 : vector<16xi32>
        %gather3A_346 = tpu.vector_load_idx %arg7[%add3A_164, %add3A_345] : memref<96x100xf32, #tpu.memory_space<vmem>>[vector<16xi32>, vector<16xi32>], vector<16xf32>,
        %gt3A_347 = arith.cmpf ogt, %gather3A_346, %max3A_339 : vector<16xf32>
        %max3A_348 = arith.maximumf %max3A_339, %gather3A_346 : vector<16xf32>
        %jit3A_349 = arith.constant 20 : i32
        %broadcast_in_dim3A_350 = vector.broadcast %jit3A_349 : i32 to vector<16xi32>
        %select_n3A_351 = arith.select %gt3A_347, %broadcast_in_dim3A_350, %select_n3A_342 : vector<16xi1>, vector<16xi32>
        %add3A_352 = arith.constant 1 : i32
        %add3A_353 = vector.broadcast %add3A_352 : i32 to vector<16xi32>
        %add3A_354 = arith.addi %add3A_345, %add3A_353 : vector<16xi32>
        %gather3A_355 = tpu.vector_load_idx %arg7[%add3A_164, %add3A_354] : memref<96x100xf32, #tpu.memory_space<vmem>>[vector<16xi32>, vector<16xi32>], vector<16xf32>,
        %gt3A_356 = arith.cmpf ogt, %gather3A_355, %max3A_348 : vector<16xf32>
        %max3A_357 = arith.maximumf %max3A_348, %gather3A_355 : vector<16xf32>
        %jit3A_358 = arith.constant 21 : i32
        %broadcast_in_dim3A_359 = vector.broadcast %jit3A_358 : i32 to vector<16xi32>
        %select_n3A_360 = arith.select %gt3A_356, %broadcast_in_dim3A_359, %select_n3A_351 : vector<16xi1>, vector<16xi32>
        %add3A_361 = arith.constant 1 : i32
        %add3A_362 = vector.broadcast %add3A_361 : i32 to vector<16xi32>
        %add3A_363 = arith.addi %add3A_354, %add3A_362 : vector<16xi32>
        %gather3A_364 = tpu.vector_load_idx %arg7[%add3A_164, %add3A_363] : memref<96x100xf32, #tpu.memory_space<vmem>>[vector<16xi32>, vector<16xi32>], vector<16xf32>,
        %gt3A_365 = arith.cmpf ogt, %gather3A_364, %max3A_357 : vector<16xf32>
        %max3A_366 = arith.maximumf %max3A_357, %gather3A_364 : vector<16xf32>
        %jit3A_367 = arith.constant 22 : i32
        %broadcast_in_dim3A_368 = vector.broadcast %jit3A_367 : i32 to vector<16xi32>
        %select_n3A_369 = arith.select %gt3A_365, %broadcast_in_dim3A_368, %select_n3A_360 : vector<16xi1>, vector<16xi32>
        %add3A_370 = arith.constant 1 : i32
        %add3A_371 = vector.broadcast %add3A_370 : i32 to vector<16xi32>
        %add3A_372 = arith.addi %add3A_363, %add3A_371 : vector<16xi32>
        %gather3A_373 = tpu.vector_load_idx %arg7[%add3A_164, %add3A_372] : memref<96x100xf32, #tpu.memory_space<vmem>>[vector<16xi32>, vector<16xi32>], vector<16xf32>,
        %gt3A_374 = arith.cmpf ogt, %gather3A_373, %max3A_366 : vector<16xf32>
        %max3A_375 = arith.maximumf %max3A_366, %gather3A_373 : vector<16xf32>
        %jit3A_376 = arith.constant 23 : i32
        %broadcast_in_dim3A_377 = vector.broadcast %jit3A_376 : i32 to vector<16xi32>
        %select_n3A_378 = arith.select %gt3A_374, %broadcast_in_dim3A_377, %select_n3A_369 : vector<16xi1>, vector<16xi32>
        %add3A_379 = arith.constant 1 : i32
        %add3A_380 = vector.broadcast %add3A_379 : i32 to vector<16xi32>
        %add3A_381 = arith.addi %add3A_372, %add3A_380 : vector<16xi32>
        %gather3A_382 = tpu.vector_load_idx %arg7[%add3A_164, %add3A_381] : memref<96x100xf32, #tpu.memory_space<vmem>>[vector<16xi32>, vector<16xi32>], vector<16xf32>,
        %gt3A_383 = arith.cmpf ogt, %gather3A_382, %max3A_375 : vector<16xf32>
        %max3A_384 = arith.maximumf %max3A_375, %gather3A_382 : vector<16xf32>
        %jit3A_385 = arith.constant 24 : i32
        %broadcast_in_dim3A_386 = vector.broadcast %jit3A_385 : i32 to vector<16xi32>
        %select_n3A_387 = arith.select %gt3A_383, %broadcast_in_dim3A_386, %select_n3A_378 : vector<16xi1>, vector<16xi32>
        %add3A_388 = arith.constant 1 : i32
        %add3A_389 = vector.broadcast %add3A_388 : i32 to vector<16xi32>
        %add3A_390 = arith.addi %add3A_381, %add3A_389 : vector<16xi32>
        %gather3A_391 = tpu.vector_load_idx %arg7[%add3A_164, %add3A_390] : memref<96x100xf32, #tpu.memory_space<vmem>>[vector<16xi32>, vector<16xi32>], vector<16xf32>,
        %gt3A_392 = arith.cmpf ogt, %gather3A_391, %max3A_384 : vector<16xf32>
        %max3A_393 = arith.maximumf %max3A_384, %gather3A_391 : vector<16xf32>
        %jit3A_394 = arith.constant 25 : i32
        %broadcast_in_dim3A_395 = vector.broadcast %jit3A_394 : i32 to vector<16xi32>
        %select_n3A_396 = arith.select %gt3A_392, %broadcast_in_dim3A_395, %select_n3A_387 : vector<16xi1>, vector<16xi32>
        %add3A_397 = arith.constant 1 : i32
        %add3A_398 = vector.broadcast %add3A_397 : i32 to vector<16xi32>
        %add3A_399 = arith.addi %add3A_390, %add3A_398 : vector<16xi32>
        %gather3A_400 = tpu.vector_load_idx %arg7[%add3A_164, %add3A_399] : memref<96x100xf32, #tpu.memory_space<vmem>>[vector<16xi32>, vector<16xi32>], vector<16xf32>,
        %gt3A_401 = arith.cmpf ogt, %gather3A_400, %max3A_393 : vector<16xf32>
        %max3A_402 = arith.maximumf %max3A_393, %gather3A_400 : vector<16xf32>
        %jit3A_403 = arith.constant 26 : i32
        %broadcast_in_dim3A_404 = vector.broadcast %jit3A_403 : i32 to vector<16xi32>
        %select_n3A_405 = arith.select %gt3A_401, %broadcast_in_dim3A_404, %select_n3A_396 : vector<16xi1>, vector<16xi32>
        %add3A_406 = arith.constant 1 : i32
        %add3A_407 = vector.broadcast %add3A_406 : i32 to vector<16xi32>
        %add3A_408 = arith.addi %add3A_399, %add3A_407 : vector<16xi32>
        %gather3A_409 = tpu.vector_load_idx %arg7[%add3A_164, %add3A_408] : memref<96x100xf32, #tpu.memory_space<vmem>>[vector<16xi32>, vector<16xi32>], vector<16xf32>,
        %gt3A_410 = arith.cmpf ogt, %gather3A_409, %max3A_402 : vector<16xf32>
        %max3A_411 = arith.maximumf %max3A_402, %gather3A_409 : vector<16xf32>
        %jit3A_412 = arith.constant 27 : i32
        %broadcast_in_dim3A_413 = vector.broadcast %jit3A_412 : i32 to vector<16xi32>
        %select_n3A_414 = arith.select %gt3A_410, %broadcast_in_dim3A_413, %select_n3A_405 : vector<16xi1>, vector<16xi32>
        %add3A_415 = arith.constant 1 : i32
        %add3A_416 = vector.broadcast %add3A_415 : i32 to vector<16xi32>
        %add3A_417 = arith.addi %add3A_408, %add3A_416 : vector<16xi32>
        %gather3A_418 = tpu.vector_load_idx %arg7[%add3A_164, %add3A_417] : memref<96x100xf32, #tpu.memory_space<vmem>>[vector<16xi32>, vector<16xi32>], vector<16xf32>,
        %gt3A_419 = arith.cmpf ogt, %gather3A_418, %max3A_411 : vector<16xf32>
        %max3A_420 = arith.maximumf %max3A_411, %gather3A_418 : vector<16xf32>
        %jit3A_421 = arith.constant 28 : i32
        %broadcast_in_dim3A_422 = vector.broadcast %jit3A_421 : i32 to vector<16xi32>
        %select_n3A_423 = arith.select %gt3A_419, %broadcast_in_dim3A_422, %select_n3A_414 : vector<16xi1>, vector<16xi32>
        %add3A_424 = arith.constant 1 : i32
        %add3A_425 = vector.broadcast %add3A_424 : i32 to vector<16xi32>
        %add3A_426 = arith.addi %add3A_417, %add3A_425 : vector<16xi32>
        %gather3A_427 = tpu.vector_load_idx %arg7[%add3A_164, %add3A_426] : memref<96x100xf32, #tpu.memory_space<vmem>>[vector<16xi32>, vector<16xi32>], vector<16xf32>,
        %gt3A_428 = arith.cmpf ogt, %gather3A_427, %max3A_420 : vector<16xf32>
        %max3A_429 = arith.maximumf %max3A_420, %gather3A_427 : vector<16xf32>
        %jit3A_430 = arith.constant 29 : i32
        %broadcast_in_dim3A_431 = vector.broadcast %jit3A_430 : i32 to vector<16xi32>
        %select_n3A_432 = arith.select %gt3A_428, %broadcast_in_dim3A_431, %select_n3A_423 : vector<16xi1>, vector<16xi32>
        %add3A_433 = arith.constant 1 : i32
        %add3A_434 = vector.broadcast %add3A_433 : i32 to vector<16xi32>
        %add3A_435 = arith.addi %add3A_426, %add3A_434 : vector<16xi32>
        %gather3A_436 = tpu.vector_load_idx %arg7[%add3A_164, %add3A_435] : memref<96x100xf32, #tpu.memory_space<vmem>>[vector<16xi32>, vector<16xi32>], vector<16xf32>,
        %gt3A_437 = arith.cmpf ogt, %gather3A_436, %max3A_429 : vector<16xf32>
        %max3A_438 = arith.maximumf %max3A_429, %gather3A_436 : vector<16xf32>
        %jit3A_439 = arith.constant 30 : i32
        %broadcast_in_dim3A_440 = vector.broadcast %jit3A_439 : i32 to vector<16xi32>
        %select_n3A_441 = arith.select %gt3A_437, %broadcast_in_dim3A_440, %select_n3A_432 : vector<16xi1>, vector<16xi32>
        %add3A_442 = arith.constant 1 : i32
        %add3A_443 = vector.broadcast %add3A_442 : i32 to vector<16xi32>
        %add3A_444 = arith.addi %add3A_435, %add3A_443 : vector<16xi32>
        %gather3A_445 = tpu.vector_load_idx %arg7[%add3A_164, %add3A_444] : memref<96x100xf32, #tpu.memory_space<vmem>>[vector<16xi32>, vector<16xi32>], vector<16xf32>,
        %gt3A_446 = arith.cmpf ogt, %gather3A_445, %max3A_438 : vector<16xf32>
        %max3A_447 = arith.maximumf %max3A_438, %gather3A_445 : vector<16xf32>
        %jit3A_448 = arith.constant 31 : i32
        %broadcast_in_dim3A_449 = vector.broadcast %jit3A_448 : i32 to vector<16xi32>
        %select_n3A_450 = arith.select %gt3A_446, %broadcast_in_dim3A_449, %select_n3A_441 : vector<16xi1>, vector<16xi32>
        %add3A_451 = arith.constant 1 : i32
        %add3A_452 = vector.broadcast %add3A_451 : i32 to vector<16xi32>
        %add3A_453 = arith.addi %add3A_444, %add3A_452 : vector<16xi32>
        %gather3A_454 = tpu.vector_load_idx %arg7[%add3A_164, %add3A_453] : memref<96x100xf32, #tpu.memory_space<vmem>>[vector<16xi32>, vector<16xi32>], vector<16xf32>,
        %gt3A_455 = arith.cmpf ogt, %gather3A_454, %max3A_447 : vector<16xf32>
        %max3A_456 = arith.maximumf %max3A_447, %gather3A_454 : vector<16xf32>
        %jit3A_457 = arith.constant 32 : i32
        %broadcast_in_dim3A_458 = vector.broadcast %jit3A_457 : i32 to vector<16xi32>
        %select_n3A_459 = arith.select %gt3A_455, %broadcast_in_dim3A_458, %select_n3A_450 : vector<16xi1>, vector<16xi32>
        %add3A_460 = arith.constant 1 : i32
        %add3A_461 = vector.broadcast %add3A_460 : i32 to vector<16xi32>
        %add3A_462 = arith.addi %add3A_453, %add3A_461 : vector<16xi32>
        %gather3A_463 = tpu.vector_load_idx %arg7[%add3A_164, %add3A_462] : memref<96x100xf32, #tpu.memory_space<vmem>>[vector<16xi32>, vector<16xi32>], vector<16xf32>,
        %gt3A_464 = arith.cmpf ogt, %gather3A_463, %max3A_456 : vector<16xf32>
        %max3A_465 = arith.maximumf %max3A_456, %gather3A_463 : vector<16xf32>
        %jit3A_466 = arith.constant 33 : i32
        %broadcast_in_dim3A_467 = vector.broadcast %jit3A_466 : i32 to vector<16xi32>
        %select_n3A_468 = arith.select %gt3A_464, %broadcast_in_dim3A_467, %select_n3A_459 : vector<16xi1>, vector<16xi32>
        %add3A_469 = arith.constant 1 : i32
        %add3A_470 = vector.broadcast %add3A_469 : i32 to vector<16xi32>
        %add3A_471 = arith.addi %add3A_462, %add3A_470 : vector<16xi32>
        %gather3A_472 = tpu.vector_load_idx %arg7[%add3A_164, %add3A_471] : memref<96x100xf32, #tpu.memory_space<vmem>>[vector<16xi32>, vector<16xi32>], vector<16xf32>,
        %gt3A_473 = arith.cmpf ogt, %gather3A_472, %max3A_465 : vector<16xf32>
        %max3A_474 = arith.maximumf %max3A_465, %gather3A_472 : vector<16xf32>
        %jit3A_475 = arith.constant 34 : i32
        %broadcast_in_dim3A_476 = vector.broadcast %jit3A_475 : i32 to vector<16xi32>
        %select_n3A_477 = arith.select %gt3A_473, %broadcast_in_dim3A_476, %select_n3A_468 : vector<16xi1>, vector<16xi32>
        %add3A_478 = arith.constant 1 : i32
        %add3A_479 = vector.broadcast %add3A_478 : i32 to vector<16xi32>
        %add3A_480 = arith.addi %add3A_471, %add3A_479 : vector<16xi32>
        %gather3A_481 = tpu.vector_load_idx %arg7[%add3A_164, %add3A_480] : memref<96x100xf32, #tpu.memory_space<vmem>>[vector<16xi32>, vector<16xi32>], vector<16xf32>,
        %gt3A_482 = arith.cmpf ogt, %gather3A_481, %max3A_474 : vector<16xf32>
        %max3A_483 = arith.maximumf %max3A_474, %gather3A_481 : vector<16xf32>
        %jit3A_484 = arith.constant 35 : i32
        %broadcast_in_dim3A_485 = vector.broadcast %jit3A_484 : i32 to vector<16xi32>
        %select_n3A_486 = arith.select %gt3A_482, %broadcast_in_dim3A_485, %select_n3A_477 : vector<16xi1>, vector<16xi32>
        %add3A_487 = arith.constant 1 : i32
        %add3A_488 = vector.broadcast %add3A_487 : i32 to vector<16xi32>
        %add3A_489 = arith.addi %add3A_480, %add3A_488 : vector<16xi32>
        %gather3A_490 = tpu.vector_load_idx %arg7[%add3A_164, %add3A_489] : memref<96x100xf32, #tpu.memory_space<vmem>>[vector<16xi32>, vector<16xi32>], vector<16xf32>,
        %gt3A_491 = arith.cmpf ogt, %gather3A_490, %max3A_483 : vector<16xf32>
        %max3A_492 = arith.maximumf %max3A_483, %gather3A_490 : vector<16xf32>
        %jit3A_493 = arith.constant 36 : i32
        %broadcast_in_dim3A_494 = vector.broadcast %jit3A_493 : i32 to vector<16xi32>
        %select_n3A_495 = arith.select %gt3A_491, %broadcast_in_dim3A_494, %select_n3A_486 : vector<16xi1>, vector<16xi32>
        %add3A_496 = arith.constant 1 : i32
        %add3A_497 = vector.broadcast %add3A_496 : i32 to vector<16xi32>
        %add3A_498 = arith.addi %add3A_489, %add3A_497 : vector<16xi32>
        %gather3A_499 = tpu.vector_load_idx %arg7[%add3A_164, %add3A_498] : memref<96x100xf32, #tpu.memory_space<vmem>>[vector<16xi32>, vector<16xi32>], vector<16xf32>,
        %gt3A_500 = arith.cmpf ogt, %gather3A_499, %max3A_492 : vector<16xf32>
        %max3A_501 = arith.maximumf %max3A_492, %gather3A_499 : vector<16xf32>
        %jit3A_502 = arith.constant 37 : i32
        %broadcast_in_dim3A_503 = vector.broadcast %jit3A_502 : i32 to vector<16xi32>
        %select_n3A_504 = arith.select %gt3A_500, %broadcast_in_dim3A_503, %select_n3A_495 : vector<16xi1>, vector<16xi32>
        %add3A_505 = arith.constant 1 : i32
        %add3A_506 = vector.broadcast %add3A_505 : i32 to vector<16xi32>
        %add3A_507 = arith.addi %add3A_498, %add3A_506 : vector<16xi32>
        %gather3A_508 = tpu.vector_load_idx %arg7[%add3A_164, %add3A_507] : memref<96x100xf32, #tpu.memory_space<vmem>>[vector<16xi32>, vector<16xi32>], vector<16xf32>,
        %gt3A_509 = arith.cmpf ogt, %gather3A_508, %max3A_501 : vector<16xf32>
        %max3A_510 = arith.maximumf %max3A_501, %gather3A_508 : vector<16xf32>
        %jit3A_511 = arith.constant 38 : i32
        %broadcast_in_dim3A_512 = vector.broadcast %jit3A_511 : i32 to vector<16xi32>
        %select_n3A_513 = arith.select %gt3A_509, %broadcast_in_dim3A_512, %select_n3A_504 : vector<16xi1>, vector<16xi32>
        %add3A_514 = arith.constant 1 : i32
        %add3A_515 = vector.broadcast %add3A_514 : i32 to vector<16xi32>
        %add3A_516 = arith.addi %add3A_507, %add3A_515 : vector<16xi32>
        %gather3A_517 = tpu.vector_load_idx %arg7[%add3A_164, %add3A_516] : memref<96x100xf32, #tpu.memory_space<vmem>>[vector<16xi32>, vector<16xi32>], vector<16xf32>,
        %gt3A_518 = arith.cmpf ogt, %gather3A_517, %max3A_510 : vector<16xf32>
        %max3A_519 = arith.maximumf %max3A_510, %gather3A_517 : vector<16xf32>
        %jit3A_520 = arith.constant 39 : i32
        %broadcast_in_dim3A_521 = vector.broadcast %jit3A_520 : i32 to vector<16xi32>
        %select_n3A_522 = arith.select %gt3A_518, %broadcast_in_dim3A_521, %select_n3A_513 : vector<16xi1>, vector<16xi32>
        %add3A_523 = arith.constant 1 : i32
        %add3A_524 = vector.broadcast %add3A_523 : i32 to vector<16xi32>
        %add3A_525 = arith.addi %add3A_516, %add3A_524 : vector<16xi32>
        %gather3A_526 = tpu.vector_load_idx %arg7[%add3A_164, %add3A_525] : memref<96x100xf32, #tpu.memory_space<vmem>>[vector<16xi32>, vector<16xi32>], vector<16xf32>,
        %gt3A_527 = arith.cmpf ogt, %gather3A_526, %max3A_519 : vector<16xf32>
        %max3A_528 = arith.maximumf %max3A_519, %gather3A_526 : vector<16xf32>
        %jit3A_529 = arith.constant 40 : i32
        %broadcast_in_dim3A_530 = vector.broadcast %jit3A_529 : i32 to vector<16xi32>
        %select_n3A_531 = arith.select %gt3A_527, %broadcast_in_dim3A_530, %select_n3A_522 : vector<16xi1>, vector<16xi32>
        %add3A_532 = arith.constant 1 : i32
        %add3A_533 = vector.broadcast %add3A_532 : i32 to vector<16xi32>
        %add3A_534 = arith.addi %add3A_525, %add3A_533 : vector<16xi32>
        %gather3A_535 = tpu.vector_load_idx %arg7[%add3A_164, %add3A_534] : memref<96x100xf32, #tpu.memory_space<vmem>>[vector<16xi32>, vector<16xi32>], vector<16xf32>,
        %gt3A_536 = arith.cmpf ogt, %gather3A_535, %max3A_528 : vector<16xf32>
        %max3A_537 = arith.maximumf %max3A_528, %gather3A_535 : vector<16xf32>
        %jit3A_538 = arith.constant 41 : i32
        %broadcast_in_dim3A_539 = vector.broadcast %jit3A_538 : i32 to vector<16xi32>
        %select_n3A_540 = arith.select %gt3A_536, %broadcast_in_dim3A_539, %select_n3A_531 : vector<16xi1>, vector<16xi32>
        %add3A_541 = arith.constant 1 : i32
        %add3A_542 = vector.broadcast %add3A_541 : i32 to vector<16xi32>
        %add3A_543 = arith.addi %add3A_534, %add3A_542 : vector<16xi32>
        %gather3A_544 = tpu.vector_load_idx %arg7[%add3A_164, %add3A_543] : memref<96x100xf32, #tpu.memory_space<vmem>>[vector<16xi32>, vector<16xi32>], vector<16xf32>,
        %gt3A_545 = arith.cmpf ogt, %gather3A_544, %max3A_537 : vector<16xf32>
        %max3A_546 = arith.maximumf %max3A_537, %gather3A_544 : vector<16xf32>
        %jit3A_547 = arith.constant 42 : i32
        %broadcast_in_dim3A_548 = vector.broadcast %jit3A_547 : i32 to vector<16xi32>
        %select_n3A_549 = arith.select %gt3A_545, %broadcast_in_dim3A_548, %select_n3A_540 : vector<16xi1>, vector<16xi32>
        %add3A_550 = arith.constant 1 : i32
        %add3A_551 = vector.broadcast %add3A_550 : i32 to vector<16xi32>
        %add3A_552 = arith.addi %add3A_543, %add3A_551 : vector<16xi32>
        %gather3A_553 = tpu.vector_load_idx %arg7[%add3A_164, %add3A_552] : memref<96x100xf32, #tpu.memory_space<vmem>>[vector<16xi32>, vector<16xi32>], vector<16xf32>,
        %gt3A_554 = arith.cmpf ogt, %gather3A_553, %max3A_546 : vector<16xf32>
        %max3A_555 = arith.maximumf %max3A_546, %gather3A_553 : vector<16xf32>
        %jit3A_556 = arith.constant 43 : i32
        %broadcast_in_dim3A_557 = vector.broadcast %jit3A_556 : i32 to vector<16xi32>
        %select_n3A_558 = arith.select %gt3A_554, %broadcast_in_dim3A_557, %select_n3A_549 : vector<16xi1>, vector<16xi32>
        %add3A_559 = arith.constant 1 : i32
        %add3A_560 = vector.broadcast %add3A_559 : i32 to vector<16xi32>
        %add3A_561 = arith.addi %add3A_552, %add3A_560 : vector<16xi32>
        %gather3A_562 = tpu.vector_load_idx %arg7[%add3A_164, %add3A_561] : memref<96x100xf32, #tpu.memory_space<vmem>>[vector<16xi32>, vector<16xi32>], vector<16xf32>,
        %gt3A_563 = arith.cmpf ogt, %gather3A_562, %max3A_555 : vector<16xf32>
        %max3A_564 = arith.maximumf %max3A_555, %gather3A_562 : vector<16xf32>
        %jit3A_565 = arith.constant 44 : i32
        %broadcast_in_dim3A_566 = vector.broadcast %jit3A_565 : i32 to vector<16xi32>
        %select_n3A_567 = arith.select %gt3A_563, %broadcast_in_dim3A_566, %select_n3A_558 : vector<16xi1>, vector<16xi32>
        %add3A_568 = arith.constant 1 : i32
        %add3A_569 = vector.broadcast %add3A_568 : i32 to vector<16xi32>
        %add3A_570 = arith.addi %add3A_561, %add3A_569 : vector<16xi32>
        %gather3A_571 = tpu.vector_load_idx %arg7[%add3A_164, %add3A_570] : memref<96x100xf32, #tpu.memory_space<vmem>>[vector<16xi32>, vector<16xi32>], vector<16xf32>,
        %gt3A_572 = arith.cmpf ogt, %gather3A_571, %max3A_564 : vector<16xf32>
        %max3A_573 = arith.maximumf %max3A_564, %gather3A_571 : vector<16xf32>
        %jit3A_574 = arith.constant 45 : i32
        %broadcast_in_dim3A_575 = vector.broadcast %jit3A_574 : i32 to vector<16xi32>
        %select_n3A_576 = arith.select %gt3A_572, %broadcast_in_dim3A_575, %select_n3A_567 : vector<16xi1>, vector<16xi32>
        %add3A_577 = arith.constant 1 : i32
        %add3A_578 = vector.broadcast %add3A_577 : i32 to vector<16xi32>
        %add3A_579 = arith.addi %add3A_570, %add3A_578 : vector<16xi32>
        %gather3A_580 = tpu.vector_load_idx %arg7[%add3A_164, %add3A_579] : memref<96x100xf32, #tpu.memory_space<vmem>>[vector<16xi32>, vector<16xi32>], vector<16xf32>,
        %gt3A_581 = arith.cmpf ogt, %gather3A_580, %max3A_573 : vector<16xf32>
        %max3A_582 = arith.maximumf %max3A_573, %gather3A_580 : vector<16xf32>
        %jit3A_583 = arith.constant 46 : i32
        %broadcast_in_dim3A_584 = vector.broadcast %jit3A_583 : i32 to vector<16xi32>
        %select_n3A_585 = arith.select %gt3A_581, %broadcast_in_dim3A_584, %select_n3A_576 : vector<16xi1>, vector<16xi32>
        %add3A_586 = arith.constant 1 : i32
        %add3A_587 = vector.broadcast %add3A_586 : i32 to vector<16xi32>
        %add3A_588 = arith.addi %add3A_579, %add3A_587 : vector<16xi32>
        %gather3A_589 = tpu.vector_load_idx %arg7[%add3A_164, %add3A_588] : memref<96x100xf32, #tpu.memory_space<vmem>>[vector<16xi32>, vector<16xi32>], vector<16xf32>,
        %gt3A_590 = arith.cmpf ogt, %gather3A_589, %max3A_582 : vector<16xf32>
        %max3A_591 = arith.maximumf %max3A_582, %gather3A_589 : vector<16xf32>
        %jit3A_592 = arith.constant 47 : i32
        %broadcast_in_dim3A_593 = vector.broadcast %jit3A_592 : i32 to vector<16xi32>
        %select_n3A_594 = arith.select %gt3A_590, %broadcast_in_dim3A_593, %select_n3A_585 : vector<16xi1>, vector<16xi32>
        %add3A_595 = arith.constant 1 : i32
        %add3A_596 = vector.broadcast %add3A_595 : i32 to vector<16xi32>
        %add3A_597 = arith.addi %add3A_588, %add3A_596 : vector<16xi32>
        %gather3A_598 = tpu.vector_load_idx %arg7[%add3A_164, %add3A_597] : memref<96x100xf32, #tpu.memory_space<vmem>>[vector<16xi32>, vector<16xi32>], vector<16xf32>,
        %gt3A_599 = arith.cmpf ogt, %gather3A_598, %max3A_591 : vector<16xf32>
        %max3A_600 = arith.maximumf %max3A_591, %gather3A_598 : vector<16xf32>
        %jit3A_601 = arith.constant 48 : i32
        %broadcast_in_dim3A_602 = vector.broadcast %jit3A_601 : i32 to vector<16xi32>
        %select_n3A_603 = arith.select %gt3A_599, %broadcast_in_dim3A_602, %select_n3A_594 : vector<16xi1>, vector<16xi32>
        %add3A_604 = arith.constant 1 : i32
        %add3A_605 = vector.broadcast %add3A_604 : i32 to vector<16xi32>
        %add3A_606 = arith.addi %add3A_597, %add3A_605 : vector<16xi32>
        %gather3A_607 = tpu.vector_load_idx %arg7[%add3A_164, %add3A_606] : memref<96x100xf32, #tpu.memory_space<vmem>>[vector<16xi32>, vector<16xi32>], vector<16xf32>,
        %gt3A_608 = arith.cmpf ogt, %gather3A_607, %max3A_600 : vector<16xf32>
        %max3A_609 = arith.maximumf %max3A_600, %gather3A_607 : vector<16xf32>
        %jit3A_610 = arith.constant 49 : i32
        %broadcast_in_dim3A_611 = vector.broadcast %jit3A_610 : i32 to vector<16xi32>
        %select_n3A_612 = arith.select %gt3A_608, %broadcast_in_dim3A_611, %select_n3A_603 : vector<16xi1>, vector<16xi32>
        %add3A_613 = arith.constant 1 : i32
        %add3A_614 = vector.broadcast %add3A_613 : i32 to vector<16xi32>
        %add3A_615 = arith.addi %add3A_606, %add3A_614 : vector<16xi32>
        %gather3A_616 = tpu.vector_load_idx %arg7[%add3A_164, %add3A_615] : memref<96x100xf32, #tpu.memory_space<vmem>>[vector<16xi32>, vector<16xi32>], vector<16xf32>,
        %gt3A_617 = arith.cmpf ogt, %gather3A_616, %max3A_609 : vector<16xf32>
        %max3A_618 = arith.maximumf %max3A_609, %gather3A_616 : vector<16xf32>
        %jit3A_619 = arith.constant 50 : i32
        %broadcast_in_dim3A_620 = vector.broadcast %jit3A_619 : i32 to vector<16xi32>
        %select_n3A_621 = arith.select %gt3A_617, %broadcast_in_dim3A_620, %select_n3A_612 : vector<16xi1>, vector<16xi32>
        %add3A_622 = arith.constant 1 : i32
        %add3A_623 = vector.broadcast %add3A_622 : i32 to vector<16xi32>
        %add3A_624 = arith.addi %add3A_615, %add3A_623 : vector<16xi32>
        %gather3A_625 = tpu.vector_load_idx %arg7[%add3A_164, %add3A_624] : memref<96x100xf32, #tpu.memory_space<vmem>>[vector<16xi32>, vector<16xi32>], vector<16xf32>,
        %gt3A_626 = arith.cmpf ogt, %gather3A_625, %max3A_618 : vector<16xf32>
        %max3A_627 = arith.maximumf %max3A_618, %gather3A_625 : vector<16xf32>
        %jit3A_628 = arith.constant 51 : i32
        %broadcast_in_dim3A_629 = vector.broadcast %jit3A_628 : i32 to vector<16xi32>
        %select_n3A_630 = arith.select %gt3A_626, %broadcast_in_dim3A_629, %select_n3A_621 : vector<16xi1>, vector<16xi32>
        %add3A_631 = arith.constant 1 : i32
        %add3A_632 = vector.broadcast %add3A_631 : i32 to vector<16xi32>
        %add3A_633 = arith.addi %add3A_624, %add3A_632 : vector<16xi32>
        %gather3A_634 = tpu.vector_load_idx %arg7[%add3A_164, %add3A_633] : memref<96x100xf32, #tpu.memory_space<vmem>>[vector<16xi32>, vector<16xi32>], vector<16xf32>,
        %gt3A_635 = arith.cmpf ogt, %gather3A_634, %max3A_627 : vector<16xf32>
        %max3A_636 = arith.maximumf %max3A_627, %gather3A_634 : vector<16xf32>
        %jit3A_637 = arith.constant 52 : i32
        %broadcast_in_dim3A_638 = vector.broadcast %jit3A_637 : i32 to vector<16xi32>
        %select_n3A_639 = arith.select %gt3A_635, %broadcast_in_dim3A_638, %select_n3A_630 : vector<16xi1>, vector<16xi32>
        %add3A_640 = arith.constant 1 : i32
        %add3A_641 = vector.broadcast %add3A_640 : i32 to vector<16xi32>
        %add3A_642 = arith.addi %add3A_633, %add3A_641 : vector<16xi32>
        %gather3A_643 = tpu.vector_load_idx %arg7[%add3A_164, %add3A_642] : memref<96x100xf32, #tpu.memory_space<vmem>>[vector<16xi32>, vector<16xi32>], vector<16xf32>,
        %gt3A_644 = arith.cmpf ogt, %gather3A_643, %max3A_636 : vector<16xf32>
        %max3A_645 = arith.maximumf %max3A_636, %gather3A_643 : vector<16xf32>
        %jit3A_646 = arith.constant 53 : i32
        %broadcast_in_dim3A_647 = vector.broadcast %jit3A_646 : i32 to vector<16xi32>
        %select_n3A_648 = arith.select %gt3A_644, %broadcast_in_dim3A_647, %select_n3A_639 : vector<16xi1>, vector<16xi32>
        %add3A_649 = arith.constant 1 : i32
        %add3A_650 = vector.broadcast %add3A_649 : i32 to vector<16xi32>
        %add3A_651 = arith.addi %add3A_642, %add3A_650 : vector<16xi32>
        %gather3A_652 = tpu.vector_load_idx %arg7[%add3A_164, %add3A_651] : memref<96x100xf32, #tpu.memory_space<vmem>>[vector<16xi32>, vector<16xi32>], vector<16xf32>,
        %gt3A_653 = arith.cmpf ogt, %gather3A_652, %max3A_645 : vector<16xf32>
        %max3A_654 = arith.maximumf %max3A_645, %gather3A_652 : vector<16xf32>
        %jit3A_655 = arith.constant 54 : i32
        %broadcast_in_dim3A_656 = vector.broadcast %jit3A_655 : i32 to vector<16xi32>
        %select_n3A_657 = arith.select %gt3A_653, %broadcast_in_dim3A_656, %select_n3A_648 : vector<16xi1>, vector<16xi32>
        %add3A_658 = arith.constant 1 : i32
        %add3A_659 = vector.broadcast %add3A_658 : i32 to vector<16xi32>
        %add3A_660 = arith.addi %add3A_651, %add3A_659 : vector<16xi32>
        %gather3A_661 = tpu.vector_load_idx %arg7[%add3A_164, %add3A_660] : memref<96x100xf32, #tpu.memory_space<vmem>>[vector<16xi32>, vector<16xi32>], vector<16xf32>,
        %gt3A_662 = arith.cmpf ogt, %gather3A_661, %max3A_654 : vector<16xf32>
        %max3A_663 = arith.maximumf %max3A_654, %gather3A_661 : vector<16xf32>
        %jit3A_664 = arith.constant 55 : i32
        %broadcast_in_dim3A_665 = vector.broadcast %jit3A_664 : i32 to vector<16xi32>
        %select_n3A_666 = arith.select %gt3A_662, %broadcast_in_dim3A_665, %select_n3A_657 : vector<16xi1>, vector<16xi32>
        %add3A_667 = arith.constant 1 : i32
        %add3A_668 = vector.broadcast %add3A_667 : i32 to vector<16xi32>
        %add3A_669 = arith.addi %add3A_660, %add3A_668 : vector<16xi32>
        %gather3A_670 = tpu.vector_load_idx %arg7[%add3A_164, %add3A_669] : memref<96x100xf32, #tpu.memory_space<vmem>>[vector<16xi32>, vector<16xi32>], vector<16xf32>,
        %gt3A_671 = arith.cmpf ogt, %gather3A_670, %max3A_663 : vector<16xf32>
        %max3A_672 = arith.maximumf %max3A_663, %gather3A_670 : vector<16xf32>
        %jit3A_673 = arith.constant 56 : i32
        %broadcast_in_dim3A_674 = vector.broadcast %jit3A_673 : i32 to vector<16xi32>
        %select_n3A_675 = arith.select %gt3A_671, %broadcast_in_dim3A_674, %select_n3A_666 : vector<16xi1>, vector<16xi32>
        %add3A_676 = arith.constant 1 : i32
        %add3A_677 = vector.broadcast %add3A_676 : i32 to vector<16xi32>
        %add3A_678 = arith.addi %add3A_669, %add3A_677 : vector<16xi32>
        %gather3A_679 = tpu.vector_load_idx %arg7[%add3A_164, %add3A_678] : memref<96x100xf32, #tpu.memory_space<vmem>>[vector<16xi32>, vector<16xi32>], vector<16xf32>,
        %gt3A_680 = arith.cmpf ogt, %gather3A_679, %max3A_672 : vector<16xf32>
        %max3A_681 = arith.maximumf %max3A_672, %gather3A_679 : vector<16xf32>
        %jit3A_682 = arith.constant 57 : i32
        %broadcast_in_dim3A_683 = vector.broadcast %jit3A_682 : i32 to vector<16xi32>
        %select_n3A_684 = arith.select %gt3A_680, %broadcast_in_dim3A_683, %select_n3A_675 : vector<16xi1>, vector<16xi32>
        %add3A_685 = arith.constant 1 : i32
        %add3A_686 = vector.broadcast %add3A_685 : i32 to vector<16xi32>
        %add3A_687 = arith.addi %add3A_678, %add3A_686 : vector<16xi32>
        %gather3A_688 = tpu.vector_load_idx %arg7[%add3A_164, %add3A_687] : memref<96x100xf32, #tpu.memory_space<vmem>>[vector<16xi32>, vector<16xi32>], vector<16xf32>,
        %gt3A_689 = arith.cmpf ogt, %gather3A_688, %max3A_681 : vector<16xf32>
        %max3A_690 = arith.maximumf %max3A_681, %gather3A_688 : vector<16xf32>
        %jit3A_691 = arith.constant 58 : i32
        %broadcast_in_dim3A_692 = vector.broadcast %jit3A_691 : i32 to vector<16xi32>
        %select_n3A_693 = arith.select %gt3A_689, %broadcast_in_dim3A_692, %select_n3A_684 : vector<16xi1>, vector<16xi32>
        %add3A_694 = arith.constant 1 : i32
        %add3A_695 = vector.broadcast %add3A_694 : i32 to vector<16xi32>
        %add3A_696 = arith.addi %add3A_687, %add3A_695 : vector<16xi32>
        %gather3A_697 = tpu.vector_load_idx %arg7[%add3A_164, %add3A_696] : memref<96x100xf32, #tpu.memory_space<vmem>>[vector<16xi32>, vector<16xi32>], vector<16xf32>,
        %gt3A_698 = arith.cmpf ogt, %gather3A_697, %max3A_690 : vector<16xf32>
        %max3A_699 = arith.maximumf %max3A_690, %gather3A_697 : vector<16xf32>
        %jit3A_700 = arith.constant 59 : i32
        %broadcast_in_dim3A_701 = vector.broadcast %jit3A_700 : i32 to vector<16xi32>
        %select_n3A_702 = arith.select %gt3A_698, %broadcast_in_dim3A_701, %select_n3A_693 : vector<16xi1>, vector<16xi32>
        %add3A_703 = arith.constant 1 : i32
        %add3A_704 = vector.broadcast %add3A_703 : i32 to vector<16xi32>
        %add3A_705 = arith.addi %add3A_696, %add3A_704 : vector<16xi32>
        %gather3A_706 = tpu.vector_load_idx %arg7[%add3A_164, %add3A_705] : memref<96x100xf32, #tpu.memory_space<vmem>>[vector<16xi32>, vector<16xi32>], vector<16xf32>,
        %gt3A_707 = arith.cmpf ogt, %gather3A_706, %max3A_699 : vector<16xf32>
        %max3A_708 = arith.maximumf %max3A_699, %gather3A_706 : vector<16xf32>
        %jit3A_709 = arith.constant 60 : i32
        %broadcast_in_dim3A_710 = vector.broadcast %jit3A_709 : i32 to vector<16xi32>
        %select_n3A_711 = arith.select %gt3A_707, %broadcast_in_dim3A_710, %select_n3A_702 : vector<16xi1>, vector<16xi32>
        %add3A_712 = arith.constant 1 : i32
        %add3A_713 = vector.broadcast %add3A_712 : i32 to vector<16xi32>
        %add3A_714 = arith.addi %add3A_705, %add3A_713 : vector<16xi32>
        %gather3A_715 = tpu.vector_load_idx %arg7[%add3A_164, %add3A_714] : memref<96x100xf32, #tpu.memory_space<vmem>>[vector<16xi32>, vector<16xi32>], vector<16xf32>,
        %gt3A_716 = arith.cmpf ogt, %gather3A_715, %max3A_708 : vector<16xf32>
        %max3A_717 = arith.maximumf %max3A_708, %gather3A_715 : vector<16xf32>
        %jit3A_718 = arith.constant 61 : i32
        %broadcast_in_dim3A_719 = vector.broadcast %jit3A_718 : i32 to vector<16xi32>
        %select_n3A_720 = arith.select %gt3A_716, %broadcast_in_dim3A_719, %select_n3A_711 : vector<16xi1>, vector<16xi32>
        %add3A_721 = arith.constant 1 : i32
        %add3A_722 = vector.broadcast %add3A_721 : i32 to vector<16xi32>
        %add3A_723 = arith.addi %add3A_714, %add3A_722 : vector<16xi32>
        %gather3A_724 = tpu.vector_load_idx %arg7[%add3A_164, %add3A_723] : memref<96x100xf32, #tpu.memory_space<vmem>>[vector<16xi32>, vector<16xi32>], vector<16xf32>,
        %gt3A_725 = arith.cmpf ogt, %gather3A_724, %max3A_717 : vector<16xf32>
        %max3A_726 = arith.maximumf %max3A_717, %gather3A_724 : vector<16xf32>
        %jit3A_727 = arith.constant 62 : i32
        %broadcast_in_dim3A_728 = vector.broadcast %jit3A_727 : i32 to vector<16xi32>
        %select_n3A_729 = arith.select %gt3A_725, %broadcast_in_dim3A_728, %select_n3A_720 : vector<16xi1>, vector<16xi32>
        %add3A_730 = arith.constant 1 : i32
        %add3A_731 = vector.broadcast %add3A_730 : i32 to vector<16xi32>
        %add3A_732 = arith.addi %add3A_723, %add3A_731 : vector<16xi32>
        %gather3A_733 = tpu.vector_load_idx %arg7[%add3A_164, %add3A_732] : memref<96x100xf32, #tpu.memory_space<vmem>>[vector<16xi32>, vector<16xi32>], vector<16xf32>,
        %gt3A_734 = arith.cmpf ogt, %gather3A_733, %max3A_726 : vector<16xf32>
        %max3A_735 = arith.maximumf %max3A_726, %gather3A_733 : vector<16xf32>
        %jit3A_736 = arith.constant 63 : i32
        %broadcast_in_dim3A_737 = vector.broadcast %jit3A_736 : i32 to vector<16xi32>
        %select_n3A_738 = arith.select %gt3A_734, %broadcast_in_dim3A_737, %select_n3A_729 : vector<16xi1>, vector<16xi32>
        %add3A_739 = arith.constant 1 : i32
        %add3A_740 = vector.broadcast %add3A_739 : i32 to vector<16xi32>
        %add3A_741 = arith.addi %add3A_732, %add3A_740 : vector<16xi32>
        %gather3A_742 = tpu.vector_load_idx %arg7[%add3A_164, %add3A_741] : memref<96x100xf32, #tpu.memory_space<vmem>>[vector<16xi32>, vector<16xi32>], vector<16xf32>,
        %gt3A_743 = arith.cmpf ogt, %gather3A_742, %max3A_735 : vector<16xf32>
        %max3A_744 = arith.maximumf %max3A_735, %gather3A_742 : vector<16xf32>
        %jit3A_745 = arith.constant 64 : i32
        %broadcast_in_dim3A_746 = vector.broadcast %jit3A_745 : i32 to vector<16xi32>
        %select_n3A_747 = arith.select %gt3A_743, %broadcast_in_dim3A_746, %select_n3A_738 : vector<16xi1>, vector<16xi32>
        %add3A_748 = arith.constant 1 : i32
        %add3A_749 = vector.broadcast %add3A_748 : i32 to vector<16xi32>
        %add3A_750 = arith.addi %add3A_741, %add3A_749 : vector<16xi32>
        %gather3A_751 = tpu.vector_load_idx %arg7[%add3A_164, %add3A_750] : memref<96x100xf32, #tpu.memory_space<vmem>>[vector<16xi32>, vector<16xi32>], vector<16xf32>,
        %gt3A_752 = arith.cmpf ogt, %gather3A_751, %max3A_744 : vector<16xf32>
        %max3A_753 = arith.maximumf %max3A_744, %gather3A_751 : vector<16xf32>
        %jit3A_754 = arith.constant 65 : i32
        %broadcast_in_dim3A_755 = vector.broadcast %jit3A_754 : i32 to vector<16xi32>
        %select_n3A_756 = arith.select %gt3A_752, %broadcast_in_dim3A_755, %select_n3A_747 : vector<16xi1>, vector<16xi32>
        %add3A_757 = arith.constant 1 : i32
        %add3A_758 = vector.broadcast %add3A_757 : i32 to vector<16xi32>
        %add3A_759 = arith.addi %add3A_750, %add3A_758 : vector<16xi32>
        %gather3A_760 = tpu.vector_load_idx %arg7[%add3A_164, %add3A_759] : memref<96x100xf32, #tpu.memory_space<vmem>>[vector<16xi32>, vector<16xi32>], vector<16xf32>,
        %gt3A_761 = arith.cmpf ogt, %gather3A_760, %max3A_753 : vector<16xf32>
        %max3A_762 = arith.maximumf %max3A_753, %gather3A_760 : vector<16xf32>
        %jit3A_763 = arith.constant 66 : i32
        %broadcast_in_dim3A_764 = vector.broadcast %jit3A_763 : i32 to vector<16xi32>
        %select_n3A_765 = arith.select %gt3A_761, %broadcast_in_dim3A_764, %select_n3A_756 : vector<16xi1>, vector<16xi32>
        %add3A_766 = arith.constant 1 : i32
        %add3A_767 = vector.broadcast %add3A_766 : i32 to vector<16xi32>
        %add3A_768 = arith.addi %add3A_759, %add3A_767 : vector<16xi32>
        %gather3A_769 = tpu.vector_load_idx %arg7[%add3A_164, %add3A_768] : memref<96x100xf32, #tpu.memory_space<vmem>>[vector<16xi32>, vector<16xi32>], vector<16xf32>,
        %gt3A_770 = arith.cmpf ogt, %gather3A_769, %max3A_762 : vector<16xf32>
        %max3A_771 = arith.maximumf %max3A_762, %gather3A_769 : vector<16xf32>
        %jit3A_772 = arith.constant 67 : i32
        %broadcast_in_dim3A_773 = vector.broadcast %jit3A_772 : i32 to vector<16xi32>
        %select_n3A_774 = arith.select %gt3A_770, %broadcast_in_dim3A_773, %select_n3A_765 : vector<16xi1>, vector<16xi32>
        %add3A_775 = arith.constant 1 : i32
        %add3A_776 = vector.broadcast %add3A_775 : i32 to vector<16xi32>
        %add3A_777 = arith.addi %add3A_768, %add3A_776 : vector<16xi32>
        %gather3A_778 = tpu.vector_load_idx %arg7[%add3A_164, %add3A_777] : memref<96x100xf32, #tpu.memory_space<vmem>>[vector<16xi32>, vector<16xi32>], vector<16xf32>,
        %gt3A_779 = arith.cmpf ogt, %gather3A_778, %max3A_771 : vector<16xf32>
        %max3A_780 = arith.maximumf %max3A_771, %gather3A_778 : vector<16xf32>
        %jit3A_781 = arith.constant 68 : i32
        %broadcast_in_dim3A_782 = vector.broadcast %jit3A_781 : i32 to vector<16xi32>
        %select_n3A_783 = arith.select %gt3A_779, %broadcast_in_dim3A_782, %select_n3A_774 : vector<16xi1>, vector<16xi32>
        %add3A_784 = arith.constant 1 : i32
        %add3A_785 = vector.broadcast %add3A_784 : i32 to vector<16xi32>
        %add3A_786 = arith.addi %add3A_777, %add3A_785 : vector<16xi32>
        %gather3A_787 = tpu.vector_load_idx %arg7[%add3A_164, %add3A_786] : memref<96x100xf32, #tpu.memory_space<vmem>>[vector<16xi32>, vector<16xi32>], vector<16xf32>,
        %gt3A_788 = arith.cmpf ogt, %gather3A_787, %max3A_780 : vector<16xf32>
        %max3A_789 = arith.maximumf %max3A_780, %gather3A_787 : vector<16xf32>
        %jit3A_790 = arith.constant 69 : i32
        %broadcast_in_dim3A_791 = vector.broadcast %jit3A_790 : i32 to vector<16xi32>
        %select_n3A_792 = arith.select %gt3A_788, %broadcast_in_dim3A_791, %select_n3A_783 : vector<16xi1>, vector<16xi32>
        %add3A_793 = arith.constant 1 : i32
        %add3A_794 = vector.broadcast %add3A_793 : i32 to vector<16xi32>
        %add3A_795 = arith.addi %add3A_786, %add3A_794 : vector<16xi32>
        %gather3A_796 = tpu.vector_load_idx %arg7[%add3A_164, %add3A_795] : memref<96x100xf32, #tpu.memory_space<vmem>>[vector<16xi32>, vector<16xi32>], vector<16xf32>,
        %gt3A_797 = arith.cmpf ogt, %gather3A_796, %max3A_789 : vector<16xf32>
        %max3A_798 = arith.maximumf %max3A_789, %gather3A_796 : vector<16xf32>
        %jit3A_799 = arith.constant 70 : i32
        %broadcast_in_dim3A_800 = vector.broadcast %jit3A_799 : i32 to vector<16xi32>
        %select_n3A_801 = arith.select %gt3A_797, %broadcast_in_dim3A_800, %select_n3A_792 : vector<16xi1>, vector<16xi32>
        %add3A_802 = arith.constant 1 : i32
        %add3A_803 = vector.broadcast %add3A_802 : i32 to vector<16xi32>
        %add3A_804 = arith.addi %add3A_795, %add3A_803 : vector<16xi32>
        %gather3A_805 = tpu.vector_load_idx %arg7[%add3A_164, %add3A_804] : memref<96x100xf32, #tpu.memory_space<vmem>>[vector<16xi32>, vector<16xi32>], vector<16xf32>,
        %gt3A_806 = arith.cmpf ogt, %gather3A_805, %max3A_798 : vector<16xf32>
        %max3A_807 = arith.maximumf %max3A_798, %gather3A_805 : vector<16xf32>
        %jit3A_808 = arith.constant 71 : i32
        %broadcast_in_dim3A_809 = vector.broadcast %jit3A_808 : i32 to vector<16xi32>
        %select_n3A_810 = arith.select %gt3A_806, %broadcast_in_dim3A_809, %select_n3A_801 : vector<16xi1>, vector<16xi32>
        %add3A_811 = arith.constant 1 : i32
        %add3A_812 = vector.broadcast %add3A_811 : i32 to vector<16xi32>
        %add3A_813 = arith.addi %add3A_804, %add3A_812 : vector<16xi32>
        %gather3A_814 = tpu.vector_load_idx %arg7[%add3A_164, %add3A_813] : memref<96x100xf32, #tpu.memory_space<vmem>>[vector<16xi32>, vector<16xi32>], vector<16xf32>,
        %gt3A_815 = arith.cmpf ogt, %gather3A_814, %max3A_807 : vector<16xf32>
        %max3A_816 = arith.maximumf %max3A_807, %gather3A_814 : vector<16xf32>
        %jit3A_817 = arith.constant 72 : i32
        %broadcast_in_dim3A_818 = vector.broadcast %jit3A_817 : i32 to vector<16xi32>
        %select_n3A_819 = arith.select %gt3A_815, %broadcast_in_dim3A_818, %select_n3A_810 : vector<16xi1>, vector<16xi32>
        %add3A_820 = arith.constant 1 : i32
        %add3A_821 = vector.broadcast %add3A_820 : i32 to vector<16xi32>
        %add3A_822 = arith.addi %add3A_813, %add3A_821 : vector<16xi32>
        %gather3A_823 = tpu.vector_load_idx %arg7[%add3A_164, %add3A_822] : memref<96x100xf32, #tpu.memory_space<vmem>>[vector<16xi32>, vector<16xi32>], vector<16xf32>,
        %gt3A_824 = arith.cmpf ogt, %gather3A_823, %max3A_816 : vector<16xf32>
        %max3A_825 = arith.maximumf %max3A_816, %gather3A_823 : vector<16xf32>
        %jit3A_826 = arith.constant 73 : i32
        %broadcast_in_dim3A_827 = vector.broadcast %jit3A_826 : i32 to vector<16xi32>
        %select_n3A_828 = arith.select %gt3A_824, %broadcast_in_dim3A_827, %select_n3A_819 : vector<16xi1>, vector<16xi32>
        %add3A_829 = arith.constant 1 : i32
        %add3A_830 = vector.broadcast %add3A_829 : i32 to vector<16xi32>
        %add3A_831 = arith.addi %add3A_822, %add3A_830 : vector<16xi32>
        %gather3A_832 = tpu.vector_load_idx %arg7[%add3A_164, %add3A_831] : memref<96x100xf32, #tpu.memory_space<vmem>>[vector<16xi32>, vector<16xi32>], vector<16xf32>,
        %gt3A_833 = arith.cmpf ogt, %gather3A_832, %max3A_825 : vector<16xf32>
        %max3A_834 = arith.maximumf %max3A_825, %gather3A_832 : vector<16xf32>
        %jit3A_835 = arith.constant 74 : i32
        %broadcast_in_dim3A_836 = vector.broadcast %jit3A_835 : i32 to vector<16xi32>
        %select_n3A_837 = arith.select %gt3A_833, %broadcast_in_dim3A_836, %select_n3A_828 : vector<16xi1>, vector<16xi32>
        %add3A_838 = arith.constant 1 : i32
        %add3A_839 = vector.broadcast %add3A_838 : i32 to vector<16xi32>
        %add3A_840 = arith.addi %add3A_831, %add3A_839 : vector<16xi32>
        %gather3A_841 = tpu.vector_load_idx %arg7[%add3A_164, %add3A_840] : memref<96x100xf32, #tpu.memory_space<vmem>>[vector<16xi32>, vector<16xi32>], vector<16xf32>,
        %gt3A_842 = arith.cmpf ogt, %gather3A_841, %max3A_834 : vector<16xf32>
        %max3A_843 = arith.maximumf %max3A_834, %gather3A_841 : vector<16xf32>
        %jit3A_844 = arith.constant 75 : i32
        %broadcast_in_dim3A_845 = vector.broadcast %jit3A_844 : i32 to vector<16xi32>
        %select_n3A_846 = arith.select %gt3A_842, %broadcast_in_dim3A_845, %select_n3A_837 : vector<16xi1>, vector<16xi32>
        %add3A_847 = arith.constant 1 : i32
        %add3A_848 = vector.broadcast %add3A_847 : i32 to vector<16xi32>
        %add3A_849 = arith.addi %add3A_840, %add3A_848 : vector<16xi32>
        %gather3A_850 = tpu.vector_load_idx %arg7[%add3A_164, %add3A_849] : memref<96x100xf32, #tpu.memory_space<vmem>>[vector<16xi32>, vector<16xi32>], vector<16xf32>,
        %gt3A_851 = arith.cmpf ogt, %gather3A_850, %max3A_843 : vector<16xf32>
        %max3A_852 = arith.maximumf %max3A_843, %gather3A_850 : vector<16xf32>
        %jit3A_853 = arith.constant 76 : i32
        %broadcast_in_dim3A_854 = vector.broadcast %jit3A_853 : i32 to vector<16xi32>
        %select_n3A_855 = arith.select %gt3A_851, %broadcast_in_dim3A_854, %select_n3A_846 : vector<16xi1>, vector<16xi32>
        %add3A_856 = arith.constant 1 : i32
        %add3A_857 = vector.broadcast %add3A_856 : i32 to vector<16xi32>
        %add3A_858 = arith.addi %add3A_849, %add3A_857 : vector<16xi32>
        %gather3A_859 = tpu.vector_load_idx %arg7[%add3A_164, %add3A_858] : memref<96x100xf32, #tpu.memory_space<vmem>>[vector<16xi32>, vector<16xi32>], vector<16xf32>,
        %gt3A_860 = arith.cmpf ogt, %gather3A_859, %max3A_852 : vector<16xf32>
        %max3A_861 = arith.maximumf %max3A_852, %gather3A_859 : vector<16xf32>
        %jit3A_862 = arith.constant 77 : i32
        %broadcast_in_dim3A_863 = vector.broadcast %jit3A_862 : i32 to vector<16xi32>
        %select_n3A_864 = arith.select %gt3A_860, %broadcast_in_dim3A_863, %select_n3A_855 : vector<16xi1>, vector<16xi32>
        %add3A_865 = arith.constant 1 : i32
        %add3A_866 = vector.broadcast %add3A_865 : i32 to vector<16xi32>
        %add3A_867 = arith.addi %add3A_858, %add3A_866 : vector<16xi32>
        %gather3A_868 = tpu.vector_load_idx %arg7[%add3A_164, %add3A_867] : memref<96x100xf32, #tpu.memory_space<vmem>>[vector<16xi32>, vector<16xi32>], vector<16xf32>,
        %gt3A_869 = arith.cmpf ogt, %gather3A_868, %max3A_861 : vector<16xf32>
        %max3A_870 = arith.maximumf %max3A_861, %gather3A_868 : vector<16xf32>
        %jit3A_871 = arith.constant 78 : i32
        %broadcast_in_dim3A_872 = vector.broadcast %jit3A_871 : i32 to vector<16xi32>
        %select_n3A_873 = arith.select %gt3A_869, %broadcast_in_dim3A_872, %select_n3A_864 : vector<16xi1>, vector<16xi32>
        %add3A_874 = arith.constant 1 : i32
        %add3A_875 = vector.broadcast %add3A_874 : i32 to vector<16xi32>
        %add3A_876 = arith.addi %add3A_867, %add3A_875 : vector<16xi32>
        %gather3A_877 = tpu.vector_load_idx %arg7[%add3A_164, %add3A_876] : memref<96x100xf32, #tpu.memory_space<vmem>>[vector<16xi32>, vector<16xi32>], vector<16xf32>,
        %gt3A_878 = arith.cmpf ogt, %gather3A_877, %max3A_870 : vector<16xf32>
        %max3A_879 = arith.maximumf %max3A_870, %gather3A_877 : vector<16xf32>
        %jit3A_880 = arith.constant 79 : i32
        %broadcast_in_dim3A_881 = vector.broadcast %jit3A_880 : i32 to vector<16xi32>
        %select_n3A_882 = arith.select %gt3A_878, %broadcast_in_dim3A_881, %select_n3A_873 : vector<16xi1>, vector<16xi32>
        %add3A_883 = arith.constant 1 : i32
        %add3A_884 = vector.broadcast %add3A_883 : i32 to vector<16xi32>
        %add3A_885 = arith.addi %add3A_876, %add3A_884 : vector<16xi32>
        %gather3A_886 = tpu.vector_load_idx %arg7[%add3A_164, %add3A_885] : memref<96x100xf32, #tpu.memory_space<vmem>>[vector<16xi32>, vector<16xi32>], vector<16xf32>,
        %gt3A_887 = arith.cmpf ogt, %gather3A_886, %max3A_879 : vector<16xf32>
        %max3A_888 = arith.maximumf %max3A_879, %gather3A_886 : vector<16xf32>
        %jit3A_889 = arith.constant 80 : i32
        %broadcast_in_dim3A_890 = vector.broadcast %jit3A_889 : i32 to vector<16xi32>
        %select_n3A_891 = arith.select %gt3A_887, %broadcast_in_dim3A_890, %select_n3A_882 : vector<16xi1>, vector<16xi32>
        %add3A_892 = arith.constant 1 : i32
        %add3A_893 = vector.broadcast %add3A_892 : i32 to vector<16xi32>
        %add3A_894 = arith.addi %add3A_885, %add3A_893 : vector<16xi32>
        %gather3A_895 = tpu.vector_load_idx %arg7[%add3A_164, %add3A_894] : memref<96x100xf32, #tpu.memory_space<vmem>>[vector<16xi32>, vector<16xi32>], vector<16xf32>,
        %gt3A_896 = arith.cmpf ogt, %gather3A_895, %max3A_888 : vector<16xf32>
        %max3A_897 = arith.maximumf %max3A_888, %gather3A_895 : vector<16xf32>
        %jit3A_898 = arith.constant 81 : i32
        %broadcast_in_dim3A_899 = vector.broadcast %jit3A_898 : i32 to vector<16xi32>
        %select_n3A_900 = arith.select %gt3A_896, %broadcast_in_dim3A_899, %select_n3A_891 : vector<16xi1>, vector<16xi32>
        %add3A_901 = arith.constant 1 : i32
        %add3A_902 = vector.broadcast %add3A_901 : i32 to vector<16xi32>
        %add3A_903 = arith.addi %add3A_894, %add3A_902 : vector<16xi32>
        %gather3A_904 = tpu.vector_load_idx %arg7[%add3A_164, %add3A_903] : memref<96x100xf32, #tpu.memory_space<vmem>>[vector<16xi32>, vector<16xi32>], vector<16xf32>,
        %gt3A_905 = arith.cmpf ogt, %gather3A_904, %max3A_897 : vector<16xf32>
        %max3A_906 = arith.maximumf %max3A_897, %gather3A_904 : vector<16xf32>
        %jit3A_907 = arith.constant 82 : i32
        %broadcast_in_dim3A_908 = vector.broadcast %jit3A_907 : i32 to vector<16xi32>
        %select_n3A_909 = arith.select %gt3A_905, %broadcast_in_dim3A_908, %select_n3A_900 : vector<16xi1>, vector<16xi32>
        %add3A_910 = arith.constant 1 : i32
        %add3A_911 = vector.broadcast %add3A_910 : i32 to vector<16xi32>
        %add3A_912 = arith.addi %add3A_903, %add3A_911 : vector<16xi32>
        %gather3A_913 = tpu.vector_load_idx %arg7[%add3A_164, %add3A_912] : memref<96x100xf32, #tpu.memory_space<vmem>>[vector<16xi32>, vector<16xi32>], vector<16xf32>,
        %gt3A_914 = arith.cmpf ogt, %gather3A_913, %max3A_906 : vector<16xf32>
        %max3A_915 = arith.maximumf %max3A_906, %gather3A_913 : vector<16xf32>
        %jit3A_916 = arith.constant 83 : i32
        %broadcast_in_dim3A_917 = vector.broadcast %jit3A_916 : i32 to vector<16xi32>
        %select_n3A_918 = arith.select %gt3A_914, %broadcast_in_dim3A_917, %select_n3A_909 : vector<16xi1>, vector<16xi32>
        %add3A_919 = arith.constant 1 : i32
        %add3A_920 = vector.broadcast %add3A_919 : i32 to vector<16xi32>
        %add3A_921 = arith.addi %add3A_912, %add3A_920 : vector<16xi32>
        %gather3A_922 = tpu.vector_load_idx %arg7[%add3A_164, %add3A_921] : memref<96x100xf32, #tpu.memory_space<vmem>>[vector<16xi32>, vector<16xi32>], vector<16xf32>,
        %gt3A_923 = arith.cmpf ogt, %gather3A_922, %max3A_915 : vector<16xf32>
        %max3A_924 = arith.maximumf %max3A_915, %gather3A_922 : vector<16xf32>
        %jit3A_925 = arith.constant 84 : i32
        %broadcast_in_dim3A_926 = vector.broadcast %jit3A_925 : i32 to vector<16xi32>
        %select_n3A_927 = arith.select %gt3A_923, %broadcast_in_dim3A_926, %select_n3A_918 : vector<16xi1>, vector<16xi32>
        %add3A_928 = arith.constant 1 : i32
        %add3A_929 = vector.broadcast %add3A_928 : i32 to vector<16xi32>
        %add3A_930 = arith.addi %add3A_921, %add3A_929 : vector<16xi32>
        %sub3A_931 = arith.constant 100 : i32
        %sub3A_932 = vector.broadcast %sub3A_931 : i32 to vector<16xi32>
        %sub3A_933 = arith.subi %add3A_930, %sub3A_932 : vector<16xi32>
        %min3A = arith.minui %add3A_930, %sub3A_933 : vector<16xi32>
        %gather3A_934 = tpu.vector_load_idx %arg7[%add3A_164, %min3A] : memref<96x100xf32, #tpu.memory_space<vmem>>[vector<16xi32>, vector<16xi32>], vector<16xf32>,
        %gt3A_935 = arith.cmpf ogt, %gather3A_934, %max3A_924 : vector<16xf32>
        %max3A_936 = arith.maximumf %max3A_924, %gather3A_934 : vector<16xf32>
        %jit3A_937 = arith.constant 85 : i32
        %broadcast_in_dim3A_938 = vector.broadcast %jit3A_937 : i32 to vector<16xi32>
        %select_n3A_939 = arith.select %gt3A_935, %broadcast_in_dim3A_938, %select_n3A_927 : vector<16xi1>, vector<16xi32>
        %add3A_940 = arith.constant 1 : i32
        %add3A_941 = vector.broadcast %add3A_940 : i32 to vector<16xi32>
        %add3A_942 = arith.addi %add3A_930, %add3A_941 : vector<16xi32>
        %sub3A_943 = arith.constant 100 : i32
        %sub3A_944 = vector.broadcast %sub3A_943 : i32 to vector<16xi32>
        %sub3A_945 = arith.subi %add3A_942, %sub3A_944 : vector<16xi32>
        %min3A_946 = arith.minui %add3A_942, %sub3A_945 : vector<16xi32>
        %gather3A_947 = tpu.vector_load_idx %arg7[%add3A_164, %min3A_946] : memref<96x100xf32, #tpu.memory_space<vmem>>[vector<16xi32>, vector<16xi32>], vector<16xf32>,
        %gt3A_948 = arith.cmpf ogt, %gather3A_947, %max3A_936 : vector<16xf32>
        %max3A_949 = arith.maximumf %max3A_936, %gather3A_947 : vector<16xf32>
        %jit3A_950 = arith.constant 86 : i32
        %broadcast_in_dim3A_951 = vector.broadcast %jit3A_950 : i32 to vector<16xi32>
        %select_n3A_952 = arith.select %gt3A_948, %broadcast_in_dim3A_951, %select_n3A_939 : vector<16xi1>, vector<16xi32>
        %add3A_953 = arith.constant 1 : i32
        %add3A_954 = vector.broadcast %add3A_953 : i32 to vector<16xi32>
        %add3A_955 = arith.addi %add3A_942, %add3A_954 : vector<16xi32>
        %sub3A_956 = arith.constant 100 : i32
        %sub3A_957 = vector.broadcast %sub3A_956 : i32 to vector<16xi32>
        %sub3A_958 = arith.subi %add3A_955, %sub3A_957 : vector<16xi32>
        %min3A_959 = arith.minui %add3A_955, %sub3A_958 : vector<16xi32>
        %gather3A_960 = tpu.vector_load_idx %arg7[%add3A_164, %min3A_959] : memref<96x100xf32, #tpu.memory_space<vmem>>[vector<16xi32>, vector<16xi32>], vector<16xf32>,
        %gt3A_961 = arith.cmpf ogt, %gather3A_960, %max3A_949 : vector<16xf32>
        %max3A_962 = arith.maximumf %max3A_949, %gather3A_960 : vector<16xf32>
        %jit3A_963 = arith.constant 87 : i32
        %broadcast_in_dim3A_964 = vector.broadcast %jit3A_963 : i32 to vector<16xi32>
        %select_n3A_965 = arith.select %gt3A_961, %broadcast_in_dim3A_964, %select_n3A_952 : vector<16xi1>, vector<16xi32>
        %add3A_966 = arith.constant 1 : i32
        %add3A_967 = vector.broadcast %add3A_966 : i32 to vector<16xi32>
        %add3A_968 = arith.addi %add3A_955, %add3A_967 : vector<16xi32>
        %sub3A_969 = arith.constant 100 : i32
        %sub3A_970 = vector.broadcast %sub3A_969 : i32 to vector<16xi32>
        %sub3A_971 = arith.subi %add3A_968, %sub3A_970 : vector<16xi32>
        %min3A_972 = arith.minui %add3A_968, %sub3A_971 : vector<16xi32>
        %gather3A_973 = tpu.vector_load_idx %arg7[%add3A_164, %min3A_972] : memref<96x100xf32, #tpu.memory_space<vmem>>[vector<16xi32>, vector<16xi32>], vector<16xf32>,
        %gt3A_974 = arith.cmpf ogt, %gather3A_973, %max3A_962 : vector<16xf32>
        %max3A_975 = arith.maximumf %max3A_962, %gather3A_973 : vector<16xf32>
        %jit3A_976 = arith.constant 88 : i32
        %broadcast_in_dim3A_977 = vector.broadcast %jit3A_976 : i32 to vector<16xi32>
        %select_n3A_978 = arith.select %gt3A_974, %broadcast_in_dim3A_977, %select_n3A_965 : vector<16xi1>, vector<16xi32>
        %add3A_979 = arith.constant 1 : i32
        %add3A_980 = vector.broadcast %add3A_979 : i32 to vector<16xi32>
        %add3A_981 = arith.addi %add3A_968, %add3A_980 : vector<16xi32>
        %sub3A_982 = arith.constant 100 : i32
        %sub3A_983 = vector.broadcast %sub3A_982 : i32 to vector<16xi32>
        %sub3A_984 = arith.subi %add3A_981, %sub3A_983 : vector<16xi32>
        %min3A_985 = arith.minui %add3A_981, %sub3A_984 : vector<16xi32>
        %gather3A_986 = tpu.vector_load_idx %arg7[%add3A_164, %min3A_985] : memref<96x100xf32, #tpu.memory_space<vmem>>[vector<16xi32>, vector<16xi32>], vector<16xf32>,
        %gt3A_987 = arith.cmpf ogt, %gather3A_986, %max3A_975 : vector<16xf32>
        %max3A_988 = arith.maximumf %max3A_975, %gather3A_986 : vector<16xf32>
        %jit3A_989 = arith.constant 89 : i32
        %broadcast_in_dim3A_990 = vector.broadcast %jit3A_989 : i32 to vector<16xi32>
        %select_n3A_991 = arith.select %gt3A_987, %broadcast_in_dim3A_990, %select_n3A_978 : vector<16xi1>, vector<16xi32>
        %add3A_992 = arith.constant 1 : i32
        %add3A_993 = vector.broadcast %add3A_992 : i32 to vector<16xi32>
        %add3A_994 = arith.addi %add3A_981, %add3A_993 : vector<16xi32>
        %sub3A_995 = arith.constant 100 : i32
        %sub3A_996 = vector.broadcast %sub3A_995 : i32 to vector<16xi32>
        %sub3A_997 = arith.subi %add3A_994, %sub3A_996 : vector<16xi32>
        %min3A_998 = arith.minui %add3A_994, %sub3A_997 : vector<16xi32>
        %gather3A_999 = tpu.vector_load_idx %arg7[%add3A_164, %min3A_998] : memref<96x100xf32, #tpu.memory_space<vmem>>[vector<16xi32>, vector<16xi32>], vector<16xf32>,
        %gt3A_1000 = arith.cmpf ogt, %gather3A_999, %max3A_988 : vector<16xf32>
        %max3A_1001 = arith.maximumf %max3A_988, %gather3A_999 : vector<16xf32>
        %jit3A_1002 = arith.constant 90 : i32
        %broadcast_in_dim3A_1003 = vector.broadcast %jit3A_1002 : i32 to vector<16xi32>
        %select_n3A_1004 = arith.select %gt3A_1000, %broadcast_in_dim3A_1003, %select_n3A_991 : vector<16xi1>, vector<16xi32>
        %add3A_1005 = arith.constant 1 : i32
        %add3A_1006 = vector.broadcast %add3A_1005 : i32 to vector<16xi32>
        %add3A_1007 = arith.addi %add3A_994, %add3A_1006 : vector<16xi32>
        %sub3A_1008 = arith.constant 100 : i32
        %sub3A_1009 = vector.broadcast %sub3A_1008 : i32 to vector<16xi32>
        %sub3A_1010 = arith.subi %add3A_1007, %sub3A_1009 : vector<16xi32>
        %min3A_1011 = arith.minui %add3A_1007, %sub3A_1010 : vector<16xi32>
        %gather3A_1012 = tpu.vector_load_idx %arg7[%add3A_164, %min3A_1011] : memref<96x100xf32, #tpu.memory_space<vmem>>[vector<16xi32>, vector<16xi32>], vector<16xf32>,
        %gt3A_1013 = arith.cmpf ogt, %gather3A_1012, %max3A_1001 : vector<16xf32>
        %max3A_1014 = arith.maximumf %max3A_1001, %gather3A_1012 : vector<16xf32>
        %jit3A_1015 = arith.constant 91 : i32
        %broadcast_in_dim3A_1016 = vector.broadcast %jit3A_1015 : i32 to vector<16xi32>
        %select_n3A_1017 = arith.select %gt3A_1013, %broadcast_in_dim3A_1016, %select_n3A_1004 : vector<16xi1>, vector<16xi32>
        %add3A_1018 = arith.constant 1 : i32
        %add3A_1019 = vector.broadcast %add3A_1018 : i32 to vector<16xi32>
        %add3A_1020 = arith.addi %add3A_1007, %add3A_1019 : vector<16xi32>
        %sub3A_1021 = arith.constant 100 : i32
        %sub3A_1022 = vector.broadcast %sub3A_1021 : i32 to vector<16xi32>
        %sub3A_1023 = arith.subi %add3A_1020, %sub3A_1022 : vector<16xi32>
        %min3A_1024 = arith.minui %add3A_1020, %sub3A_1023 : vector<16xi32>
        %gather3A_1025 = tpu.vector_load_idx %arg7[%add3A_164, %min3A_1024] : memref<96x100xf32, #tpu.memory_space<vmem>>[vector<16xi32>, vector<16xi32>], vector<16xf32>,
        %gt3A_1026 = arith.cmpf ogt, %gather3A_1025, %max3A_1014 : vector<16xf32>
        %max3A_1027 = arith.maximumf %max3A_1014, %gather3A_1025 : vector<16xf32>
        %jit3A_1028 = arith.constant 92 : i32
        %broadcast_in_dim3A_1029 = vector.broadcast %jit3A_1028 : i32 to vector<16xi32>
        %select_n3A_1030 = arith.select %gt3A_1026, %broadcast_in_dim3A_1029, %select_n3A_1017 : vector<16xi1>, vector<16xi32>
        %add3A_1031 = arith.constant 1 : i32
        %add3A_1032 = vector.broadcast %add3A_1031 : i32 to vector<16xi32>
        %add3A_1033 = arith.addi %add3A_1020, %add3A_1032 : vector<16xi32>
        %sub3A_1034 = arith.constant 100 : i32
        %sub3A_1035 = vector.broadcast %sub3A_1034 : i32 to vector<16xi32>
        %sub3A_1036 = arith.subi %add3A_1033, %sub3A_1035 : vector<16xi32>
        %min3A_1037 = arith.minui %add3A_1033, %sub3A_1036 : vector<16xi32>
        %gather3A_1038 = tpu.vector_load_idx %arg7[%add3A_164, %min3A_1037] : memref<96x100xf32, #tpu.memory_space<vmem>>[vector<16xi32>, vector<16xi32>], vector<16xf32>,
        %gt3A_1039 = arith.cmpf ogt, %gather3A_1038, %max3A_1027 : vector<16xf32>
        %max3A_1040 = arith.maximumf %max3A_1027, %gather3A_1038 : vector<16xf32>
        %jit3A_1041 = arith.constant 93 : i32
        %broadcast_in_dim3A_1042 = vector.broadcast %jit3A_1041 : i32 to vector<16xi32>
        %select_n3A_1043 = arith.select %gt3A_1039, %broadcast_in_dim3A_1042, %select_n3A_1030 : vector<16xi1>, vector<16xi32>
        %add3A_1044 = arith.constant 1 : i32
        %add3A_1045 = vector.broadcast %add3A_1044 : i32 to vector<16xi32>
        %add3A_1046 = arith.addi %add3A_1033, %add3A_1045 : vector<16xi32>
        %sub3A_1047 = arith.constant 100 : i32
        %sub3A_1048 = vector.broadcast %sub3A_1047 : i32 to vector<16xi32>
        %sub3A_1049 = arith.subi %add3A_1046, %sub3A_1048 : vector<16xi32>
        %min3A_1050 = arith.minui %add3A_1046, %sub3A_1049 : vector<16xi32>
        %gather3A_1051 = tpu.vector_load_idx %arg7[%add3A_164, %min3A_1050] : memref<96x100xf32, #tpu.memory_space<vmem>>[vector<16xi32>, vector<16xi32>], vector<16xf32>,
        %gt3A_1052 = arith.cmpf ogt, %gather3A_1051, %max3A_1040 : vector<16xf32>
        %max3A_1053 = arith.maximumf %max3A_1040, %gather3A_1051 : vector<16xf32>
        %jit3A_1054 = arith.constant 94 : i32
        %broadcast_in_dim3A_1055 = vector.broadcast %jit3A_1054 : i32 to vector<16xi32>
        %select_n3A_1056 = arith.select %gt3A_1052, %broadcast_in_dim3A_1055, %select_n3A_1043 : vector<16xi1>, vector<16xi32>
        %add3A_1057 = arith.constant 1 : i32
        %add3A_1058 = vector.broadcast %add3A_1057 : i32 to vector<16xi32>
        %add3A_1059 = arith.addi %add3A_1046, %add3A_1058 : vector<16xi32>
        %sub3A_1060 = arith.constant 100 : i32
        %sub3A_1061 = vector.broadcast %sub3A_1060 : i32 to vector<16xi32>
        %sub3A_1062 = arith.subi %add3A_1059, %sub3A_1061 : vector<16xi32>
        %min3A_1063 = arith.minui %add3A_1059, %sub3A_1062 : vector<16xi32>
        %gather3A_1064 = tpu.vector_load_idx %arg7[%add3A_164, %min3A_1063] : memref<96x100xf32, #tpu.memory_space<vmem>>[vector<16xi32>, vector<16xi32>], vector<16xf32>,
        %gt3A_1065 = arith.cmpf ogt, %gather3A_1064, %max3A_1053 : vector<16xf32>
        %max3A_1066 = arith.maximumf %max3A_1053, %gather3A_1064 : vector<16xf32>
        %jit3A_1067 = arith.constant 95 : i32
        %broadcast_in_dim3A_1068 = vector.broadcast %jit3A_1067 : i32 to vector<16xi32>
        %select_n3A_1069 = arith.select %gt3A_1065, %broadcast_in_dim3A_1068, %select_n3A_1056 : vector<16xi1>, vector<16xi32>
        %add3A_1070 = arith.constant 1 : i32
        %add3A_1071 = vector.broadcast %add3A_1070 : i32 to vector<16xi32>
        %add3A_1072 = arith.addi %add3A_1059, %add3A_1071 : vector<16xi32>
        %sub3A_1073 = arith.constant 100 : i32
        %sub3A_1074 = vector.broadcast %sub3A_1073 : i32 to vector<16xi32>
        %sub3A_1075 = arith.subi %add3A_1072, %sub3A_1074 : vector<16xi32>
        %min3A_1076 = arith.minui %add3A_1072, %sub3A_1075 : vector<16xi32>
        %gather3A_1077 = tpu.vector_load_idx %arg7[%add3A_164, %min3A_1076] : memref<96x100xf32, #tpu.memory_space<vmem>>[vector<16xi32>, vector<16xi32>], vector<16xf32>,
        %gt3A_1078 = arith.cmpf ogt, %gather3A_1077, %max3A_1066 : vector<16xf32>
        %max3A_1079 = arith.maximumf %max3A_1066, %gather3A_1077 : vector<16xf32>
        %jit3A_1080 = arith.constant 96 : i32
        %broadcast_in_dim3A_1081 = vector.broadcast %jit3A_1080 : i32 to vector<16xi32>
        %select_n3A_1082 = arith.select %gt3A_1078, %broadcast_in_dim3A_1081, %select_n3A_1069 : vector<16xi1>, vector<16xi32>
        %add3A_1083 = arith.constant 1 : i32
        %add3A_1084 = vector.broadcast %add3A_1083 : i32 to vector<16xi32>
        %add3A_1085 = arith.addi %add3A_1072, %add3A_1084 : vector<16xi32>
        %sub3A_1086 = arith.constant 100 : i32
        %sub3A_1087 = vector.broadcast %sub3A_1086 : i32 to vector<16xi32>
        %sub3A_1088 = arith.subi %add3A_1085, %sub3A_1087 : vector<16xi32>
        %min3A_1089 = arith.minui %add3A_1085, %sub3A_1088 : vector<16xi32>
        %gather3A_1090 = tpu.vector_load_idx %arg7[%add3A_164, %min3A_1089] : memref<96x100xf32, #tpu.memory_space<vmem>>[vector<16xi32>, vector<16xi32>], vector<16xf32>,
        %gt3A_1091 = arith.cmpf ogt, %gather3A_1090, %max3A_1079 : vector<16xf32>
        %max3A_1092 = arith.maximumf %max3A_1079, %gather3A_1090 : vector<16xf32>
        %jit3A_1093 = arith.constant 97 : i32
        %broadcast_in_dim3A_1094 = vector.broadcast %jit3A_1093 : i32 to vector<16xi32>
        %select_n3A_1095 = arith.select %gt3A_1091, %broadcast_in_dim3A_1094, %select_n3A_1082 : vector<16xi1>, vector<16xi32>
        %add3A_1096 = arith.constant 1 : i32
        %add3A_1097 = vector.broadcast %add3A_1096 : i32 to vector<16xi32>
        %add3A_1098 = arith.addi %add3A_1085, %add3A_1097 : vector<16xi32>
        %sub3A_1099 = arith.constant 100 : i32
        %sub3A_1100 = vector.broadcast %sub3A_1099 : i32 to vector<16xi32>
        %sub3A_1101 = arith.subi %add3A_1098, %sub3A_1100 : vector<16xi32>
        %min3A_1102 = arith.minui %add3A_1098, %sub3A_1101 : vector<16xi32>
        %gather3A_1103 = tpu.vector_load_idx %arg7[%add3A_164, %min3A_1102] : memref<96x100xf32, #tpu.memory_space<vmem>>[vector<16xi32>, vector<16xi32>], vector<16xf32>,
        %gt3A_1104 = arith.cmpf ogt, %gather3A_1103, %max3A_1092 : vector<16xf32>
        %max3A_1105 = arith.maximumf %max3A_1092, %gather3A_1103 : vector<16xf32>
        %jit3A_1106 = arith.constant 98 : i32
        %broadcast_in_dim3A_1107 = vector.broadcast %jit3A_1106 : i32 to vector<16xi32>
        %select_n3A_1108 = arith.select %gt3A_1104, %broadcast_in_dim3A_1107, %select_n3A_1095 : vector<16xi1>, vector<16xi32>
        %add3A_1109 = arith.constant 1 : i32
        %add3A_1110 = vector.broadcast %add3A_1109 : i32 to vector<16xi32>
        %add3A_1111 = arith.addi %add3A_1098, %add3A_1110 : vector<16xi32>
        %sub3A_1112 = arith.constant 100 : i32
        %sub3A_1113 = vector.broadcast %sub3A_1112 : i32 to vector<16xi32>
        %sub3A_1114 = arith.subi %add3A_1111, %sub3A_1113 : vector<16xi32>
        %min3A_1115 = arith.minui %add3A_1111, %sub3A_1114 : vector<16xi32>
        %gather3A_1116 = tpu.vector_load_idx %arg7[%add3A_164, %min3A_1115] : memref<96x100xf32, #tpu.memory_space<vmem>>[vector<16xi32>, vector<16xi32>], vector<16xf32>,
        %gt3A_1117 = arith.cmpf ogt, %gather3A_1116, %max3A_1105 : vector<16xf32>
        %max3A_1118 = arith.maximumf %max3A_1105, %gather3A_1116 : vector<16xf32>
        %jit3A_1119 = arith.constant 99 : i32
        %broadcast_in_dim3A_1120 = vector.broadcast %jit3A_1119 : i32 to vector<16xi32>
        %select_n3A_1121 = arith.select %gt3A_1117, %broadcast_in_dim3A_1120, %select_n3A_1108 : vector<16xi1>, vector<16xi32>
        %add3A_1122 = arith.constant 1 : i32
        %add3A_1123 = vector.broadcast %add3A_1122 : i32 to vector<16xi32>
        %add3A_1124 = arith.addi %add3A_1111, %add3A_1123 : vector<16xi32>
        %add3A_1125 = arith.addi %iota3A, %select_n3A_1121 : vector<16xi32>
        %sub3A_1126 = arith.constant 100 : i32
        %sub3A_1127 = vector.broadcast %sub3A_1126 : i32 to vector<16xi32>
        %sub3A_1128 = arith.subi %add3A_1125, %sub3A_1127 : vector<16xi32>
        %min3A_1129 = arith.minui %add3A_1125, %sub3A_1128 : vector<16xi32>
        %mul3A_1130 = arith.constant 6 : i32
        %mul3A_1131 = arith.muli %add3A_97, %mul3A_1130 : i32
        %add3A_1132 = arith.addi %mul3A_1131, %scan3A_160 : i32
        %mul3A_1133 = arith.constant 16 : i32
        %mul3A_1134 = arith.muli %add3A_1132, %mul3A_1133 : i32
        %get3A = arith.index_cast %mul3A_1134 : i32 to index
        %get3A_1135 = tpu.vector_load %arg5[%get3A] {strides = array<i32>} : memref<1152xi32, #tpu.memory_space<vmem>>, vector<16xi32>,
        %mul3A_1136 = arith.constant 100 : i32
        %mul3A_1137 = vector.broadcast %mul3A_1136 : i32 to vector<16xi32>
        %mul3A_1138 = arith.muli %get3A_1135, %mul3A_1137 : vector<16xi32>
        %add3A_1139 = arith.addi %mul3A_1138, %min3A_1129 : vector<16xi32>
        %iota3A_1140 = tpu.iota {dimensions = array<i32: 0>} : vector<16xi32>
        %masked_sort3A = arith.constant dense<true> : vector<16xi1>
        %masked_sort3A_1141 = arith.constant -2147483648 : i32
        %masked_sort3A_1142 = vector.broadcast %masked_sort3A_1141 : i32 to vector<16xi32>
        %masked_sort3A_1143 = arith.xori %add3A_1139, %masked_sort3A_1142 : vector<16xi32>
        %masked_sort3A_1144, %masked_sort3A_1145, %masked_sort3A_1146 = tpu.sort %masked_sort3A_1143, %add3A_1139 masked %masked_sort3A : (vector<16xi32>, vector<16xi32>, vector<16xi1>) -> (vector<16xi1>, vector<16xi32>, vector<16xi32>)
        %masked_sort3A_1147 = arith.xori %masked_sort3A_1145, %masked_sort3A_1142 : vector<16xi32>
        %sub3A_1148 = arith.constant 1 : i32
        %sub3A_1149 = vector.broadcast %sub3A_1148 : i32 to vector<16xi32>
        %sub3A_1150 = arith.subi %iota3A_1140, %sub3A_1149 : vector<16xi32>
        %max3A_1151 = arith.constant 0 : i32
        %max3A_1152 = vector.broadcast %max3A_1151 : i32 to vector<16xi32>
        %max3A_1153 = arith.maxsi %sub3A_1150, %max3A_1152 : vector<16xi32>
        %broadcast_in_dim3A_1154 = vector.shape_cast %max3A_1153 : vector<16xi32> to vector<16x1xi32>
        %gather3A_1155 = vector.shape_cast %broadcast_in_dim3A_1154 : vector<16x1xi32> to vector<16xi32>
        %gather3A_1156 = tpu.dynamic_gather %masked_sort3A_1147[%gather3A_1155] in [0] : vector<16xi32>, vector<16xi32> -> vector<16xi32>
        %add3A_1157 = arith.constant 1 : i32
        %add3A_1158 = vector.broadcast %add3A_1157 : i32 to vector<16xi32>
        %add3A_1159 = arith.addi %iota3A_1140, %add3A_1158 : vector<16xi32>
        %min3A_1160 = arith.constant 15 : i32
        %min3A_1161 = vector.broadcast %min3A_1160 : i32 to vector<16xi32>
        %min3A_1162 = arith.minsi %add3A_1159, %min3A_1161 : vector<16xi32>
        %broadcast_in_dim3A_1163 = vector.shape_cast %min3A_1162 : vector<16xi32> to vector<16x1xi32>
        %gather3A_1164 = vector.shape_cast %broadcast_in_dim3A_1163 : vector<16x1xi32> to vector<16xi32>
        %gather3A_1165 = tpu.dynamic_gather %masked_sort3A_1147[%gather3A_1164] in [0] : vector<16xi32>, vector<16xi32> -> vector<16xi32>
        %eq3A_1166 = arith.constant 0 : i32
        %eq3A_1167 = vector.broadcast %eq3A_1166 : i32 to vector<16xi32>
        %eq3A_1168 = arith.cmpi eq, %iota3A_1140, %eq3A_1167 : vector<16xi32>
        %ne3A_1169 = arith.cmpi ne, %masked_sort3A_1147, %gather3A_1156 : vector<16xi32>
        %or3A = arith.ori %eq3A_1168, %ne3A_1169 : vector<16xi1>
        %eq3A_1170 = arith.constant 15 : i32
        %eq3A_1171 = vector.broadcast %eq3A_1170 : i32 to vector<16xi32>
        %eq3A_1172 = arith.cmpi eq, %iota3A_1140, %eq3A_1171 : vector<16xi32>
        %ne3A_1173 = arith.cmpi ne, %masked_sort3A_1147, %gather3A_1165 : vector<16xi32>
        %or3A_1174 = arith.ori %eq3A_1172, %ne3A_1173 : vector<16xi1>
        %jit3A_1175 = arith.constant 0 : i32
        %broadcast_in_dim3A_1176 = vector.broadcast %jit3A_1175 : i32 to vector<16xi32>
        %select_n3A_1177 = arith.select %or3A, %iota3A_1140, %broadcast_in_dim3A_1176 : vector<16xi1>, vector<16xi32>
        %broadcast_in_dim3A_1178 = arith.constant true
        %broadcast_in_dim3A_1179 = vector.broadcast %broadcast_in_dim3A_1178 : i1 to vector<16xi1>
        %masked_cummax3A = arith.constant -2147483648 : i32
        %masked_cummax3A_1180 = vector.broadcast %masked_cummax3A : i32 to vector<16xi32>
        %masked_cummax3A_1181 = arith.xori %select_n3A_1177, %masked_cummax3A_1180 : vector<16xi32>
        %masked_cummax3A_1182 = tpu.scan <max>, %masked_cummax3A_1181 masked %broadcast_in_dim3A_1179 : vector<16xi32>, vector<16xi1> -> vector<16xi32>
        %masked_cummax3A_1183 = arith.xori %masked_cummax3A_1182, %masked_cummax3A_1180 : vector<16xi32>
        %sub3A_1184 = arith.subi %iota3A_1140, %masked_cummax3A_1183 : vector<16xi32>
        %add3A_1185 = arith.constant 1 : i32
        %add3A_1186 = vector.broadcast %add3A_1185 : i32 to vector<16xi32>
        %add3A_1187 = arith.addi %sub3A_1184, %add3A_1186 : vector<16xi32>
        %convert_element_type3A_1188 = arith.sitofp %add3A_1187 : vector<16xi32> to vector<16xf32>
        tpu.vector_store_idx %arg8[%masked_sort3A_1147], %convert_element_type3A_1188 masked %or3A_1174 {add = true} : memref<10000xf32, #tpu.memory_space<vmem>>[vector<16xi32>], vector<16xf32>, vector<16xi1>
      }
      %scan3A_152 = arith.constant 6 : i32
      %add3A_153 = arith.constant 2 : i32
      %add3A_154 = arith.addi %add3A_97, %add3A_153 : i32
      %lt3A_155 = arith.constant 12 : i32
      %lt3A_156 = arith.cmpi slt, %add3A_154, %lt3A_155 : i32
      %convert_element_type3A_157 = arith.extui %lt3A_156 : i1 to i32
      %cond3A_158 = arith.constant 0 : i32
      %cond3A_159 = arith.cmpi ne, %convert_element_type3A_157, %cond3A_158 : i32
      scf.if %cond3A_159 {
        %add3A_160 = arith.constant 2 : i32
        %add3A_161 = arith.addi %add3A_97, %add3A_160 : i32
        %jit3A_162 = arith.constant 6 : i32
        %div3A_163 = arith.divsi %add3A_161, %jit3A_162 : i32
        %sign3A_164 = arith.constant 0 : i32
        %sign3A_165 = arith.cmpi sgt, %add3A_161, %sign3A_164 : i32
        %sign3A_166 = arith.extui %sign3A_165 : i1 to i32
        %sign3A_167 = arith.constant 0 : i32
        %sign3A_168 = arith.cmpi slt, %add3A_161, %sign3A_167 : i32
        %sign3A_169 = arith.extui %sign3A_168 : i1 to i32
        %sign3A_170 = arith.subi %sign3A_166, %sign3A_169 : i32
        %sign3A_171 = arith.constant 0 : i32
        %sign3A_172 = arith.cmpi sgt, %jit3A_162, %sign3A_171 : i32
        %sign3A_173 = arith.extui %sign3A_172 : i1 to i32
        %sign3A_174 = arith.constant 0 : i32
        %sign3A_175 = arith.cmpi slt, %jit3A_162, %sign3A_174 : i32
        %sign3A_176 = arith.extui %sign3A_175 : i1 to i32
        %sign3A_177 = arith.subi %sign3A_173, %sign3A_176 : i32
        %ne3A_178 = arith.cmpi ne, %sign3A_170, %sign3A_177 : i32
        %rem3A_179 = arith.remsi %add3A_161, %jit3A_162 : i32
        %ne3A_180 = arith.constant 0 : i32
        %ne3A_181 = arith.cmpi ne, %rem3A_179, %ne3A_180 : i32
        %and3A_182 = arith.andi %ne3A_178, %ne3A_181 : i1
        %sub3A_183 = arith.constant 1 : i32
        %sub3A_184 = arith.subi %div3A_163, %sub3A_183 : i32
        %select_n3A_185 = arith.select %and3A_182, %sub3A_184, %div3A_163 : i32
        %add3A_186 = arith.addi %mul3A_4, %select_n3A_185 : i32
        %jit3A_187 = arith.constant 6 : i32
        %eq3A_188 = arith.constant 0 : i32
        %eq3A_189 = arith.cmpi eq, %jit3A_187, %eq3A_188 : i32
        %jit3A_190 = arith.constant 1 : i32
        %select_n3A_191 = arith.select %eq3A_189, %jit3A_190, %jit3A_187 : i32
        %rem3A_192 = arith.remsi %add3A_161, %select_n3A_191 : i32
        %ne3A_193 = arith.constant 0 : i32
        %ne3A_194 = arith.cmpi ne, %rem3A_192, %ne3A_193 : i32
        %lt3A_195 = arith.constant 0 : i32
        %lt3A_196 = arith.cmpi slt, %rem3A_192, %lt3A_195 : i32
        %lt3A_197 = arith.constant 0 : i32
        %lt3A_198 = arith.cmpi slt, %select_n3A_191, %lt3A_197 : i32
        %ne3A_199 = arith.xori %lt3A_196, %lt3A_198 : i1
        %and3A_200 = arith.andi %ne3A_199, %ne3A_194 : i1
        %add3A_201 = arith.addi %rem3A_192, %select_n3A_191 : i32
        %select_n3A_202 = arith.select %and3A_200, %add3A_201, %rem3A_192 : i32
        %mul3A_203 = arith.constant 96 : i32
        %mul3A_204 = arith.muli %select_n3A_202, %mul3A_203 : i32
        %dma_start3A_205 = arith.constant 0 : i32
        %dma_start3A_206 = tpu.memref_slice %arg2[%add3A_186, %mul3A_204, %dma_start3A_205] : memref<64x576x100xf32, #tpu.memory_space<hbm>> -> memref<1x96x100xf32, #tpu.memory_space<hbm>>
        %dma_start3A_207 = tpu.memref_squeeze %dma_start3A_206 : memref<1x96x100xf32, #tpu.memory_space<hbm>> -> memref<96x100xf32, #tpu.memory_space<hbm>>
        %dma_start3A_208 = arith.constant 0 : i32
        %dma_start3A_209 = tpu.memref_slice %arg2[%add3A_186, %mul3A_204, %dma_start3A_208] : memref<64x576x100xf32, #tpu.memory_space<hbm>> -> memref<1x96x100xf32, #tpu.memory_space<hbm>>
        %dma_start3A_210 = tpu.memref_squeeze %dma_start3A_209 : memref<1x96x100xf32, #tpu.memory_space<hbm>> -> memref<96x100xf32, #tpu.memory_space<hbm>>
        tpu.enqueue_dma source(%dma_start3A_210 : memref<96x100xf32, #tpu.memory_space<hbm>>) target(%arg7 : memref<96x100xf32, #tpu.memory_space<vmem>>) target_semaphore(%arg10 : memref<!tpu.dma_semaphore, #tpu.memory_space<semaphore_mem>>)
      } else {
      }
    }
    %scan3A_38 = arith.constant 6 : i32
    "tpu.region"() ({
      %run_scoped3A = tpu.sem_alloc : memref<!tpu.dma_semaphore, #tpu.memory_space<semaphore_mem>>
      %dma_start3A_39 = arith.constant 0 : i32
      %dma_start3A_40 = tpu.memref_slice %arg4[%add3A, %dma_start3A_39] : memref<32x10000xf32, #tpu.memory_space<hbm>> -> memref<1x10000xf32, #tpu.memory_space<hbm>>
      %dma_start3A_41 = tpu.memref_squeeze %dma_start3A_40 : memref<1x10000xf32, #tpu.memory_space<hbm>> -> memref<10000xf32, #tpu.memory_space<hbm>>
      %dma_start3A_42 = arith.constant 0 : i32
      %dma_start3A_43 = tpu.memref_slice %arg4[%add3A, %dma_start3A_42] : memref<32x10000xf32, #tpu.memory_space<hbm>> -> memref<1x10000xf32, #tpu.memory_space<hbm>>
      %dma_start3A_44 = tpu.memref_squeeze %dma_start3A_43 : memref<1x10000xf32, #tpu.memory_space<hbm>> -> memref<10000xf32, #tpu.memory_space<hbm>>
      tpu.enqueue_dma source(%arg8 : memref<10000xf32, #tpu.memory_space<vmem>>) target(%dma_start3A_44 : memref<10000xf32, #tpu.memory_space<hbm>>) target_semaphore(%run_scoped3A : memref<!tpu.dma_semaphore, #tpu.memory_space<semaphore_mem>>)
      %dma_wait3A_45 = arith.constant 0 : i32
      %dma_wait3A_46 = tpu.memref_slice %arg4[%add3A, %dma_wait3A_45] : memref<32x10000xf32, #tpu.memory_space<hbm>> -> memref<1x10000xf32, #tpu.memory_space<hbm>>
      %dma_wait3A_47 = tpu.memref_squeeze %dma_wait3A_46 : memref<1x10000xf32, #tpu.memory_space<hbm>> -> memref<10000xf32, #tpu.memory_space<hbm>>
      %dma_wait3A_48 = arith.constant 0 : i32
      %dma_wait3A_49 = tpu.memref_slice %arg4[%add3A, %dma_wait3A_48] : memref<32x10000xf32, #tpu.memory_space<hbm>> -> memref<1x10000xf32, #tpu.memory_space<hbm>>
      %dma_wait3A_50 = tpu.memref_squeeze %dma_wait3A_49 : memref<1x10000xf32, #tpu.memory_space<hbm>> -> memref<10000xf32, #tpu.memory_space<hbm>>
      tpu.wait_dma2 semaphore(%run_scoped3A : memref<!tpu.dma_semaphore, #tpu.memory_space<semaphore_mem>>) src(%arg8 : memref<10000xf32, #tpu.memory_space<vmem>>) dst(%dma_wait3A_50 : memref<10000xf32, #tpu.memory_space<hbm>>)
      tpu.yield
    }) : () -> ()
    return
  }
}

</mosaic_0001>

<sc_bundles>
// kernel: kernel.3.cloned.1.call-start
scs
__scs_entry_jumppad:
0x0: {  	(pc) =	sbr.rel $0x88, $3  }
0x1: {  	(tag) =	ssettag $0x0;
	lr =	simm.s32 $0x1  }
0x2: {  	[smem:$0x3F9F] =	sst lr;
	_ =	strace $0xD0000000  }
0x3: {  	_ = 	snop  }
0x4: {  	_ = 	snop  }
0x5: {  	_ = 	snop  }
0x6: {  	_ = 	snop  }
0x7: {  	_ = 	snop  }
__scs_overlays_trampoline_lowered:
0x8: {  	[smem:$0x3FAE] =	sst s0  }
0x9: {  	[smem:$0x3FAF] =	sst s1  }
0xa: {  	[smem:$0x3FB0] =	sst s2  }
0xb: {  	[smem:$0x3FB1] =	sst s3  }
0xc: {  	[smem:$0x3FB2] =	sst s4  }
0xd: {  	[smem:$0x3FB3] =	sst s5  }
0xe: {  	[smem:$0x3FB4] =	sst s6  }
0xf: {  	[smem:$0x3FB5] =	sst s7  }
0x10: {  	[smem:$0x3FB6] =	sst s8  }
0x11: {  	[smem:$0x3FB7] =	sst s9;
	s0 =	simm.s32 @!p0 $0x0  }
0x12: {  	s1 =	sld [smem:$0x3F9D];
	s0 =	simm.s32 @p0 $0x1  }
0x13: {  	[smem:$0x3FB8] =	sst s0;
	s0 =	simm.s32 @!p1 $0x0  }
0x14: {  	s2 =	sld [smem:$0x3F9C];
	s0 =	simm.s32 @p1 $0x1  }
0x15: {  	[smem:$0x3FB9] =	sst s0;
	s0 =	simm.s32 @!p2 $0x0  }
0x16: {  	s3 =	sld [smem:$0x3FDB];
	s0 =	simm.s32 @p2 $0x1  }
0x17: {  	s4 =	simm.s32 $0x1BF5;
	[smem:$0x3FBB] =	sst s0  }
0x18: {  	s0 =	sld [smem:$0x3F9E];
	_ =	swait.ge [sflag:s4], $0x0  }
0x19: {  	s7 =	sld [smem:$0x3F9F]  }
0x1a: {  	s8 =	sadd.s32 $0xFFFFE003, lr  }
0x1b: {  	s9 =	sadd.s32 $0xFFFFFEF7, lr;
	s5 =	simm.s32 $0xFFFFFFFF;
	p2 =	slt.u32 s8, $0xFFFFF086  }
0x1c: {  	p1 =	slt.u32 s9, $0xF7A;
	s5 =	simm.s32 @!p2 $0x0  }
0x1d: {  	s5 =	simm.s32 @p1 $0x1;
	p0 =	seq.s32 s7, s2  }
0x1e: {  	s7 =	smul.u32 @!p0 $0xF7A, s2;
	p2 =	seq.s32 @!p0 s5, $0x0  }
0x1f: {  	s9 =	smul.u32 $0xF7A, s1;
	s8 =	simm.s32 @!p0 $0x1BF5;
	p2 =	por !p2, p0  }
0x20: {  	[sflag:s8] =	ssyncset.s32 @!p0 $0xFFFFF086;
	s6 =	sadd.s32 @!p0 s3, s7;
	s7 =	simm.s32 @!p0 $0x108  }
0x21: {  	s3 =	sadd.s32 s3, s9;
	s6 =	sadd.s32 @!p0 $0x88, s6;
	s7 =	simm.s32 @p2 $0x1082  }
0x22: {  	[simem:s7], [sflag:s8] =	dma.local @!p0 [hbm:s6], $0xF7A  }
0x23: {  	s9 =	sor.u32 $0xD0000000, s2;
	s6 =	simm.s32 $0x108;
	_ =	swait.ge @!p0 [sflag:s8], $0x0  }
0x24: {  	s3 =	sadd.s32 $0x88, s3;
	s6 =	simm.s32 @!p1 $0x1082;
	[sflag:s4] =	ssyncset.s32 $0xFFFFF086  }
0x25: {  	[simem:s6], [sflag:s4] =	dma.local [hbm:s3], $0xF7A  }
0x26: {  	[smem:$0x3F9F] =	sst s1;
	(tag) =	ssettag s2;
	_ =	strace s9  }
0x27: {  	s1 =	sld [smem:$0x3FAF]  }
0x28: {  	s2 =	sld [smem:$0x3FB0]  }
0x29: {  	s4 =	sld [smem:$0x3FB2]  }
0x2a: {  	p0 =	seq.s32 s5, $0x0;
	s5 =	sld [smem:$0x3FB3]  }
0x2b: {  	s6 =	sld [smem:$0x3FB4]  }
0x2c: {  	s7 =	sld [smem:$0x3FB5]  }
0x2d: {  	s3 =	simm.s32 $0x108;
	s8 =	sld [smem:$0x3FB6]  }
0x2e: {  	s3 =	simm.s32 @!p0 $0x1082;
	s9 =	sld [smem:$0x3FB7]  }
0x2f: {  	lr =	sadd.s32 s0, s3;
	s0 =	sld [smem:$0x3FAE]  }
0x30: {  	s3 =	sld [smem:$0x3FB1]  }
0x31: {  	[smem:$0x3FBA] =	sst s10  }
0x32: {  	s10 =	sld [smem:$0x3FB8];
	_ =	sdelay $0x3  }
0x33: {  	p0 =	seq.s32 s10, $0x1;
	s10 =	sld [smem:$0x3FBA];
	_ =	sdelay $0x3  }
0x34: {  	[smem:$0x3FBA] =	sst s10  }
0x35: {  	s10 =	sld [smem:$0x3FB9];
	_ =	sdelay $0x3  }
0x36: {  	p1 =	seq.s32 s10, $0x1;
	s10 =	sld [smem:$0x3FBA];
	_ =	sdelay $0x3  }
0x37: {  	[smem:$0x3FBA] =	sst s10  }
0x38: {  	s10 =	sld [smem:$0x3FBB]  }
0x39: {  	_ = 	snop;
	(pc) =	sbr.ind lr, $3  }
0x3a: {  	_ = 	snop  }
0x3b: {  	_ = 	snop  }
0x3c: {  	p2 =	seq.s32 s10, $0x1;
	s10 =	sld [smem:$0x3FBA]  }
0x3d: {  	_ =	shalt  }
0x3e: {  	_ =	shalt  }
0x3f: {  	_ =	shalt  }
0x40: {  	_ =	shalt  }
0x41: {  	_ =	shalt  }
0x42: {  	_ =	shalt  }
0x43: {  	_ =	shalt  }
0x44: {  	_ =	shalt  }
0x45: {  	_ =	shalt  }
0x46: {  	_ =	shalt  }
0x47: {  	_ =	shalt  }
0x48: {  	_ =	shalt  }
0x49: {  	_ =	shalt  }
0x4a: {  	_ =	shalt  }
0x4b: {  	_ =	shalt  }
0x4c: {  	_ =	shalt  }
0x4d: {  	_ =	shalt  }
0x4e: {  	_ =	shalt  }
0x4f: {  	_ =	shalt  }
0x50: {  	_ =	shalt  }
0x51: {  	_ =	shalt  }
0x52: {  	_ =	shalt  }
0x53: {  	_ =	shalt  }
0x54: {  	_ =	shalt  }
0x55: {  	_ =	shalt  }
0x56: {  	_ =	shalt  }
0x57: {  	_ =	shalt  }
0x58: {  	_ =	shalt  }
0x59: {  	_ =	shalt  }
0x5a: {  	_ =	shalt  }
0x5b: {  	_ =	shalt  }
0x5c: {  	_ =	shalt  }
0x5d: {  	_ =	shalt  }
0x5e: {  	_ =	shalt  }
0x5f: {  	_ =	shalt  }
0x60: {  	_ =	shalt  }
0x61: {  	_ =	shalt  }
0x62: {  	_ =	shalt  }
0x63: {  	_ =	shalt  }
0x64: {  	_ =	shalt  }
0x65: {  	_ =	shalt  }
0x66: {  	_ =	shalt  }
0x67: {  	_ =	shalt  }
0x68: {  	_ =	shalt  }
0x69: {  	_ =	shalt  }
0x6a: {  	_ =	shalt  }
0x6b: {  	_ =	shalt  }
0x6c: {  	_ =	shalt  }
0x6d: {  	_ =	shalt  }
0x6e: {  	_ =	shalt  }
0x6f: {  	_ =	shalt  }
0x70: {  	_ =	shalt  }
0x71: {  	_ =	shalt  }
0x72: {  	_ =	shalt  }
0x73: {  	_ =	shalt  }
0x74: {  	_ =	shalt  }
0x75: {  	_ =	shalt  }
0x76: {  	_ =	shalt  }
0x77: {  	_ =	shalt  }
0x78: {  	_ =	shalt  }
0x79: {  	_ =	shalt  }
0x7a: {  	_ =	shalt  }
0x7b: {  	_ =	shalt  }
0x7c: {  	_ =	shalt  }
0x7d: {  	_ =	shalt  }
0x7e: {  	_ =	shalt  }
0x7f: {  	_ =	shalt  }
0x80: {  	_ =	shalt  }
0x81: {  	_ =	shalt  }
0x82: {  	_ =	shalt  }
0x83: {  	_ =	shalt  }
0x84: {  	_ =	shalt  }
0x85: {  	_ =	shalt  }
0x86: {  	_ =	shalt  }
0x87: {  	_ =	shalt  }
.Lfunc_end0:
.L_simem_size_0:
called_computation_lowered:
.L_overlay_start_0:
0x88: {  	s2 =	sld [smem:$0x3FD9]  }
0x89: {  	s3 =	sld [smem:$0x3FFE];
	_ =	sdelay $0x1  }
0x8a: {  	s1 =	srdreg.scid  }
0x8b: {  	s0 =	sand.u32 $0x1, s1  }
0x8c: {  	s16 =	sshll.u32 s0, $0xA;
	s2 =	sadd.s32 s3, s2  }
0x8d: {  	s2 =	sadd.s32 s2, s16  }
0x8e: {  	[smem:$0x3FC6] =	sst s2  }
0x8f: {  	_ = 	snop  }
0x90: {  	(tm) =	ssettm $0x1  }
0x91: {  	s17 =	sld [smem:$0x3FFB];
	_ =	sdelay $0x3  }
0x92: {  	_ =	strace s17  }
0x93: {  	s2 =	sld [smem:$0x3FFC];
	_ =	sdelay $0x3  }
0x94: {  	_ =	strace s2  }
0x95: {  	s2 =	sld [smem:$0x3FFD];
	_ =	sdelay $0x3  }
0x96: {  	_ =	strace s2  }
0x97: {  	_ =	strace $0x8FFFFFFF  }
0x98: {  	s18 =	sld [smem:$0x3FDB];
	_ =	sdelay $0x1  }
0x99: {  	s19 =	simm.s32 $_scs_section_size  }
0x9a: {  	s4 =	simm.s32 $_size__tile_overlayer_lowered;
	s5 =	simm.s32 $_tile_overlayer_lowered  }
0x9b: {  	s22 =	simm.s32 $0x1BFF;
	s21 =	sshll.u32 s5, $0x1;
	s2 =	sadd.s32 s19, s18  }
0x9c: {  	s6 =	simm.s32 $0x0;
	s20 =	sshll.u32 s4, $0x1;
	s4 =	sadd.s32 s21, s2  }
0x9d: {  	[timem:s6], [sflag:s22] =	dma.local [hbm:s4], s20  }
0x9e: {  	_ =	swait.ge [sflag:s22], s20  }
0x9f: {  	s3 =	ssub.s32 $0x0, s20;
	[sflag:s22] =	ssyncset.done $0x0  }
0xa0: {  	[sflag:s22] =	ssyncadd.s32 s3;
	_ =	sdelay $0x1  }
0xa1: {  	s23 =	simm.s32 $0x1B8B  }
0xa2: {  	_ =	swait.ge [sflag:s23], $0x1  }
0xa3: {  	[sflag:s23] =	ssyncset.done $0x0  }
0xa4: {  	s25 =	simm.s32 $0x1B8E;
	s24 =	sld [smem:$0x3FFE];
	[sflag:s23] =	ssyncadd.s32 $0xFFFFFFFF  }
0xa5: {  	s26 =	simm.s32 $execute0_lowered;
	[smem:$0x3FD2] =	sst s25  }
0xa6: {  	s4 =	sshll.u32 s26, $0x1;
	_ =	strace $0x80000046;
	[dreg:$0x1] =	wrdreg $0xFFFFFFFF  }
0xa7: {  	s28 =	simm.s32 $_size_execute0_lowered;
	s2 =	sadd.s32 s2, s4;
	[dreg:$0x0] =	wrdreg $0x0  }
0xa8: {  	s4 =	sshll.u32 s28, $0x1;
	[dreg:$0x2] =	wrdreg s2  }
0xa9: {  	[dreg:$0x3] =	wrdreg s4  }
0xaa: {  	[dreg:$0x4] =	wrdreg $0xC0  }
0xab: {  	_ =	task [dreg:s6], $0x5FFFF  }
0xac: {  	[dreg:$0x1] =	wrdreg $0xFFFFFFFF  }
0xad: {  	[dreg:$0x0] =	wrdreg $0x60  }
0xae: {  	[dreg:$0x2] =	wrdreg s24  }
0xaf: {  	[dreg:$0x3] =	wrdreg $0x9  }
0xb0: {  	_ =	task.clear_ibuf [dreg:s6], $0x4FFFF;
	_ =	strace $0x90000046  }
0xb1: {  	s29 =	simm.s32 $0x9;
	_ =	strace $0x80000048  }
0xb2: {  	_ =	swait.ge [sflag:s29], $0x1  }
0xb3: {  	[sflag:s29] =	ssyncadd.s32 $0xFFFFFFFF  }
0xb4: {  	_ =	strace $0x90000048  }
0xb5: {  	_ =	sfence  }
0xb6: {  	s30 =	sld [smem:$0x0];
	_ =	sdelay $0x2  }
0xb7: {  	s31 =	sshll.u32 s1, $0xD;
	s1 =	sshrl.u32 s1, $0x2  }
0xb8: {  	s3 =	sand.u32 $0x4000, s31;
	s1 =	sadd.s32 s1, s30  }
0xb9: {  	s0 =	sor.u32 s3, s0;
	s1 =	sshll.u32 s1, $0x11  }
0xba: {  	s0 =	sor.u32 s1, s0  }
0xbb: {  	s0 =	sadd.s32 $0x8F2B, s0  }
0xbc: {  	[sflag:s0] =	ssyncadd.remote.s32 $0x1  }
0xbd: {  	_ =	sfence.sel $0xFFFF  }
0xbe: {  	[dreg:$0x0] =	wrdreg $0xFFFFFFFF;
	(pc) =	sbr.abs _section_cstart, $3  }
0xbf: {  	[dreg:$0x1] =	wrdreg $0xFFFFFFFF  }
0xc0: {  	_ =	task.clear_ibuf [dreg:s6], $0x2FFFF;
	_ =	strace $0x9FFFFFFF  }
0xc1: {  	(tm) =	ssettm $0x7FFFFFFF  }
tec
execute0_lowered:
.L_overlay_start_1:
0x0: {  	(tag) =	ssettag $0x1  }
0x1: {  	v1 =	vlaneseq.u32  }
0x2: {  	v0 =	vadd.s32 $0x5, v1  }
0x3: {  	[tilespmem:$0x1FAB0] =	vst v0;
	v0 =	vadd.s32 $0x7, v1  }
0x4: {  	[tilespmem:$0x1FC70] =	vst v0;
	v0 =	vadd.s32 $0x8, v1  }
0x5: {  	[tilespmem:$0x1FAC0] =	vst v0;
	v0 =	vadd.s32 $0x9, v1  }
0x6: {  	[tilespmem:$0x1FAD0] =	vst v0;
	v0 =	vadd.s32 $0xE, v1  }
0x7: {  	[tilespmem:$0x1FAE0] =	vst v0;
	v0 =	vadd.s32 $0xF, v1  }
0x8: {  	[tilespmem:$0x1FAF0] =	vst v0;
	v0 =	vor.u32 $0x10, v1  }
0x9: {  	[tilespmem:$0x1FB00] =	vst v0;
	v0 =	vadd.s32 $0x11, v1  }
0xa: {  	v2 =	vimm.s32 $0x5C5B5A59;
	[tilespmem:$0x1FB10] =	vst v0;
	v0 =	vimm.s32 $0x58575655  }
0xb: {  	v2 =	vunpack.c.0.s8.s32 v2;
	v0 =	vunpack.c.0.s8.s32 v0  }
0xc: {  	vm0 =	vcmask $0x1F10  }
0xd: {  	v4 =	vimm.s32 $0x605F5E5D;
	[tilespmem:$0x1FB20] =	vst v2;
	v0 =	vsel vm0, v2, v0  }
0xe: {  	v2 =	vimm.s32 $0x5D5C5B5A;
	[tilespmem:$0x1FB30] =	vst v0;
	v0 =	vimm.s32 $0x59585756  }
0xf: {  	v5 =	vunpack.c.0.s8.s32 v2;
	v2 =	vunpack.c.0.s8.s32 v4;
	v0 =	vunpack.c.0.s8.s32 v0;
	_ =	sdelay $0x1  }
0x10: {  	s7 =	rddreg [dreg:$0x0];
	s2 =	simm.s32 $0x0;
	[tilespmem:$0x1FB40] =	vst v2;
	v0 =	vsel vm0, v5, v0  }
0x11: {  	[smem:$0x7FF] =	sst s2;
	v13 =	vadd.s32 $0x2B, v1;
	[tilespmem:$0x1FB50] =	vst v0  }
0x12: {  	v6 =	vimm.s32 $0x2010063;
	s0 =	rddreg [dreg:$0x1];
	v14 =	vadd.s32 $0x2F, v1;
	_ =	strace $0x80000047;
	[tilespmem:$0x1FB90] =	vst v13  }
0x13: {  	v16 =	vimm.s32 $0x32107654;
	v39 =	vmul.u32 $0x80, v1;
	v15 =	vadd.s32 $0x31, v1;
	[tilespmem:$0x1FBB0] =	vst v14  }
0x14: {  	v49 =	vunpack.c.0.s8.s32 v6;
	v6 =	vunpack.c.l.s4.s8 v16;
	v16 =	vadd.s32 $0x33, v1;
	[tilespmem:$0x1FBC0] =	vst v15  }
0x15: {  	[tilespmem:$0x1FBD0] =	vst v16  }
0x16: {  	v25 =	vadd.s32 $0xB, v1;
	[tilespmem:$0x1FC80] =	vst v39  }
0x17: {  	v26 =	vadd.s32 $0xC, v1;
	[tilespmem:$0x1FC90] =	vst v25  }
0x18: {  	v27 =	vadd.s32 $0xD, v1;
	[tilespmem:$0x1FCA0] =	vst v26  }
0x19: {  	v17 =	vadd.s32 $0x12, v1;
	[tilespmem:$0x1FCB0] =	vst v27  }
0x1a: {  	v18 =	vadd.s32 $0x13, v1;
	[tilespmem:$0x1FCC0] =	vst v17  }
0x1b: {  	v19 =	vadd.s32 $0x14, v1;
	[tilespmem:$0x1FCD0] =	vst v18  }
0x1c: {  	v20 =	vadd.s32 $0x15, v1;
	[tilespmem:$0x1FCE0] =	vst v19  }
0x1d: {  	v21 =	vadd.s32 $0x16, v1;
	[tilespmem:$0x1FCF0] =	vst v20  }
0x1e: {  	v22 =	vadd.s32 $0x17, v1;
	[tilespmem:$0x1FD00] =	vst v21  }
0x1f: {  	v23 =	vadd.s32 $0x18, v1;
	[tilespmem:$0x1FD10] =	vst v22  }
0x20: {  	v24 =	vadd.s32 $0x19, v1;
	[tilespmem:$0x1FD20] =	vst v23  }
0x21: {  	v28 =	vadd.s32 $0x1A, v1;
	[tilespmem:$0x1FD30] =	vst v24  }
0x22: {  	v29 =	vadd.s32 $0x1B, v1;
	[tilespmem:$0x1FD40] =	vst v28  }
0x23: {  	v30 =	vadd.s32 $0x1C, v1;
	[tilespmem:$0x1FD50] =	vst v29  }
0x24: {  	v31 =	vadd.s32 $0x1D, v1;
	[tilespmem:$0x1FD60] =	vst v30  }
0x25: {  	v32 =	vadd.s32 $0x1E, v1;
	[tilespmem:$0x1FD70] =	vst v31  }
0x26: {  	v33 =	vadd.s32 $0x1F, v1;
	[tilespmem:$0x1FD80] =	vst v32  }
0x27: {  	v35 =	vor.u32 $0x20, v1;
	[tilespmem:$0x1FD90] =	vst v33  }
0x28: {  	v36 =	vadd.s32 $0x21, v1;
	v2 =	vimm.s32 $0x636261;
	[tilespmem:$0x1FDA0] =	vst v35  }
0x29: {  	v4 =	vimm.s32 $0x61605F5E;
	v54 =	vmov v5;
	v41 =	vunpack.c.0.s8.s32 v2;
	[tilespmem:$0x1FDB0] =	vst v36  }
0x2a: {  	v34 =	vimm.s32 $0x43218765;
	v43 =	vunpack.c.0.s8.s32 v4;
	v4 =	vimm.s32 $0x5E5D5C5B;
	[tilespmem:$0x1FDC0] =	vst v54  }
0x2b: {  	v7 =	vimm.s32 $0x54329876;
	v8 =	vimm.s32 $0xB0A0908;
	v45 =	vunpack.c.0.s8.s32 v4;
	[tilespmem:$0x1FDD0] =	vst v41  }
0x2c: {  	vm1 =	vcmask $0x2F10;
	v9 =	vimm.s32 $0xC0B0A09;
	v10 =	vimm.s32 $0xA9876543;
	[tilespmem:$0x1FDE0] =	vst v43  }
0x2d: {  	vm2 =	vcmask $0x3F30;
	v37 =	vimm.s32 $0x6543A987;
	v5 =	vimm.s32 $0x63626160;
	[tilespmem:$0x1FE00] =	vst v45  }
0x2e: {  	v56 =	vadd.s32 $0x6, v1;
	v4 =	vimm.s32 $0x3020100;
	v46 =	vunpack.c.0.s8.s32 v5;
	[tilespmem:$0x1FE40] =	vst v49  }
0x2f: {  	v38 =	vimm.s32 $0xD0C0B0A;
	v2 =	vimm.s32 $0x5A595857;
	v4 =	vunpack.c.0.s8.s32 v4;
	[tilespmem:$0x1FFE0] =	vst v56  }
0x30: {  	v0 =	vimm.s32 $0x1006362;
	v5 =	vimm.s32 $0x5040302;
	v13 =	vadd.s32 $0x2C, v1;
	[tilespmem:$0x1FE10] =	vst v46  }
0x31: {  	v44 =	vunpack.c.0.s8.s32 v0;
	v0 =	vunpack.c.0.s8.s32 v2;
	v14 =	vor.u32 $0x30, v1;
	[tilespmem:$0x1FF90] =	vst v13  }
0x32: {  	v2 =	vimm.s32 $0x6261605F;
	v5 =	vunpack.c.0.s8.s32 v5;
	v15 =	vadd.s32 $0x32, v1;
	[tilespmem:$0x1FFB0] =	vst v14  }
0x33: {  	v16 =	vadd.s32 $0x34, v1;
	v48 =	vunpack.c.0.s8.s32 v2;
	v2 =	vimm.s32 $0x5B5A5958;
	[tilespmem:$0x1FFC0] =	vst v15  }
0x34: {  	[tilespmem:$0x1FFD0] =	vst v16;
	v47 =	vsel vm0, v45, v0;
	v0 =	vsel vm0, v4, v46;
	v4 =	vimm.s32 $0x5F5E5D5C  }
0x35: {  	v42 =	vimm.s32 $0x76543210;
	v2 =	vunpack.c.0.s8.s32 v2;
	[tilespmem:$0x1FDF0] =	vst v44;
	v53 =	vunpack.c.0.s8.s32 v4  }
0x36: {  	v7 =	vunpack.c.l.s4.s8 v7;
	v8 =	vunpack.c.0.s8.s32 v8;
	v58 =	vsel vm0, v5, v44;
	[tilespmem:$0x1FE20] =	vst v47  }
0x37: {  	v5 =	vimm.s32 $0x98765432;
	v4 =	vimm.s32 $0x4030201;
	[tilespmem:$0x1FE30] =	vst v48;
	v2 =	vsel vm0, v53, v2  }
0x38: {  	v5 =	vunpack.c.l.s4.s8 v5;
	[tilespmem:$0x1FE80] =	vst v58;
	v4 =	vunpack.c.0.s8.s32 v4;
	v51 =	vcombine.low v2, v0  }
0x39: {  	[tilespmem:$0x1FE50] =	vst v53;
	v2 =	vunpack.c.0.s8.s32 v6;
	v6 =	vunpack.c.l.s4.s8 v34;
	v34 =	vadd.s32 $0x25, v1  }
0x3a: {  	v5 =	vunpack.c.0.s8.s32 v5;
	v52 =	vsel vm0, v4, v41;
	v4 =	vimm.s32 $0x87654321;
	[tilespmem:$0x1FB60] =	vst v34  }
0x3b: {  	v9 =	vunpack.c.0.s8.s32 v9;
	v7 =	vunpack.c.0.s8.s32 v7;
	v4 =	vunpack.c.l.s4.s8 v4;
	[tilespmem:$0x1FE70] =	vst v52  }
0x3c: {  	v5 =	vand.u32 $0xF, v5;
	v2 =	vand.u32 $0xF, v2;
	v6 =	vunpack.c.0.s8.s32 v6;
	[tilespmem:$0x1FE60] =	vst v51  }
0x3d: {  	v0 =	vimm.s32 $0x6050403;
	v34 =	vadd.s32 $0x26, v1;
	[tilespmem:$0x1FF00] =	vst v5;
	v2 =	vsel vm1, v2, v46  }
0x3e: {  	[tilespmem:$0x1FF60] =	vst v34;
	v4 =	vunpack.c.0.s8.s32 v4;
	v6 =	vand.u32 $0xF, v6;
	v59 =	vsel vm2, v8, v2  }
0x3f: {  	v8 =	vimm.s32 $0xEDCBA987;
	v2 =	vsel vm1, v6, v41;
	v6 =	vunpack.c.l.s4.s8 v37;
	[tilespmem:$0x1FE90] =	vst v59  }
0x40: {  	v8 =	vunpack.c.l.s4.s8 v8;
	v37 =	vadd.s32 $0x27, v1;
	[tilespmem:$0x1FEE0] =	vst v4;
	v60 =	vsel vm2, v9, v2  }
0x41: {  	v2 =	vand.u32 $0xF, v7;
	v7 =	vunpack.c.0.s8.s32 v38;
	[tilespmem:$0x1FB70] =	vst v37;
	v38 =	vadd.s32 $0x2D, v1  }
0x42: {  	v9 =	vimm.s32 $0x65432100;
	v37 =	vadd.s32 $0x28, v1;
	v2 =	vsel vm1, v2, v44;
	[tilespmem:$0x1FBA0] =	vst v38  }
0x43: {  	v6 =	vunpack.c.0.s8.s32 v6;
	v9 =	vunpack.c.l.s4.s8 v9;
	v40 =	vunpack.c.0.s8.s32 v8;
	[tilespmem:$0x1FEA0] =	vst v60  }
0x44: {  	v38 =	vadd.s32 $0x2E, v1;
	[tilespmem:$0x1FF70] =	vst v37;
	v61 =	vsel vm2, v7, v2;
	v2 =	vimm.s32 $0xE0D0C0B  }
0x45: {  	v0 =	vunpack.c.0.s8.s32 v0;
	[tilespmem:$0x1FFA0] =	vst v38;
	v6 =	vand.u32 $0xF, v6;
	v2 =	vunpack.c.0.s8.s32 v2  }
0x46: {  	v8 =	vunpack.c.0.s8.s32 v9;
	v7 =	vand.u32 $0xF, v40;
	v40 =	vadd.s32 $0x29, v1;
	[tilespmem:$0x1FEB0] =	vst v61  }
0x47: {  	v9 =	vunpack.c.l.s4.s8 v10;
	v6 =	vsel vm1, v6, v49;
	[tilespmem:$0x1FB80] =	vst v40;
	v40 =	vadd.s32 $0x2A, v1  }
0x48: {  	v10 =	vsel vm2, v2, v6;
	v6 =	vunpack.c.l.s4.s8 v42;
	v42 =	vadd.s32 $0x35, v1;
	[tilespmem:$0x1FF80] =	vst v40  }
0x49: {  	[tilespmem:$0x1FBE0] =	vst v42  }
0x4a: {  	v62 =	vcombine.low v8, v7;
	v8 =	vsel vm0, v0, v49;
	[tilespmem:$0x1FEC0] =	vst v10  }
0x4b: {  	v63 =	vunpack.c.0.s8.s32 v9;
	v9 =	vadd.s32 $0x22, v1;
	[tilespmem:$0x1FED0] =	vst v8  }
0x4c: {  	v42 =	vadd.s32 $0x36, v1;
	[tilespmem:$0x1FF30] =	vst v9  }
0x4d: {  	[tilespmem:$0x1FBF0] =	vst v42;
	v42 =	vadd.s32 $0x37, v1  }
0x4e: {  	v7 =	vand.u32 $0xF, v63;
	[tilespmem:$0x1FC00] =	vst v42  }
0x4f: {  	s3 =	srdreg.scid;
	s1 =	stileid.u32;
	v2 =	vimm.s32 $0xFFEDCBA9;
	v63 =	vadd.s32 $0x24, v1;
	[tilespmem:$0x1FF10] =	vst v7  }
0x50: {  	s12 =	simm.s32 $0x3;
	s13 =	simm.s32 $0x1;
	s14 =	simm.s32 $0x6480;
	v2 =	vunpack.c.l.s4.s8 v2;
	v6 =	vunpack.c.0.s8.s32 v6;
	v42 =	vadd.s32 $0x38, v1;
	[tilespmem:$0x1FF50] =	vst v63  }
0x51: {  	s15 =	simm.s32 $0x2;
	s16 =	simm.s32 $0x80;
	s17 =	simm.s32 $0x400;
	[tilespmem:$0x1FC10] =	vst v42  }
0x52: {  	s4 =	sand.u32 $0x1, s3;
	s29 =	sshll.u32 s1, $0x1;
	s30 =	sshrl.u32 s1, $0x2;
	v42 =	vadd.s32 $0x39, v1;
	[tilespmem:$0x1FEF0] =	vst v6  }
0x53: {  	s18 =	simm.s32 $0x4;
	v12 =	vadd.s32 $0xA, v1;
	s5 =	sor.u32 s4, s29;
	s6 =	smul.u32 $0x13C00, s30;
	[tilespmem:$0x1FC20] =	vst v42;
	v42 =	vadd.s32 $0x3A, v1  }
0x54: {  	s19 =	simm.s32 $0x0;
	s3 =	sadd.s32 $0x1200, s7;
	s31 =	smul.u32 $0x4800, s5;
	v0 =	vunpack.c.0.s8.s32 v2;
	v2 =	vmov v12;
	v12 =	vadd.s32 $0x23, v1;
	[tilespmem:$0x1FC30] =	vst v42  }
0x55: {  	s4 =	ssub.s32 $0x2, s4;
	s8 =	sshll.u32 s5, $0x7;
	s10 =	smul.u32 $0x90, s5;
	[tilespmem:$0x1FF40] =	vst v12  }
.Ltmp0:
0x56: {  	s9 =	sshrl.u32 s4, $0x1;
	s8 =	sand.u32 $0x380, s8;
	v0 =	vcombine.low v4, v0;
	v42 =	vadd.s32 $0x3B, v1;
	[tilespmem:$0x1FFF0] =	vst v2;
	(pc) =	sbr.rel .LBB2_1-.Ltmp0, $4  }
0x57: {  	s5 =	sshll.u32 s5, $0x1;
	s9 =	ssub.s32 s4, s9;
	s6 =	sor.u32 s6, s8;
	[tilespmem:$0x1FC40] =	vst v42  }
0x58: {  	v11 =	vimm.f32 $0.0e+00;
	s4 =	sadd.s32 s3, s31;
	s9 =	smax.u32 s9, $0x1;
	s6 =	sshrl.u32 s6, $0x3;
	v42 =	vadd.s32 $0x3C, v1;
	[tilespmem:$0x1FF20] =	vst v0  }
0x59: {  	v50 =	vadd.s32 $0x1, v1;
	v3 =	vadd.s32 $0x2, v1;
	s11 =	sadd.s32 s6, s7;
	s6 =	sadd.s32 $0x600, s4;
	s7 =	sadd.s32 s7, s10;
	[tilespmem:$0x1FC50] =	vst v42;
	v42 =	vadd.s32 $0x3D, v1  }
0x5a: {  	v55 =	vadd.s32 $0x3, v1;
	v57 =	vadd.s32 $0x4, v1;
	s10 =	simm.s32 $0x480;
	s8 =	sadd.s32 $0x91200, s11;
	s11 =	simm.s32 $0x3480;
	vm1 =	vcmask $0x3F3C;
	[tilespmem:$0x1FC60] =	vst v42;
	v42 =	vld [tilespmem:$0x1FC70]  }
.LBB2_10:
0x5b: {  	s19 =	sadd.s32 $0x1, s19  }
0x5c: {  	p0 =	sne.s32 s19, s9  }
.Ltmp1:
0x5d: {  	_ = 	snop;
	(pc) =	sbr.rel @!p0 .LBB2_11-.Ltmp1, $4  }
0x5e: {  	[hbm4b:s8+s16] =	stream.strided.scatter [tilespmem:s14], [sflag:$0x4], $0x2780, s17, s16, $0x38;
	[tilespmem:$0x8C00] =	vst v63  }
0x5f: {  	_ =	swait.ge [sflag:s18], $0x2780  }
0x60: {  	[sflag:s18] =	ssyncset.done $0x0  }
0x61: {  	v11 =	vimm.f32 $0.0e+00;
	v42 =	vmov v0;
	[sflag:s18] =	ssyncadd.s32 $0xFFFFD880  }
.LBB2_1:
0x62: {  	[tilespmem:s10], [sflag:$0x1] =	stream.linear.gather [hbm4b:s4+s2], $0x3000, $0x38;
	[tilespmem:$0x8C00] =	vst v63  }
0x63: {  	_ = 	snop  }
0x64: {  	[tilespmem:s11], [sflag:$0x2] =	stream.linear.gather [hbm4b:s6+s2], $0x3000, $0x38;
	[tilespmem:$0x8C00] =	vst v63  }
0x65: {  	s21 =	simm.s32 $0x140;
	s20 =	simm.s32 $0x0  }
0x66: {  	[tilespmem:s2], [sflag:$0x3] =	stream.linear.gather [hbm4b:s7+s2], $0x480, $0x38;
	[tilespmem:$0x8C00] =	vst v63  }
.LBB2_2:
0x67: {  	p0 =	sne.s32 s21, $0x9B00;
	[tilespmem:s20+$0x64C0] =	vst v11;
	s22 =	smov.u32 s21;
	s21 =	sadd.s32 $0x140, s21  }
.Ltmp2:
0x68: {  	[tilespmem:s20+$0x64B0] =	vst v11;
	(pc) =	sbr.rel @p0 .LBB2_2-.Ltmp2, $4  }
0x69: {  	[tilespmem:s20+$0x64A0] =	vst v11  }
0x6a: {  	[tilespmem:s20+$0x6480] =	vst v11  }
0x6b: {  	[tilespmem:s20+$0x6490] =	vst v11  }
0x6c: {  	s20 =	sshra.s32 s22, $0x2  }
0x6d: {  	[tilespmem:s20+$0x64C0] =	vst v11  }
0x6e: {  	[tilespmem:s20+$0x64B0] =	vst v11  }
0x6f: {  	[tilespmem:s20+$0x64A0] =	vst v11  }
0x70: {  	[tilespmem:s20+$0x6480] =	vst v11  }
0x71: {  	[tilespmem:s20+$0x6490] =	vst v11  }
0x72: {  	_ =	swait.ge [sflag:s12], $0x480  }
0x73: {  	s20 =	simm.s32 $0x0;
	[sflag:s12] =	ssyncset.done $0x0;
	v60 =	vld [tilespmem:$0x1FAC0]  }
0x74: {  	v10 =	vmov v2;
	v9 =	vmov v42;
	s21 =	simm.s32 $0x60;
	s22 =	simm.s32 $0x0;
	v53 =	vld [tilespmem:$0x1FAD0];
	[sflag:s12] =	ssyncadd.s32 $0xFFFFFB80  }
.LBB2_4:
0x75: {  	_ =	swait.ge [sflag:s13], $0x3000  }
0x76: {  	v29 =	vld [tilespmem:$0x1FB10]  }
0x77: {  	v32 =	vld [tilespmem:$0x1FCD0]  }
0x78: {  	v33 =	vld [tilespmem:$0x1FD40]  }
0x79: {  	v30 =	vld [tilespmem:$0x1FD50]  }
0x7a: {  	v31 =	vld [tilespmem:$0x1FD60]  }
0x7b: {  	[sflag:s13] =	ssyncset.done $0x0;
	v61 =	vld [tilespmem:$0x1FEC0]  }
0x7c: {  	s23 =	smov.u32 s20;
	s24 =	simm.s32 $0x0;
	v2 =	vmov v9;
	v42 =	vmov v56;
	v47 =	vmov v10;
	v54 =	vld [tilespmem:$0x1FAB0];
	[sflag:s13] =	ssyncadd.s32 $0xFFFFD000  }
.LBB2_5:
0x7d: {  	v0 =	vmov s24  }
0x7e: {  	v0 =	vshll.u32 v0, $0x7  }
0x7f: {  	v44 =	vor.u32 v39, v0  }
0x80: {  	v0 =	vor.u32 v1, v44  }
0x81: {  	v4 =	vor.u32 v50, v44  }
0x82: {  	v5 =	vor.u32 v3, v44;
	_ =	sdelay $0x1  }
0x83: {  	v6 =	vor.u32 v55, v44  }
0x84: {  	v7 =	vor.u32 v57, v44;
	v0 =	vld.idx.msk [tilespmem:v0+s10+$0x0], $0xffff  }
0x85: {  	v4 =	vld.idx.msk [tilespmem:v4+s10+$0x0], $0xffff  }
0x86: {  	v8 =	vor.u32 v54, v44;
	v5 =	vld.idx.msk [tilespmem:v5+s10+$0x0], $0xffff  }
0x87: {  	v9 =	vor.u32 v42, v44  }
0x88: {  	v6 =	vld.idx.msk [tilespmem:v6+s10+$0x0], $0xffff  }
0x89: {  	v10 =	vor.u32 v2, v44;
	v7 =	vld.idx.msk [tilespmem:v7+s10+$0x0], $0xffff  }
0x8a: {  	v12 =	vld [tilespmem:$0x1FAE0];
	vm2 =	vgt.f32 v4, v0;
	v0 =	vmax.f32 v0, v4;
	v4 =	vor.u32 v60, v44  }
0x8b: {  	v8 =	vld.idx.msk [tilespmem:v8+s10+$0x0], $0xffff;
	v11 =	vsel vm2, v50, v1;
	vm2 =	vgt.f32 v5, v0  }
0x8c: {  	v0 =	vmax.f32 v0, v5;
	v5 =	vld.idx.msk [tilespmem:v9+s10+$0x0], $0xffff;
	v9 =	vor.u32 v53, v44;
	v11 =	vsel vm2, v3, v11  }
0x8d: {  	v13 =	vld [tilespmem:$0x1FAF0];
	vm2 =	vgt.f32 v6, v0;
	v0 =	vmax.f32 v0, v6;
	v6 =	vor.u32 v47, v44  }
0x8e: {  	v10 =	vld.idx.msk [tilespmem:v10+s10+$0x0], $0xffff;
	v11 =	vsel vm2, v55, v11;
	vm2 =	vgt.f32 v7, v0  }
0x8f: {  	v0 =	vmax.f32 v0, v7;
	v7 =	vor.u32 v25, v44;
	v11 =	vsel vm2, v57, v11;
	v4 =	vld.idx.msk [tilespmem:v4+s10+$0x0], $0xffff  }
0x90: {  	v14 =	vld [tilespmem:$0x1FB00];
	vm2 =	vgt.f32 v8, v0;
	v0 =	vmax.f32 v0, v8;
	v8 =	vor.u32 v26, v44  }
0x91: {  	v11 =	vsel vm2, v54, v11;
	vm2 =	vgt.f32 v5, v0;
	v9 =	vld.idx.msk [tilespmem:v9+s10+$0x0], $0xffff  }
0x92: {  	v0 =	vmax.f32 v0, v5;
	v5 =	vld.idx.msk [tilespmem:v6+s10+$0x0], $0xffff;
	v6 =	vor.u32 v27, v44;
	v11 =	vsel vm2, v42, v11  }
0x93: {  	vm2 =	vgt.f32 v10, v0;
	v0 =	vmax.f32 v0, v10;
	v10 =	vor.u32 v12, v44  }
0x94: {  	v11 =	vsel vm2, v2, v11;
	v7 =	vld.idx.msk [tilespmem:v7+s10+$0x0], $0xffff;
	vm2 =	vgt.f32 v4, v0  }
0x95: {  	v0 =	vmax.f32 v0, v4;
	v4 =	vld.idx.msk [tilespmem:v8+s10+$0x0], $0xffff;
	v8 =	vor.u32 v13, v44;
	v11 =	vsel vm2, v60, v11  }
0x96: {  	v15 =	vld [tilespmem:$0x1FCC0];
	vm2 =	vgt.f32 v9, v0;
	v0 =	vmax.f32 v0, v9;
	v9 =	vor.u32 v14, v44  }
0x97: {  	v6 =	vld.idx.msk [tilespmem:v6+s10+$0x0], $0xffff  }
0x98: {  	v11 =	vsel vm2, v53, v11;
	vm2 =	vgt.f32 v5, v0;
	v0 =	vmax.f32 v0, v5;
	v5 =	vld.idx.msk [tilespmem:v10+s10+$0x0], $0xffff  }
0x99: {  	v16 =	vld [tilespmem:$0x1FCE0];
	v10 =	vor.u32 v29, v44  }
0x9a: {  	v11 =	vsel vm2, v47, v11;
	vm2 =	vgt.f32 v7, v0;
	v0 =	vmax.f32 v0, v7;
	v8 =	vld.idx.msk [tilespmem:v8+s10+$0x0], $0xffff  }
0x9b: {  	v11 =	vsel vm2, v25, v11;
	vm2 =	vgt.f32 v4, v0;
	v0 =	vmax.f32 v0, v4;
	v4 =	vld.idx.msk [tilespmem:v9+s10+$0x0], $0xffff  }
0x9c: {  	v11 =	vsel vm2, v26, v11;
	vm2 =	vgt.f32 v6, v0;
	v0 =	vmax.f32 v0, v6  }
0x9d: {  	v17 =	vld [tilespmem:$0x1FCF0];
	v7 =	vor.u32 v15, v44;
	v11 =	vsel vm2, v27, v11;
	vm2 =	vgt.f32 v5, v0  }
0x9e: {  	v0 =	vmax.f32 v0, v5;
	v11 =	vsel vm2, v12, v11;
	v12 =	vld [tilespmem:$0x1FD00]  }
0x9f: {  	v9 =	vor.u32 v32, v44;
	v10 =	vld.idx.msk [tilespmem:v10+s10+$0x0], $0xffff;
	vm2 =	vgt.f32 v8, v0;
	v0 =	vmax.f32 v0, v8  }
0xa0: {  	v6 =	vor.u32 v16, v44;
	v11 =	vsel vm2, v13, v11;
	vm2 =	vgt.f32 v4, v0;
	v13 =	vld [tilespmem:$0x1FD10]  }
0xa1: {  	v11 =	vsel vm2, v14, v11;
	v14 =	vld [tilespmem:$0x1FD20]  }
0xa2: {  	v5 =	vld.idx.msk [tilespmem:v7+s10+$0x0], $0xffff;
	v7 =	vor.u32 v17, v44  }
0xa3: {  	v18 =	vld [tilespmem:$0x1FD30];
	v8 =	vor.u32 v12, v44  }
0xa4: {  	v9 =	vld.idx.msk [tilespmem:v9+s10+$0x0], $0xffff  }
0xa5: {  	v0 =	vmax.f32 v0, v4;
	v4 =	vld.idx.msk [tilespmem:v6+s10+$0x0], $0xffff;
	v6 =	vor.u32 v13, v44  }
0xa6: {  	vm2 =	vgt.f32 v10, v0;
	v0 =	vmax.f32 v0, v10;
	v10 =	vor.u32 v14, v44  }
0xa7: {  	v11 =	vsel vm2, v29, v11;
	vm2 =	vgt.f32 v5, v0;
	v7 =	vld.idx.msk [tilespmem:v7+s10+$0x0], $0xffff  }
0xa8: {  	v0 =	vmax.f32 v0, v5;
	v11 =	vsel vm2, v15, v11;
	v5 =	vld.idx.msk [tilespmem:v8+s10+$0x0], $0xffff;
	v8 =	vor.u32 v18, v44  }
0xa9: {  	v15 =	vld [tilespmem:$0x1FD70];
	vm2 =	vgt.f32 v9, v0;
	v0 =	vmax.f32 v0, v9;
	v9 =	vor.u32 v33, v44  }
0xaa: {  	v11 =	vsel vm2, v32, v11;
	v6 =	vld.idx.msk [tilespmem:v6+s10+$0x0], $0xffff  }
0xab: {  	vm2 =	vgt.f32 v4, v0;
	v0 =	vmax.f32 v0, v4;
	v4 =	vld.idx.msk [tilespmem:v10+s10+$0x0], $0xffff;
	v10 =	vor.u32 v30, v44  }
0xac: {  	v11 =	vsel vm2, v16, v11;
	v16 =	vld [tilespmem:$0x1FDB0]  }
0xad: {  	vm2 =	vgt.f32 v7, v0;
	v0 =	vmax.f32 v0, v7;
	v7 =	vor.u32 v31, v44;
	v8 =	vld.idx.msk [tilespmem:v8+s10+$0x0], $0xffff  }
0xae: {  	v11 =	vsel vm2, v17, v11;
	vm2 =	vgt.f32 v5, v0;
	v0 =	vmax.f32 v0, v5;
	v5 =	vld.idx.msk [tilespmem:v9+s10+$0x0], $0xffff  }
0xaf: {  	v9 =	vor.u32 v15, v44;
	v11 =	vsel vm2, v12, v11;
	v12 =	vld [tilespmem:$0x1FD80]  }
0xb0: {  	vm2 =	vgt.f32 v6, v0;
	v0 =	vmax.f32 v0, v6;
	v10 =	vld.idx.msk [tilespmem:v10+s10+$0x0], $0xffff  }
0xb1: {  	v11 =	vsel vm2, v13, v11;
	vm2 =	vgt.f32 v4, v0;
	v13 =	vld [tilespmem:$0x1FD90]  }
0xb2: {  	v11 =	vsel vm2, v14, v11;
	v14 =	vld [tilespmem:$0x1FDA0]  }
0xb3: {  	v0 =	vmax.f32 v0, v4;
	v4 =	vld.idx.msk [tilespmem:v7+s10+$0x0], $0xffff  }
0xb4: {  	vm2 =	vgt.f32 v8, v0;
	v0 =	vmax.f32 v0, v8;
	v9 =	vld.idx.msk [tilespmem:v9+s10+$0x0], $0xffff;
	v6 =	vor.u32 v12, v44  }
0xb5: {  	v17 =	vld [tilespmem:$0x1FF30];
	v11 =	vsel vm2, v18, v11;
	vm2 =	vgt.f32 v5, v0  }
0xb6: {  	v0 =	vmax.f32 v0, v5;
	v11 =	vsel vm2, v33, v11;
	v7 =	vor.u32 v13, v44  }
0xb7: {  	v18 =	vld [tilespmem:$0x1FF40];
	vm2 =	vgt.f32 v10, v0;
	v0 =	vmax.f32 v0, v10;
	v8 =	vor.u32 v14, v44  }
0xb8: {  	v19 =	vld [tilespmem:$0x1FF50];
	v11 =	vsel vm2, v30, v11;
	vm2 =	vgt.f32 v4, v0;
	v0 =	vmax.f32 v0, v4  }
0xb9: {  	v11 =	vsel vm2, v31, v11;
	vm2 =	vgt.f32 v9, v0;
	v5 =	vld.idx.msk [tilespmem:v6+s10+$0x0], $0xffff;
	v6 =	vor.u32 v16, v44  }
0xba: {  	v10 =	vor.u32 v17, v44;
	v11 =	vsel vm2, v15, v11;
	v15 =	vld [tilespmem:$0x1FB60]  }
0xbb: {  	v7 =	vld.idx.msk [tilespmem:v7+s10+$0x0], $0xffff  }
0xbc: {  	v4 =	vld.idx.msk [tilespmem:v8+s10+$0x0], $0xffff;
	v8 =	vor.u32 v18, v44  }
0xbd: {  	v0 =	vmax.f32 v0, v9;
	v9 =	vor.u32 v19, v44  }
0xbe: {  	v6 =	vld.idx.msk [tilespmem:v6+s10+$0x0], $0xffff  }
0xbf: {  	vm2 =	vgt.f32 v5, v0;
	v0 =	vmax.f32 v0, v5;
	v5 =	vld.idx.msk [tilespmem:v10+s10+$0x0], $0xffff  }
0xc0: {  	v11 =	vsel vm2, v12, v11;
	v12 =	vld [tilespmem:$0x1FF60]  }
0xc1: {  	v10 =	vor.u32 v15, v44;
	vm2 =	vgt.f32 v7, v0;
	v0 =	vmax.f32 v0, v7;
	v8 =	vld.idx.msk [tilespmem:v8+s10+$0x0], $0xffff  }
0xc2: {  	v11 =	vsel vm2, v13, v11;
	vm2 =	vgt.f32 v4, v0;
	v0 =	vmax.f32 v0, v4;
	v4 =	vld.idx.msk [tilespmem:v9+s10+$0x0], $0xffff  }
0xc3: {  	v13 =	vld [tilespmem:$0x1FB70]  }
0xc4: {  	v11 =	vsel vm2, v14, v11;
	v14 =	vld [tilespmem:$0x1FF70]  }
0xc5: {  	vm2 =	vgt.f32 v6, v0;
	v0 =	vmax.f32 v0, v6  }
0xc6: {  	v10 =	vld.idx.msk [tilespmem:v10+s10+$0x0], $0xffff;
	v7 =	vor.u32 v12, v44;
	v11 =	vsel vm2, v16, v11;
	vm2 =	vgt.f32 v5, v0  }
0xc7: {  	v0 =	vmax.f32 v0, v5;
	v16 =	vld [tilespmem:$0x1FB80];
	v11 =	vsel vm2, v17, v11  }
0xc8: {  	v17 =	vld [tilespmem:$0x1FF80];
	v9 =	vor.u32 v13, v44;
	vm2 =	vgt.f32 v8, v0;
	v0 =	vmax.f32 v0, v8  }
0xc9: {  	v6 =	vor.u32 v14, v44;
	v11 =	vsel vm2, v18, v11;
	vm2 =	vgt.f32 v4, v0;
	v18 =	vld [tilespmem:$0x1FB90]  }
0xca: {  	v0 =	vmax.f32 v0, v4;
	v11 =	vsel vm2, v19, v11;
	v19 =	vld [tilespmem:$0x1FF90]  }
0xcb: {  	vm2 =	vgt.f32 v10, v0;
	v5 =	vld.idx.msk [tilespmem:v7+s10+$0x0], $0xffff  }
0xcc: {  	v7 =	vor.u32 v16, v44;
	v11 =	vsel vm2, v15, v11;
	v15 =	vld [tilespmem:$0x1FBA0]  }
0xcd: {  	v8 =	vor.u32 v17, v44;
	v9 =	vld.idx.msk [tilespmem:v9+s10+$0x0], $0xffff  }
0xce: {  	v4 =	vld.idx.msk [tilespmem:v6+s10+$0x0], $0xffff;
	v6 =	vor.u32 v18, v44;
	_ =	sdelay $0x1  }
0xcf: {  	v20 =	vld [tilespmem:$0x1FFA0];
	v0 =	vmax.f32 v0, v10;
	v10 =	vor.u32 v19, v44  }
0xd0: {  	v7 =	vld.idx.msk [tilespmem:v7+s10+$0x0], $0xffff  }
0xd1: {  	vm2 =	vgt.f32 v5, v0;
	v0 =	vmax.f32 v0, v5;
	v5 =	vld.idx.msk [tilespmem:v8+s10+$0x0], $0xffff;
	v8 =	vor.u32 v15, v44  }
0xd2: {  	v11 =	vsel vm2, v12, v11;
	vm2 =	vgt.f32 v9, v0;
	v6 =	vld.idx.msk [tilespmem:v6+s10+$0x0], $0xffff  }
0xd3: {  	v0 =	vmax.f32 v0, v9;
	v11 =	vsel vm2, v13, v11;
	v13 =	vld [tilespmem:$0x1FBB0]  }
0xd4: {  	vm2 =	vgt.f32 v4, v0;
	v0 =	vmax.f32 v0, v4;
	v4 =	vld.idx.msk [tilespmem:v10+s10+$0x0], $0xffff  }
0xd5: {  	v11 =	vsel vm2, v14, v11;
	v14 =	vld [tilespmem:$0x1FFB0]  }
0xd6: {  	v9 =	vor.u32 v20, v44;
	vm2 =	vgt.f32 v7, v0;
	v0 =	vmax.f32 v0, v7;
	v8 =	vld.idx.msk [tilespmem:v8+s10+$0x0], $0xffff  }
0xd7: {  	v11 =	vsel vm2, v16, v11;
	vm2 =	vgt.f32 v5, v0;
	v16 =	vld [tilespmem:$0x1FBC0]  }
0xd8: {  	v0 =	vmax.f32 v0, v5;
	v11 =	vsel vm2, v17, v11;
	v17 =	vld [tilespmem:$0x1FFC0]  }
0xd9: {  	v10 =	vor.u32 v13, v44;
	vm2 =	vgt.f32 v6, v0  }
0xda: {  	v0 =	vmax.f32 v0, v6;
	v7 =	vor.u32 v14, v44;
	v11 =	vsel vm2, v18, v11;
	v18 =	vld [tilespmem:$0x1FBD0]  }
0xdb: {  	v5 =	vld.idx.msk [tilespmem:v9+s10+$0x0], $0xffff;
	vm2 =	vgt.f32 v4, v0;
	v0 =	vmax.f32 v0, v4  }
0xdc: {  	v11 =	vsel vm2, v19, v11;
	v19 =	vld [tilespmem:$0x1FFD0];
	v9 =	vor.u32 v16, v44;
	vm2 =	vgt.f32 v8, v0  }
0xdd: {  	v6 =	vor.u32 v17, v44;
	v11 =	vsel vm2, v15, v11;
	v15 =	vld [tilespmem:$0x1FBE0]  }
0xde: {  	v10 =	vld.idx.msk [tilespmem:v10+s10+$0x0], $0xffff  }
0xdf: {  	v4 =	vld.idx.msk [tilespmem:v7+s10+$0x0], $0xffff;
	v7 =	vor.u32 v18, v44;
	_ =	sdelay $0x1  }
0xe0: {  	v0 =	vmax.f32 v0, v8;
	v8 =	vor.u32 v19, v44;
	v9 =	vld.idx.msk [tilespmem:v9+s10+$0x0], $0xffff  }
0xe1: {  	vm2 =	vgt.f32 v5, v0;
	v0 =	vmax.f32 v0, v5;
	v12 =	vor.u32 v15, v44;
	v5 =	vld.idx.msk [tilespmem:v6+s10+$0x0], $0xffff  }
0xe2: {  	v6 =	vsel vm2, v20, v11;
	v20 =	vld [tilespmem:$0x1FBF0]  }
0xe3: {  	vm2 =	vgt.f32 v10, v0;
	v7 =	vld.idx.msk [tilespmem:v7+s10+$0x0], $0xffff  }
0xe4: {  	v0 =	vmax.f32 v0, v10;
	v6 =	vsel vm2, v13, v6;
	v13 =	vld [tilespmem:$0x1FC00]  }
0xe5: {  	vm2 =	vgt.f32 v4, v0;
	v0 =	vmax.f32 v0, v4;
	v4 =	vld.idx.msk [tilespmem:v8+s10+$0x0], $0xffff  }
0xe6: {  	v8 =	vld.idx.msk [tilespmem:v12+s10+$0x0], $0xffff  }
0xe7: {  	v12 =	vld [tilespmem:$0x1FC10]  }
0xe8: {  	v6 =	vsel vm2, v14, v6;
	v14 =	vld [tilespmem:$0x1FC20];
	vm2 =	vgt.f32 v9, v0;
	v10 =	vor.u32 v20, v44  }
0xe9: {  	v0 =	vmax.f32 v0, v9;
	v6 =	vsel vm2, v16, v6  }
0xea: {  	vm2 =	vgt.f32 v5, v0;
	v0 =	vmax.f32 v0, v5;
	v16 =	vld [tilespmem:$0x1FC30];
	v11 =	vor.u32 v13, v44  }
0xeb: {  	v6 =	vsel vm2, v17, v6;
	v17 =	vld [tilespmem:$0x1FC40];
	vm2 =	vgt.f32 v7, v0  }
0xec: {  	v0 =	vmax.f32 v0, v7;
	v6 =	vsel vm2, v18, v6;
	v18 =	vld [tilespmem:$0x1FC50];
	v9 =	vor.u32 v12, v44  }
0xed: {  	vm2 =	vgt.f32 v4, v0;
	v5 =	vld.idx.msk [tilespmem:v10+s10+$0x0], $0xffff;
	v10 =	vor.u32 v14, v44  }
0xee: {  	v0 =	vmax.f32 v0, v4;
	v4 =	vsel vm2, v19, v6;
	v19 =	vld [tilespmem:$0x1FC60]  }
0xef: {  	v7 =	vld.idx.msk [tilespmem:v11+s10+$0x0], $0xffff;
	v11 =	vor.u32 v16, v44  }
0xf0: {  	vm2 =	vgt.f32 v8, v0  }
0xf1: {  	v0 =	vmax.f32 v0, v8;
	v4 =	vsel vm2, v15, v4;
	v6 =	vld.idx.msk [tilespmem:v9+s10+$0x0], $0xffff;
	v9 =	vor.u32 v17, v44  }
0xf2: {  	v8 =	vor.u32 v18, v44;
	vm2 =	vgt.f32 v5, v0;
	v0 =	vmax.f32 v0, v5;
	v5 =	vld.idx.msk [tilespmem:v10+s10+$0x0], $0xffff  }
0xf3: {  	v4 =	vsel vm2, v20, v4;
	v20 =	vadd.s32 $0x3E, v1  }
0xf4: {  	vm2 =	vgt.f32 v7, v0;
	v10 =	vld.idx.msk [tilespmem:v11+s10+$0x0], $0xffff;
	v0 =	vmax.f32 v0, v7;
	v7 =	vor.u32 v19, v44  }
0xf5: {  	v63 =	vadd.s32 $0x41, v1;
	v11 =	vor.u32 v20, v44;
	v4 =	vsel vm2, v13, v4  }
0xf6: {  	vm2 =	vgt.f32 v6, v0;
	v9 =	vld.idx.msk [tilespmem:v9+s10+$0x0], $0xffff;
	v6 =	vmax.f32 v0, v6;
	v0 =	vadd.s32 $0x3F, v1  }
0xf7: {  	v8 =	vld.idx.msk [tilespmem:v8+s10+$0x0], $0xffff;
	v4 =	vsel vm2, v12, v4;
	vm2 =	vgt.f32 v5, v6;
	v12 =	vor.u32 v0, v44  }
0xf8: {  	v5 =	vmax.f32 v6, v5;
	v6 =	vsel vm2, v14, v4;
	v4 =	vor.u32 $0x40, v1  }
0xf9: {  	v15 =	vor.u32 v63, v44;
	vm2 =	vgt.f32 v10, v5;
	v13 =	vld.idx.msk [tilespmem:v7+s10+$0x0], $0xffff;
	v14 =	vor.u32 v4, v44  }
0xfa: {  	v10 =	vmax.f32 v5, v10;
	v11 =	vld.idx.msk [tilespmem:v11+s10+$0x0], $0xffff;
	v7 =	vsel vm2, v16, v6;
	v6 =	vadd.s32 $0x42, v1  }
0xfb: {  	v16 =	vor.u32 v6, v44;
	vm2 =	vgt.f32 v9, v10;
	v9 =	vmax.f32 v10, v9  }
0xfc: {  	v10 =	vsel vm2, v17, v7;
	vm2 =	vgt.f32 v8, v9;
	v12 =	vld.idx.msk [tilespmem:v12+s10+$0x0], $0xffff;
	v7 =	vadd.s32 $0x43, v1  }
0xfd: {  	v8 =	vmax.f32 v9, v8;
	v17 =	vor.u32 v7, v44;
	v9 =	vsel vm2, v18, v10  }
0xfe: {  	vm2 =	vgt.f32 v13, v8;
	v10 =	vmax.f32 v8, v13;
	v8 =	vadd.s32 $0x44, v1;
	v13 =	vld.idx.msk [tilespmem:v14+s10+$0x0], $0xffff  }
0xff: {  	v15 =	vld.idx.msk [tilespmem:v15+s10+$0x0], $0xffff;
	v14 =	vsel vm2, v19, v9;
	vm2 =	vgt.f32 v11, v10;
	v18 =	vor.u32 v8, v44  }
0x100: {  	v11 =	vmax.f32 v10, v11;
	v9 =	vadd.s32 $0x45, v1;
	v10 =	vadd.s32 $0x46, v1  }
0x101: {  	v14 =	vsel vm2, v20, v14;
	v16 =	vld.idx.msk [tilespmem:v16+s10+$0x0], $0xffff;
	v19 =	vor.u32 v9, v44;
	vm2 =	vgt.f32 v12, v11  }
0x102: {  	[tilespmem:$0x1F9F0] =	vst v20;
	v20 =	vor.u32 v10, v44;
	v11 =	vmax.f32 v11, v12;
	v12 =	vsel vm2, v0, v14  }
0x103: {  	v17 =	vld.idx.msk [tilespmem:v17+s10+$0x0], $0xffff;
	vm2 =	vgt.f32 v13, v11;
	v13 =	vmax.f32 v11, v13;
	v11 =	vadd.s32 $0x47, v1  }
0x104: {  	v14 =	vsel vm2, v4, v12;
	vm2 =	vgt.f32 v15, v13;
	v21 =	vor.u32 v11, v44  }
0x105: {  	v18 =	vld.idx.msk [tilespmem:v18+s10+$0x0], $0xffff;
	v13 =	vmax.f32 v13, v15;
	v12 =	vadd.s32 $0x48, v1;
	v14 =	vsel vm2, v63, v14  }
0x106: {  	vm2 =	vgt.f32 v16, v13;
	v15 =	vmax.f32 v13, v16;
	v16 =	vld.idx.msk [tilespmem:v19+s10+$0x0], $0xffff;
	v19 =	vor.u32 v12, v44  }
0x107: {  	v13 =	vadd.s32 $0x49, v1;
	v22 =	vsel vm2, v6, v14  }
0x108: {  	v20 =	vld.idx.msk [tilespmem:v20+s10+$0x0], $0xffff;
	v14 =	vadd.s32 $0x4A, v1;
	vm2 =	vgt.f32 v17, v15;
	v15 =	vmax.f32 v15, v17  }
0x109: {  	v17 =	vor.u32 v13, v44;
	v23 =	vor.u32 v14, v44;
	v22 =	vsel vm2, v7, v22;
	v21 =	vld.idx.msk [tilespmem:v21+s10+$0x0], $0xffff  }
0x10a: {  	vm2 =	vgt.f32 v18, v15;
	v18 =	vmax.f32 v15, v18;
	v15 =	vadd.s32 $0x4B, v1  }
0x10b: {  	v22 =	vsel vm2, v8, v22;
	v24 =	vor.u32 v15, v44;
	vm2 =	vgt.f32 v16, v18;
	v19 =	vld.idx.msk [tilespmem:v19+s10+$0x0], $0xffff  }
0x10c: {  	v18 =	vmax.f32 v18, v16;
	v16 =	vadd.s32 $0x4C, v1;
	v22 =	vsel vm2, v9, v22  }
0x10d: {  	vm2 =	vgt.f32 v20, v18;
	v18 =	vmax.f32 v18, v20;
	v25 =	vor.u32 v16, v44  }
0x10e: {  	v20 =	vld.idx.msk [tilespmem:v17+s10+$0x0], $0xffff;
	v17 =	vadd.s32 $0x4D, v1;
	v22 =	vsel vm2, v10, v22;
	vm2 =	vgt.f32 v21, v18  }
0x10f: {  	v26 =	vor.u32 v17, v44;
	v18 =	vmax.f32 v18, v21;
	v21 =	vsel vm2, v11, v22  }
0x110: {  	vm2 =	vgt.f32 v19, v18;
	v22 =	vmax.f32 v18, v19;
	v18 =	vadd.s32 $0x4E, v1  }
0x111: {  	v23 =	vld.idx.msk [tilespmem:v23+s10+$0x0], $0xffff;
	v27 =	vor.u32 v18, v44  }
0x112: {  	v24 =	vld.idx.msk [tilespmem:v24+s10+$0x0], $0xffff  }
0x113: {  	v19 =	vadd.s32 $0x4F, v1  }
0x114: {  	v21 =	vsel vm2, v12, v21;
	v25 =	vld.idx.msk [tilespmem:v25+s10+$0x0], $0xffff;
	v28 =	vor.u32 v19, v44;
	vm2 =	vgt.f32 v20, v22  }
0x115: {  	v22 =	vmax.f32 v22, v20;
	v20 =	vor.u32 $0x50, v1;
	v29 =	vsel vm2, v13, v21;
	v26 =	vld.idx.msk [tilespmem:v26+s10+$0x0], $0xffff  }
0x116: {  	vm2 =	vgt.f32 v23, v22;
	v22 =	vmax.f32 v22, v23;
	v30 =	vor.u32 v20, v44;
	v27 =	vld.idx.msk [tilespmem:v27+s10+$0x0], $0xffff  }
0x117: {  	v21 =	vadd.s32 $0x51, v1;
	v23 =	vsel vm2, v14, v29;
	vm2 =	vgt.f32 v24, v22  }
0x118: {  	v29 =	vor.u32 v21, v44;
	v24 =	vmax.f32 v22, v24;
	v22 =	vadd.s32 $0x52, v1  }
0x119: {  	v34 =	vld [tilespmem:$0x1FDD0];
	v23 =	vsel vm2, v15, v23;
	vm2 =	vgt.f32 v25, v24;
	v24 =	vmax.f32 v24, v25  }
0x11a: {  	v40 =	vld [tilespmem:$0x1FB40];
	v25 =	vsel vm2, v16, v23;
	vm2 =	vgt.f32 v26, v24;
	v26 =	vmax.f32 v24, v26  }
0x11b: {  	v35 =	vsel vm2, v17, v25;
	vm2 =	vgt.f32 v27, v26;
	v26 =	vmax.f32 v26, v27;
	v27 =	vld [tilespmem:$0x1FB30]  }
0x11c: {  	v31 =	vor.u32 v22, v44;
	v28 =	vld.idx.msk [tilespmem:v28+s10+$0x0], $0xffff;
	v23 =	vadd.s32 $0x53, v1  }
0x11d: {  	v45 =	vor.u32 v23, v44;
	_ =	sdelay $0x1  }
0x11e: {  	v34 =	vsel vm0, v34, v40;
	v30 =	vld.idx.msk [tilespmem:v30+s10+$0x0], $0xffff  }
0x11f: {  	v29 =	vld.idx.msk [tilespmem:v29+s10+$0x0], $0xffff;
	v36 =	vcombine.low v27, v34  }
0x120: {  	v27 =	vsel vm2, v18, v35;
	vm2 =	vgt.f32 v28, v26;
	v26 =	vmax.f32 v26, v28;
	v28 =	vld.idx.msk [tilespmem:v31+s10+$0x0], $0xffff  }
0x121: {  	v24 =	vadd.s32 $0x54, v1;
	v32 =	vld.idx.msk [tilespmem:v45+s10+$0x0], $0xffff  }
0x122: {  	v46 =	vor.u32 v24, v44  }
0x123: {  	v48 =	vld [tilespmem:$0x1FDF0];
	v27 =	vsel vm2, v19, v27;
	vm2 =	vgt.f32 v30, v26;
	v30 =	vmax.f32 v26, v30  }
0x124: {  	v43 =	vld [tilespmem:$0x1FDE0];
	v27 =	vsel vm2, v20, v27;
	vm2 =	vgt.f32 v29, v30;
	v29 =	vmax.f32 v30, v29  }
0x125: {  	v49 =	vld [tilespmem:$0x1FB50];
	v52 =	vsel vm2, v21, v27;
	vm2 =	vgt.f32 v28, v29;
	v28 =	vmax.f32 v29, v28  }
0x126: {  	v51 =	vld [tilespmem:$0x1FE40];
	v29 =	vsel vm2, v22, v52;
	vm2 =	vgt.f32 v32, v28  }
0x127: {  	v58 =	vsel vm2, v23, v29;
	v29 =	vld [tilespmem:$0x1FE60]  }
0x128: {  	v54 =	vld [tilespmem:$0x1FE20]  }
0x129: {  	v33 =	vld.idx.msk [tilespmem:v46+s10+$0x0], $0xffff  }
0x12a: {  	v46 =	vld [tilespmem:$0x1FE30]  }
0x12b: {  	v32 =	vmax.f32 v28, v32;
	v28 =	vld [tilespmem:$0x1FB20]  }
0x12c: {  	v31 =	vor.u32 v36, v44;
	v41 =	vor.u32 v29, v44;
	v29 =	vld [tilespmem:$0x1FE70]  }
0x12d: {  	v37 =	vsel vm0, v48, v43  }
0x12e: {  	v35 =	vcombine.low v49, v37  }
0x12f: {  	v38 =	vsel vm0, v51, v46  }
0x130: {  	[tilespmem:$0x1FA10] =	vst v36;
	v30 =	vor.u32 v35, v44;
	v36 =	vcombine.low v54, v38;
	v28 =	vsel vm0, v40, v28  }
0x131: {  	v31 =	vld.idx.msk [tilespmem:v31+s10+$0x0], $0xffff;
	v28 =	vcombine.low v28, v29  }
0x132: {  	[tilespmem:$0x1FA30] =	vst v36;
	v56 =	vor.u32 v36, v44;
	v29 =	vld [tilespmem:$0x1FDC0]  }
0x133: {  	[tilespmem:$0x1FA40] =	vst v28;
	v36 =	vor.u32 v28, v44;
	v28 =	vld [tilespmem:$0x1FE00]  }
0x134: {  	v51 =	vld [tilespmem:$0x1FE80]  }
0x135: {  	v59 =	vld.idx.msk [tilespmem:v30+s10+$0x0], $0xffff  }
0x136: {  	v54 =	vld [tilespmem:$0x1FE10];
	vm2 =	vgt.f32 v33, v32;
	v30 =	vmax.f32 v32, v33  }
0x137: {  	v52 =	vsel vm2, v24, v58;
	vm2 =	vgt.f32 v31, v30;
	v29 =	vsel vm0, v43, v29;
	v43 =	vld.idx.msk [tilespmem:v56+s10+$0x0], $0xffff  }
0x138: {  	v33 =	vmax.f32 v30, v31;
	v56 =	vld [tilespmem:$0x1FE50];
	v31 =	vsel vm0, v46, v28;
	v28 =	vadd.s32 $0x55, v1  }
0x139: {  	[tilespmem:$0x1FA60] =	vst v28;
	v58 =	vsel vm2, v28, v52;
	v28 =	vld [tilespmem:$0x1FEF0]  }
0x13a: {  	v40 =	vmax.f32 v33, v59;
	v29 =	vcombine.low v29, v51;
	vm2 =	vgt.f32 v59, v33;
	v59 =	vld [tilespmem:$0x1FEE0];
	_ =	sdelay $0x1  }
0x13b: {  	v45 =	vor.u32 v29, v44  }
0x13c: {  	[tilespmem:$0x1FA20] =	vst v35;
	v35 =	vsel vm0, v54, v56  }
0x13d: {  	v28 =	vcombine.low v35, v28  }
0x13e: {  	v35 =	vand.u32 $0xF, v59  }
0x13f: {  	v52 =	vadd.s32 $0x56, v1;
	[tilespmem:$0x1FA80] =	vst v28;
	v51 =	vor.u32 v28, v44;
	v28 =	vcombine.low v34, v35  }
0x140: {  	v46 =	vsel vm2, v52, v58;
	vm2 =	vgt.f32 v43, v40;
	v40 =	vmax.f32 v40, v43;
	v43 =	vld.idx.msk [tilespmem:v45+s10+$0x0], $0xffff  }
0x141: {  	[tilespmem:$0x1FAA0] =	vst v28;
	v45 =	vor.u32 v28, v44;
	v28 =	vld [tilespmem:$0x1FF00];
	_ =	sdelay $0x4  }
0x142: {  	v34 =	vcombine.low v37, v28;
	v28 =	vld [tilespmem:$0x1FF10];
	_ =	sdelay $0x1  }
0x143: {  	[tilespmem:$0x1FA50] =	vst v29;
	v29 =	vld [tilespmem:$0x1FED0];
	_ =	sdelay $0x2  }
0x144: {  	v37 =	vcombine.low v38, v28;
	v28 =	vld [tilespmem:$0x1FE90];
	_ =	sdelay $0x1  }
0x145: {  	v48 =	vcombine.low v31, v29  }
0x146: {  	v41 =	vld.idx.msk [tilespmem:v41+s10+$0x0], $0xffff  }
0x147: {  	[tilespmem:$0x1FA70] =	vst v48;
	v48 =	vor.u32 v48, v44;
	v59 =	vld.idx.msk [tilespmem:v45+s10+$0x0], $0xffff  }
0x148: {  	v45 =	vor.u32 v28, v44;
	v28 =	vld [tilespmem:$0x1FEA0]  }
0x149: {  	v49 =	vld.idx.msk [tilespmem:v36+s10+$0x0], $0xffff  }
0x14a: {  	v36 =	vadd.s32 $0x57, v1  }
0x14b: {  	v46 =	vsel vm2, v36, v46;
	vm2 =	vgt.f32 v41, v40  }
0x14c: {  	[tilespmem:$0x1FA90] =	vst v52;
	v41 =	vmax.f32 v40, v41;
	v48 =	vld.idx.msk [tilespmem:v48+s10+$0x0], $0xffff;
	v52 =	vor.u32 v34, v44;
	v38 =	vadd.s32 $0x58, v1  }
0x14d: {  	v40 =	vadd.s32 $0x59, v1;
	v46 =	vsel vm2, v38, v46;
	v35 =	vor.u32 v28, v44;
	v28 =	vld [tilespmem:$0x1FEB0]  }
0x14e: {  	v51 =	vld.idx.msk [tilespmem:v51+s10+$0x0], $0xffff;
	vm2 =	vgt.f32 v49, v41;
	v49 =	vmax.f32 v41, v49;
	v58 =	vor.u32 v37, v44  }
0x14f: {  	v41 =	vadd.s32 $0x5A, v1;
	v46 =	vsel vm2, v40, v46;
	vm2 =	vgt.f32 v43, v49  }
0x150: {  	v43 =	vmax.f32 v49, v43;
	v46 =	vsel vm2, v41, v46  }
0x151: {  	v52 =	vld.idx.msk [tilespmem:v52+s10+$0x0], $0xffff;
	vm2 =	vgt.f32 v48, v43;
	v48 =	vmax.f32 v43, v48;
	v43 =	vadd.s32 $0x5B, v1  }
0x152: {  	v54 =	vmovc v53;
	v53 =	vmov v60;
	v46 =	vsel vm2, v43, v46;
	v60 =	vor.u32 v28, v44  }
0x153: {  	vm2 =	vgt.f32 v51, v48;
	v48 =	vmax.f32 v48, v51;
	v51 =	vor.u32 v61, v44;
	v58 =	vld.idx.msk [tilespmem:v58+s10+$0x0], $0xffff  }
0x154: {  	v61 =	vld.idx.msk [tilespmem:v45+s10+$0x0], $0xffff;
	v45 =	vadd.s32 $0x5D, v1;
	v44 =	vadd.s32 $0x5C, v1  }
0x155: {  	v46 =	vsel vm2, v44, v46;
	vm2 =	vgt.f32 v59, v48;
	v48 =	vmax.f32 v48, v59;
	v59 =	vld.idx.msk [tilespmem:v35+s10+$0x0], $0xffff  }
0x156: {  	v35 =	vadd.s32 $0x5E, v1;
	v46 =	vsel vm2, v45, v46;
	vm2 =	vgt.f32 v52, v48  }
0x157: {  	v52 =	vmax.f32 v48, v52;
	v48 =	vor.u32 $0x60, v1;
	v49 =	vsel vm2, v35, v46;
	v60 =	vld.idx.msk [tilespmem:v60+s10+$0x0], $0xffff  }
0x158: {  	vm2 =	vgt.f32 v58, v52;
	v46 =	vadd.s32 $0x5F, v1;
	v52 =	vmax.f32 v52, v58;
	v58 =	vld.idx.msk [tilespmem:v51+s10+$0x0], $0xffff  }
0x159: {  	v56 =	vsel vm2, v46, v49;
	vm2 =	vgt.f32 v61, v52;
	v52 =	vmax.f32 v52, v61  }
0x15a: {  	v28 =	vmovc v62;
	v62 =	vld [tilespmem:s23+$0x0];
	v49 =	vadd.s32 $0x61, v1;
	v56 =	vsel vm2, v48, v56;
	vm2 =	vgt.f32 v59, v52  }
0x15b: {  	v52 =	vmax.f32 v52, v59;
	v59 =	vsel vm2, v49, v56  }
0x15c: {  	vm2 =	vgt.f32 v60, v52;
	v60 =	vmax.f32 v52, v60;
	v52 =	vadd.s32 $0x62, v1  }
0x15d: {  	v59 =	vsel vm2, v52, v59;
	vm2 =	vgt.f32 v58, v60;
	v58 =	vadd.s32 $0x63, v1  }
0x15e: {  	v59 =	vsel vm2, v58, v59  }
0x15f: {  	v51 =	vmul.u32 $0x64, v62;
	v56 =	vadd.s32 $0xFFFFFF9C, v59  }
0x160: {  	v59 =	vmin.u32 v59, v56  }
0x161: {  	v59 =	vadd.s32 v51, v59  }
0x162: {  	v51 =	vxor.u32 $0x80000000, v59  }
0x163: {  	(xrf1) =	vsort.ascd.msk.u32 $0xffff, v51, v59;
	_ =	sdelay $0xd  }
0x164: {  	v59, _, _ =	vpop (xrf1)  }
0x165: {  	v60 =	vxor.u32 $0x80000000, v59  }
0x166: {  	v59 =	vperm.xlane v60, v28  }
0x167: {  	v51 =	vld [tilespmem:$0x1FF20]  }
0x168: {  	vm2 =	veq.s32 v60, v59;
	v59 =	vor.u32 $0x80000000, v1  }
0x169: {  	v56 =	vsel vm2, $0x80000000, v59  }
0x16a: {  	(xrf0) =	vmax.scan.msk.u32 $0xffff, v56;
	_ =	sdelay $0x1  }
0x16b: {  	v61 =	vperm.xlane v60, v51  }
0x16c: {  	v25 =	vld [tilespmem:$0x1FC90]  }
0x16d: {  	v26 =	vld [tilespmem:$0x1FCA0];
	vm2 =	vne.s32 v60, v61  }
0x16e: {  	v27 =	vld [tilespmem:$0x1FCB0];
	vm2 =	vmor vm2, vm1  }
0x16f: {  	v32 =	vld [tilespmem:$0x1FCD0];
	v56, _, _ =	vpop (xrf0)  }
0x170: {  	v30 =	vld [tilespmem:$0x1FD50];
	v61 =	vxor.u32 $0x80000000, v56  }
0x171: {  	p0 =	sne.s32 s24, $0x50;
	v33 =	vld [tilespmem:$0x1FD40];
	v61 =	vsub.s32 v50, v61  }
.Ltmp3:
0x172: {  	v31 =	vld [tilespmem:$0x1FD60];
	v61 =	vcvt.s32.f32 v61;
	(pc) =	sbr.rel @p0 .LBB2_5-.Ltmp3, $4  }
0x173: {  	v29 =	vld [tilespmem:$0x1FB10]  }
0x174: {  	[tilespmem:v60+s14+$0x0] =	vst.idx.add.f32.msk vm2, v61  }
0x175: {  	v60 =	vmov v53;
	v53 =	vmov v54;
	v54 =	vld [tilespmem:$0x1FAB0]  }
0x176: {  	s24 =	sadd.s32 $0x10, s24;
	[tilespmem:$0x1FA00] =	vst v0;
	s23 =	sadd.s32 $0x10, s23;
	v62 =	vmov v28;
	v61 =	vld [tilespmem:$0x1FEC0]  }
0x177: {  	s23 =	sshll.u32 s22, $0x1;
	p0 =	seq.s32 s22, $0x5  }
0x178: {  	s24 =	sadd.s32 @!p0 $0x2, s23  }
0x179: {  	s25 =	smulhi.u32 @!p0 $0x2AAAAAAB, s24;
	_ =	sdelay $0x1  }
0x17a: {  	s26 =	smul.u32 @!p0 $0x6, s25  }
0x17b: {  	s25 =	sadd.s32 @!p0 s5, s25  }
0x17c: {  	s25 =	smul.u32 @!p0 $0x12000, s25;
	s24 =	ssub.s32 @!p0 s24, s26  }
0x17d: {  	s24 =	smul.u32 @!p0 $0x3000, s24;
	_ =	sdelay $0x1  }
0x17e: {  	s24 =	sadd.s32 @!p0 s24, s25  }
0x17f: {  	s24 =	sshrl.u32 @!p0 s24, $0x3  }
0x180: {  	s26 =	simm.s32 @!p0 $0x480;
	s25 =	simm.s32 @!p0 $0x0;
	s24 =	sadd.s32 @!p0 s3, s24  }
0x181: {  	[tilespmem:s26], [sflag:$0x1] =	stream.linear.gather @!p0 [hbm4b:s24+s25], $0x3000, $0x38;
	[tilespmem:$0x8C00] =	vst v63  }
0x182: {  	_ =	swait.ge [sflag:s15], $0x3000  }
0x183: {  	[sflag:s15] =	ssyncset.done $0x0  }
0x184: {  	s24 =	simm.s32 $0x0;
	s25 =	smov.u32 s21;
	[sflag:s15] =	ssyncadd.s32 $0xFFFFD000  }
.LBB2_7:
0x185: {  	v60 =	vmov s24  }
0x186: {  	v60 =	vshll.u32 v60, $0x7  }
0x187: {  	v60 =	vor.u32 v39, v60  }
0x188: {  	v31 =	vld [tilespmem:$0x1FAB0];
	v61 =	vor.u32 v1, v60  }
0x189: {  	v32 =	vld [tilespmem:$0x1FFE0];
	v51 =	vmovc v48;
	v48 =	vmov v35;
	v35 =	vmov v45;
	v62 =	vor.u32 v50, v60  }
0x18a: {  	v33 =	vld [tilespmem:$0x1FC70];
	v45 =	vmovc v44;
	v44 =	vmovc v43;
	v43 =	vmov v41;
	v41 =	vmov v40;
	v2 =	vor.u32 v3, v60  }
0x18b: {  	v40 =	vmovc v38;
	v38 =	vmovc v37;
	v37 =	vmov v34;
	v34 =	vmov v36;
	v36 =	vld [tilespmem:$0x1FAC0];
	v39 =	vor.u32 v55, v60  }
0x18c: {  	v0 =	vmovc v4;
	v4 =	vmov v49;
	v49 =	vmov v46;
	v46 =	vld [tilespmem:$0x1FAD0];
	v42 =	vor.u32 v57, v60  }
0x18d: {  	v61 =	vld.idx.msk [tilespmem:v61+s11+$0x0], $0xffff  }
0x18e: {  	v62 =	vld.idx.msk [tilespmem:v62+s11+$0x0], $0xffff  }
0x18f: {  	v47 =	vor.u32 v31, v60;
	v2 =	vld.idx.msk [tilespmem:v2+s11+$0x0], $0xffff  }
0x190: {  	v56 =	vmov v50;
	v50 =	vor.u32 v32, v60;
	v39 =	vld.idx.msk [tilespmem:v39+s11+$0x0], $0xffff  }
0x191: {  	v53 =	vor.u32 v33, v60;
	v42 =	vld.idx.msk [tilespmem:v42+s11+$0x0], $0xffff  }
0x192: {  	v5 =	vld [tilespmem:$0x1FFF0]  }
0x193: {  	vm2 =	vgt.f32 v62, v61;
	v61 =	vmax.f32 v61, v62;
	v62 =	vor.u32 v36, v60  }
0x194: {  	v47 =	vld.idx.msk [tilespmem:v47+s11+$0x0], $0xffff;
	v54 =	vsel vm2, v56, v1;
	vm2 =	vgt.f32 v2, v61;
	v2 =	vmax.f32 v61, v2  }
0x195: {  	v50 =	vld.idx.msk [tilespmem:v50+s11+$0x0], $0xffff;
	v54 =	vsel vm2, v3, v54;
	vm2 =	vgt.f32 v39, v2;
	v2 =	vmax.f32 v2, v39  }
0x196: {  	v53 =	vld.idx.msk [tilespmem:v53+s11+$0x0], $0xffff;
	v61 =	vor.u32 v46, v60;
	v54 =	vsel vm2, v55, v54;
	vm2 =	vgt.f32 v42, v2  }
0x197: {  	v29 =	vmov v57;
	v39 =	vor.u32 v5, v60;
	v54 =	vsel vm2, v57, v54;
	v57 =	vld [tilespmem:$0x1FAE0]  }
0x198: {  	v30 =	vmov v55;
	v2 =	vmax.f32 v2, v42;
	v55 =	vld [tilespmem:$0x1FAF0]  }
0x199: {  	vm2 =	vgt.f32 v47, v2;
	v2 =	vmax.f32 v2, v47;
	v42 =	vld.idx.msk [tilespmem:v62+s11+$0x0], $0xffff;
	v62 =	vor.u32 v25, v60  }
0x19a: {  	v47 =	vor.u32 v26, v60;
	v54 =	vsel vm2, v31, v54;
	vm2 =	vgt.f32 v50, v2;
	v31 =	vld [tilespmem:$0x1FB00]  }
0x19b: {  	v2 =	vmax.f32 v2, v50;
	v50 =	vor.u32 v27, v60;
	v61 =	vld.idx.msk [tilespmem:v61+s11+$0x0], $0xffff;
	v54 =	vsel vm2, v32, v54  }
0x19c: {  	vm2 =	vgt.f32 v53, v2;
	v2 =	vmax.f32 v2, v53;
	v39 =	vld.idx.msk [tilespmem:v39+s11+$0x0], $0xffff;
	v53 =	vor.u32 v57, v60  }
0x19d: {  	v32 =	vld [tilespmem:$0x1FCC0]  }
0x19e: {  	v54 =	vsel vm2, v33, v54;
	vm2 =	vgt.f32 v42, v2;
	v62 =	vld.idx.msk [tilespmem:v62+s11+$0x0], $0xffff  }
0x19f: {  	v2 =	vmax.f32 v2, v42;
	v42 =	vld.idx.msk [tilespmem:v47+s11+$0x0], $0xffff;
	v47 =	vor.u32 v55, v60;
	v54 =	vsel vm2, v36, v54  }
0x1a0: {  	v50 =	vld.idx.msk [tilespmem:v50+s11+$0x0], $0xffff;
	vm2 =	vgt.f32 v61, v2;
	v2 =	vmax.f32 v2, v61;
	v61 =	vor.u32 v31, v60  }
0x1a1: {  	v54 =	vsel vm2, v46, v54;
	vm2 =	vgt.f32 v39, v2;
	v2 =	vmax.f32 v2, v39;
	v39 =	vld.idx.msk [tilespmem:v53+s11+$0x0], $0xffff  }
0x1a2: {  	v53 =	vld [tilespmem:$0x1FB10]  }
0x1a3: {  	v33 =	vor.u32 v32, v60;
	v46 =	vmovc v49;
	v49 =	vmov v4;
	v4 =	vmov v0;
	v0 =	vld [tilespmem:$0x1FCD0]  }
0x1a4: {  	v54 =	vsel vm2, v5, v54;
	vm2 =	vgt.f32 v62, v2;
	v2 =	vmax.f32 v2, v62;
	v47 =	vld.idx.msk [tilespmem:v47+s11+$0x0], $0xffff  }
0x1a5: {  	v54 =	vsel vm2, v25, v54;
	vm2 =	vgt.f32 v42, v2;
	v2 =	vmax.f32 v2, v42;
	v42 =	vld.idx.msk [tilespmem:v61+s11+$0x0], $0xffff  }
0x1a6: {  	v25 =	vld [tilespmem:$0x1FB10];
	v54 =	vsel vm2, v26, v54;
	vm2 =	vgt.f32 v50, v2;
	v2 =	vmax.f32 v2, v50  }
0x1a7: {  	v26 =	vld [tilespmem:$0x1FCE0];
	v54 =	vsel vm2, v27, v54;
	v53 =	vor.u32 v53, v60;
	vm2 =	vgt.f32 v39, v2  }
0x1a8: {  	v54 =	vsel vm2, v57, v54;
	v57 =	vld [tilespmem:$0x1FD00]  }
0x1a9: {  	v61 =	vor.u32 v0, v60;
	v0 =	vld [tilespmem:$0x1FD40]  }
0x1aa: {  	v27 =	vld [tilespmem:$0x1FCF0]  }
0x1ab: {  	v2 =	vmax.f32 v2, v39;
	v39 =	vld.idx.msk [tilespmem:v33+s11+$0x0], $0xffff  }
0x1ac: {  	vm2 =	vgt.f32 v47, v2;
	v2 =	vmax.f32 v2, v47;
	v50 =	vor.u32 v26, v60;
	v53 =	vld.idx.msk [tilespmem:v53+s11+$0x0], $0xffff  }
0x1ad: {  	v54 =	vsel vm2, v55, v54;
	vm2 =	vgt.f32 v42, v2;
	v55 =	vld [tilespmem:$0x1FD10];
	v33 =	vor.u32 v57, v60  }
0x1ae: {  	v54 =	vsel vm2, v31, v54;
	v31 =	vld [tilespmem:$0x1FD20]  }
0x1af: {  	v61 =	vld.idx.msk [tilespmem:v61+s11+$0x0], $0xffff  }
0x1b0: {  	v2 =	vmax.f32 v2, v42  }
0x1b1: {  	v62 =	vor.u32 v27, v60;
	v42 =	vld.idx.msk [tilespmem:v50+s11+$0x0], $0xffff;
	vm2 =	vgt.f32 v53, v2;
	v2 =	vmax.f32 v2, v53  }
0x1b2: {  	v54 =	vsel vm2, v25, v54;
	vm2 =	vgt.f32 v39, v2;
	v2 =	vmax.f32 v2, v39;
	v39 =	vld.idx.msk [tilespmem:v33+s11+$0x0], $0xffff  }
0x1b3: {  	v50 =	vor.u32 v55, v60;
	v53 =	vor.u32 v31, v60;
	v33 =	vld [tilespmem:$0x1FD30];
	v54 =	vsel vm2, v32, v54  }
0x1b4: {  	vm2 =	vgt.f32 v61, v2;
	v2 =	vmax.f32 v2, v61;
	v61 =	vor.u32 v0, v60;
	v0 =	vld [tilespmem:$0x1FCD0]  }
0x1b5: {  	v25 =	vld [tilespmem:$0x1FD50]  }
0x1b6: {  	v62 =	vld.idx.msk [tilespmem:v62+s11+$0x0], $0xffff;
	_ =	sdelay $0x1  }
0x1b7: {  	v50 =	vld.idx.msk [tilespmem:v50+s11+$0x0], $0xffff  }
0x1b8: {  	v54 =	vsel vm2, v0, v54;
	vm2 =	vgt.f32 v42, v2;
	v2 =	vmax.f32 v2, v42;
	v42 =	vld.idx.msk [tilespmem:v53+s11+$0x0], $0xffff  }
0x1b9: {  	v47 =	vor.u32 v33, v60;
	v53 =	vor.u32 v25, v60;
	v25 =	vld [tilespmem:$0x1FD60]  }
0x1ba: {  	v0 =	vld [tilespmem:$0x1FD40];
	v54 =	vsel vm2, v26, v54;
	vm2 =	vgt.f32 v62, v2;
	v2 =	vmax.f32 v2, v62  }
0x1bb: {  	v26 =	vld [tilespmem:$0x1FD70];
	v54 =	vsel vm2, v27, v54;
	vm2 =	vgt.f32 v39, v2;
	v2 =	vmax.f32 v2, v39  }
0x1bc: {  	v39 =	vld.idx.msk [tilespmem:v61+s11+$0x0], $0xffff;
	v54 =	vsel vm2, v57, v54;
	vm2 =	vgt.f32 v50, v2;
	v2 =	vmax.f32 v2, v50  }
0x1bd: {  	v27 =	vld [tilespmem:$0x1FD80];
	v54 =	vsel vm2, v55, v54;
	vm2 =	vgt.f32 v42, v2  }
0x1be: {  	v32 =	vor.u32 v25, v60;
	v54 =	vsel vm2, v31, v54;
	v31 =	vld [tilespmem:$0x1FDA0]  }
0x1bf: {  	v47 =	vld.idx.msk [tilespmem:v47+s11+$0x0], $0xffff  }
0x1c0: {  	v55 =	vld [tilespmem:$0x1FF30]  }
0x1c1: {  	v53 =	vld.idx.msk [tilespmem:v53+s11+$0x0], $0xffff;
	v61 =	vor.u32 v26, v60  }
0x1c2: {  	v25 =	vld [tilespmem:$0x1FD50]  }
0x1c3: {  	v2 =	vmax.f32 v2, v42;
	v42 =	vld.idx.msk [tilespmem:v32+s11+$0x0], $0xffff;
	v57 =	vor.u32 v31, v60  }
0x1c4: {  	vm2 =	vgt.f32 v47, v2;
	v2 =	vmax.f32 v2, v47;
	v32 =	vld [tilespmem:$0x1FD90]  }
0x1c5: {  	v54 =	vsel vm2, v33, v54;
	vm2 =	vgt.f32 v39, v2;
	v2 =	vmax.f32 v2, v39;
	v33 =	vld [tilespmem:$0x1FDB0]  }
0x1c6: {  	v50 =	vor.u32 v27, v60;
	v61 =	vld.idx.msk [tilespmem:v61+s11+$0x0], $0xffff;
	v54 =	vsel vm2, v0, v54;
	vm2 =	vgt.f32 v53, v2  }
0x1c7: {  	v2 =	vmax.f32 v2, v53;
	v54 =	vsel vm2, v25, v54;
	v25 =	vld [tilespmem:$0x1FD60]  }
0x1c8: {  	vm2 =	vgt.f32 v42, v2;
	v2 =	vmax.f32 v2, v42;
	v42 =	vld.idx.msk [tilespmem:v57+s11+$0x0], $0xffff  }
0x1c9: {  	v62 =	vor.u32 v32, v60;
	v57 =	vld [tilespmem:$0x1FF40];
	_ =	sdelay $0x1  }
0x1ca: {  	v53 =	vor.u32 v55, v60;
	v39 =	vld.idx.msk [tilespmem:v50+s11+$0x0], $0xffff  }
0x1cb: {  	v54 =	vsel vm2, v25, v54;
	vm2 =	vgt.f32 v61, v2;
	v25 =	vld [tilespmem:$0x1FF50]  }
0x1cc: {  	v50 =	vor.u32 v33, v60;
	v54 =	vsel vm2, v26, v54;
	v26 =	vld [tilespmem:$0x1FB60]  }
0x1cd: {  	v62 =	vld.idx.msk [tilespmem:v62+s11+$0x0], $0xffff;
	v47 =	vor.u32 v57, v60  }
0x1ce: {  	v2 =	vmax.f32 v2, v61  }
0x1cf: {  	vm2 =	vgt.f32 v39, v2;
	v2 =	vmax.f32 v2, v39;
	v39 =	vld.idx.msk [tilespmem:v53+s11+$0x0], $0xffff  }
0x1d0: {  	v54 =	vsel vm2, v27, v54;
	v27 =	vld [tilespmem:$0x1FF60];
	v61 =	vor.u32 v25, v60  }
0x1d1: {  	v50 =	vld.idx.msk [tilespmem:v50+s11+$0x0], $0xffff;
	v53 =	vor.u32 v26, v60  }
0x1d2: {  	vm2 =	vgt.f32 v62, v2;
	v2 =	vmax.f32 v2, v62;
	v47 =	vld.idx.msk [tilespmem:v47+s11+$0x0], $0xffff  }
0x1d3: {  	v54 =	vsel vm2, v32, v54;
	vm2 =	vgt.f32 v42, v2;
	v32 =	vld [tilespmem:$0x1FB70]  }
0x1d4: {  	v54 =	vsel vm2, v31, v54;
	v31 =	vld [tilespmem:$0x1FF70]  }
0x1d5: {  	v62 =	vor.u32 v27, v60;
	v2 =	vmax.f32 v2, v42;
	v42 =	vld.idx.msk [tilespmem:v61+s11+$0x0], $0xffff  }
0x1d6: {  	vm2 =	vgt.f32 v50, v2;
	v2 =	vmax.f32 v2, v50;
	v53 =	vld.idx.msk [tilespmem:v53+s11+$0x0], $0xffff  }
0x1d7: {  	v54 =	vsel vm2, v33, v54;
	vm2 =	vgt.f32 v39, v2;
	v2 =	vmax.f32 v2, v39;
	v33 =	vld [tilespmem:$0x1FB80]  }
0x1d8: {  	v54 =	vsel vm2, v55, v54;
	v55 =	vld [tilespmem:$0x1FF80];
	v61 =	vor.u32 v32, v60;
	vm2 =	vgt.f32 v47, v2  }
0x1d9: {  	v2 =	vmax.f32 v2, v47;
	v50 =	vor.u32 v31, v60;
	v54 =	vsel vm2, v57, v54;
	v57 =	vld [tilespmem:$0x1FB90]  }
0x1da: {  	v39 =	vld.idx.msk [tilespmem:v62+s11+$0x0], $0xffff;
	vm2 =	vgt.f32 v42, v2;
	v2 =	vmax.f32 v2, v42  }
0x1db: {  	v54 =	vsel vm2, v25, v54;
	vm2 =	vgt.f32 v53, v2;
	v25 =	vld [tilespmem:$0x1FF90]  }
0x1dc: {  	v62 =	vor.u32 v33, v60;
	v54 =	vsel vm2, v26, v54;
	v26 =	vld [tilespmem:$0x1FBA0]  }
0x1dd: {  	v47 =	vor.u32 v55, v60;
	v61 =	vld.idx.msk [tilespmem:v61+s11+$0x0], $0xffff  }
0x1de: {  	v2 =	vmax.f32 v2, v53;
	v42 =	vld.idx.msk [tilespmem:v50+s11+$0x0], $0xffff;
	v50 =	vor.u32 v57, v60  }
0x1df: {  	vm2 =	vgt.f32 v39, v2  }
0x1e0: {  	v54 =	vsel vm2, v27, v54;
	v27 =	vld [tilespmem:$0x1FFA0]  }
0x1e1: {  	v53 =	vor.u32 v25, v60;
	v62 =	vld.idx.msk [tilespmem:v62+s11+$0x0], $0xffff  }
0x1e2: {  	v2 =	vmax.f32 v2, v39;
	v39 =	vld.idx.msk [tilespmem:v47+s11+$0x0], $0xffff;
	v47 =	vor.u32 v26, v60  }
0x1e3: {  	vm2 =	vgt.f32 v61, v2;
	v2 =	vmax.f32 v2, v61;
	v50 =	vld.idx.msk [tilespmem:v50+s11+$0x0], $0xffff  }
0x1e4: {  	v54 =	vsel vm2, v32, v54;
	vm2 =	vgt.f32 v42, v2;
	v32 =	vld [tilespmem:$0x1FBB0]  }
0x1e5: {  	v54 =	vsel vm2, v31, v54;
	v31 =	vld [tilespmem:$0x1FFB0]  }
0x1e6: {  	v61 =	vor.u32 v27, v60;
	v2 =	vmax.f32 v2, v42;
	v42 =	vld.idx.msk [tilespmem:v53+s11+$0x0], $0xffff  }
0x1e7: {  	vm2 =	vgt.f32 v62, v2;
	v2 =	vmax.f32 v2, v62;
	v47 =	vld.idx.msk [tilespmem:v47+s11+$0x0], $0xffff  }
0x1e8: {  	v54 =	vsel vm2, v33, v54;
	vm2 =	vgt.f32 v39, v2;
	v2 =	vmax.f32 v2, v39;
	v33 =	vld [tilespmem:$0x1FBC0]  }
0x1e9: {  	v54 =	vsel vm2, v55, v54;
	v55 =	vld [tilespmem:$0x1FFC0];
	v53 =	vor.u32 v32, v60;
	vm2 =	vgt.f32 v50, v2  }
0x1ea: {  	v2 =	vmax.f32 v2, v50;
	v62 =	vor.u32 v31, v60;
	v54 =	vsel vm2, v57, v54;
	v57 =	vld [tilespmem:$0x1FBD0]  }
0x1eb: {  	v39 =	vld.idx.msk [tilespmem:v61+s11+$0x0], $0xffff;
	vm2 =	vgt.f32 v42, v2;
	v2 =	vmax.f32 v2, v42  }
0x1ec: {  	v54 =	vsel vm2, v25, v54;
	vm2 =	vgt.f32 v47, v2;
	v25 =	vld [tilespmem:$0x1FFD0]  }
0x1ed: {  	v61 =	vor.u32 v33, v60;
	v54 =	vsel vm2, v26, v54;
	v26 =	vld [tilespmem:$0x1FBE0]  }
0x1ee: {  	v50 =	vor.u32 v55, v60;
	v53 =	vld.idx.msk [tilespmem:v53+s11+$0x0], $0xffff  }
0x1ef: {  	v2 =	vmax.f32 v2, v47;
	v42 =	vld.idx.msk [tilespmem:v62+s11+$0x0], $0xffff;
	v62 =	vor.u32 v57, v60  }
0x1f0: {  	vm2 =	vgt.f32 v39, v2  }
0x1f1: {  	v54 =	vsel vm2, v27, v54;
	v27 =	vld [tilespmem:$0x1FBF0];
	v47 =	vor.u32 v25, v60  }
0x1f2: {  	v61 =	vld.idx.msk [tilespmem:v61+s11+$0x0], $0xffff  }
0x1f3: {  	v2 =	vmax.f32 v2, v39;
	v39 =	vld.idx.msk [tilespmem:v50+s11+$0x0], $0xffff;
	v50 =	vor.u32 v26, v60  }
0x1f4: {  	vm2 =	vgt.f32 v53, v2;
	v62 =	vld.idx.msk [tilespmem:v62+s11+$0x0], $0xffff  }
0x1f5: {  	v2 =	vmax.f32 v2, v53;
	v54 =	vsel vm2, v32, v54;
	v32 =	vld [tilespmem:$0x1FC00]  }
0x1f6: {  	v53 =	vor.u32 v27, v60;
	vm2 =	vgt.f32 v42, v2;
	v2 =	vmax.f32 v2, v42;
	v42 =	vld.idx.msk [tilespmem:v47+s11+$0x0], $0xffff  }
0x1f7: {  	v54 =	vsel vm2, v31, v54;
	v31 =	vld [tilespmem:$0x1FC10]  }
0x1f8: {  	vm2 =	vgt.f32 v61, v2;
	v2 =	vmax.f32 v2, v61;
	v50 =	vld.idx.msk [tilespmem:v50+s11+$0x0], $0xffff  }
0x1f9: {  	v54 =	vsel vm2, v33, v54;
	vm2 =	vgt.f32 v39, v2;
	v33 =	vld [tilespmem:$0x1FC20]  }
0x1fa: {  	v2 =	vmax.f32 v2, v39;
	v54 =	vsel vm2, v55, v54;
	v55 =	vld [tilespmem:$0x1FC30];
	v47 =	vor.u32 v32, v60  }
0x1fb: {  	v39 =	vld.idx.msk [tilespmem:v53+s11+$0x0], $0xffff;
	vm2 =	vgt.f32 v62, v2;
	v2 =	vmax.f32 v2, v62  }
0x1fc: {  	v54 =	vsel vm2, v57, v54;
	vm2 =	vgt.f32 v42, v2;
	v2 =	vmax.f32 v2, v42;
	v57 =	vld [tilespmem:$0x1FC40]  }
0x1fd: {  	v61 =	vor.u32 v31, v60;
	v54 =	vsel vm2, v25, v54;
	vm2 =	vgt.f32 v50, v2;
	v25 =	vld [tilespmem:$0x1FC50]  }
0x1fe: {  	v53 =	vor.u32 v33, v60;
	v54 =	vsel vm2, v26, v54;
	v26 =	vld [tilespmem:$0x1FC60]  }
0x1ff: {  	v2 =	vmax.f32 v2, v50;
	v62 =	vor.u32 v55, v60;
	v47 =	vld.idx.msk [tilespmem:v47+s11+$0x0], $0xffff  }
0x200: {  	vm2 =	vgt.f32 v39, v2  }
0x201: {  	v54 =	vsel vm2, v27, v54;
	v27 =	vld [tilespmem:$0x1F9F0]  }
0x202: {  	v42 =	vld.idx.msk [tilespmem:v61+s11+$0x0], $0xffff;
	v61 =	vor.u32 v57, v60  }
0x203: {  	v2 =	vmax.f32 v2, v39;
	v50 =	vor.u32 v25, v60;
	v53 =	vld.idx.msk [tilespmem:v53+s11+$0x0], $0xffff  }
0x204: {  	v39 =	vld.idx.msk [tilespmem:v62+s11+$0x0], $0xffff;
	v62 =	vor.u32 v26, v60;
	vm2 =	vgt.f32 v47, v2  }
0x205: {  	v54 =	vsel vm2, v32, v54;
	v32 =	vld [tilespmem:$0x1FA00]  }
0x206: {  	v2 =	vmax.f32 v2, v47;
	v47 =	vor.u32 v27, v60  }
0x207: {  	vm2 =	vgt.f32 v42, v2;
	v61 =	vld.idx.msk [tilespmem:v61+s11+$0x0], $0xffff  }
0x208: {  	v2 =	vmax.f32 v2, v42;
	v42 =	vld.idx.msk [tilespmem:v50+s11+$0x0], $0xffff;
	v54 =	vsel vm2, v31, v54  }
0x209: {  	vm2 =	vgt.f32 v53, v2;
	v2 =	vmax.f32 v2, v53;
	v53 =	vor.u32 v4, v60;
	v62 =	vld.idx.msk [tilespmem:v62+s11+$0x0], $0xffff  }
0x20a: {  	v54 =	vsel vm2, v33, v54;
	vm2 =	vgt.f32 v39, v2;
	v50 =	vor.u32 v32, v60  }
0x20b: {  	v2 =	vmax.f32 v2, v39;
	v33 =	vor.u32 v6, v60;
	v54 =	vsel vm2, v55, v54;
	v39 =	vld.idx.msk [tilespmem:v47+s11+$0x0], $0xffff  }
0x20c: {  	v47 =	vor.u32 v63, v60;
	vm2 =	vgt.f32 v61, v2;
	v2 =	vmax.f32 v2, v61  }
0x20d: {  	v54 =	vsel vm2, v57, v54;
	vm2 =	vgt.f32 v42, v2;
	v2 =	vmax.f32 v2, v42  }
0x20e: {  	v42 =	vld.idx.msk [tilespmem:v53+s11+$0x0], $0xffff;
	v54 =	vsel vm2, v25, v54;
	vm2 =	vgt.f32 v62, v2  }
0x20f: {  	v53 =	vor.u32 v7, v60;
	v2 =	vmax.f32 v2, v62;
	v54 =	vsel vm2, v26, v54;
	v50 =	vld.idx.msk [tilespmem:v50+s11+$0x0], $0xffff  }
0x210: {  	vm2 =	vgt.f32 v39, v2;
	v2 =	vmax.f32 v2, v39;
	v39 =	vld.idx.msk [tilespmem:v33+s11+$0x0], $0xffff;
	v33 =	vor.u32 v9, v60  }
0x211: {  	v62 =	vor.u32 v8, v60  }
0x212: {  	v47 =	vld.idx.msk [tilespmem:v47+s11+$0x0], $0xffff  }
0x213: {  	v57 =	vor.u32 v10, v60  }
0x214: {  	v54 =	vsel vm2, v27, v54;
	v53 =	vld.idx.msk [tilespmem:v53+s11+$0x0], $0xffff;
	vm2 =	vgt.f32 v50, v2;
	v2 =	vmax.f32 v2, v50  }
0x215: {  	v61 =	vld.idx.msk [tilespmem:v33+s11+$0x0], $0xffff;
	v33 =	vor.u32 v13, v60;
	v54 =	vsel vm2, v32, v54;
	vm2 =	vgt.f32 v42, v2  }
0x216: {  	v2 =	vmax.f32 v2, v42;
	v42 =	vld.idx.msk [tilespmem:v62+s11+$0x0], $0xffff;
	v62 =	vor.u32 v11, v60;
	v32 =	vor.u32 v12, v60  }
0x217: {  	v54 =	vsel vm2, v4, v54;
	vm2 =	vgt.f32 v47, v2;
	v2 =	vmax.f32 v2, v47  }
0x218: {  	v54 =	vsel vm2, v63, v54;
	vm2 =	vgt.f32 v39, v2  }
0x219: {  	v2 =	vmax.f32 v2, v39;
	v39 =	vld.idx.msk [tilespmem:v57+s11+$0x0], $0xffff;
	v57 =	vor.u32 v14, v60;
	v54 =	vsel vm2, v6, v54  }
0x21a: {  	vm2 =	vgt.f32 v53, v2;
	v2 =	vmax.f32 v2, v53;
	v50 =	vld.idx.msk [tilespmem:v33+s11+$0x0], $0xffff;
	v33 =	vor.u32 v17, v60  }
0x21b: {  	v54 =	vsel vm2, v7, v54;
	vm2 =	vgt.f32 v42, v2;
	v62 =	vld.idx.msk [tilespmem:v62+s11+$0x0], $0xffff;
	v2 =	vmax.f32 v2, v42  }
0x21c: {  	v47 =	vor.u32 v15, v60;
	v42 =	vld.idx.msk [tilespmem:v32+s11+$0x0], $0xffff;
	v54 =	vsel vm2, v8, v54;
	vm2 =	vgt.f32 v61, v2  }
0x21d: {  	v32 =	vor.u32 v16, v60;
	v2 =	vmax.f32 v2, v61;
	v54 =	vsel vm2, v9, v54  }
0x21e: {  	vm2 =	vgt.f32 v39, v2;
	v2 =	vmax.f32 v2, v39;
	v39 =	vld.idx.msk [tilespmem:v57+s11+$0x0], $0xffff;
	v57 =	vor.u32 v18, v60  }
0x21f: {  	v53 =	vld.idx.msk [tilespmem:v33+s11+$0x0], $0xffff;
	v33 =	vor.u32 v21, v60  }
0x220: {  	v25 =	vld [tilespmem:$0x1FA10];
	v54 =	vsel vm2, v10, v54;
	vm2 =	vgt.f32 v62, v2;
	v2 =	vmax.f32 v2, v62  }
0x221: {  	v47 =	vld.idx.msk [tilespmem:v47+s11+$0x0], $0xffff;
	v54 =	vsel vm2, v11, v54;
	vm2 =	vgt.f32 v42, v2;
	v2 =	vmax.f32 v2, v42  }
0x222: {  	v42 =	vld.idx.msk [tilespmem:v32+s11+$0x0], $0xffff;
	v54 =	vsel vm2, v12, v54;
	vm2 =	vgt.f32 v50, v2;
	v2 =	vmax.f32 v2, v50  }
0x223: {  	v54 =	vsel vm2, v13, v54;
	vm2 =	vgt.f32 v39, v2;
	v2 =	vmax.f32 v2, v39;
	v39 =	vld.idx.msk [tilespmem:v57+s11+$0x0], $0xffff  }
0x224: {  	v57 =	vor.u32 v22, v60;
	v62 =	vld.idx.msk [tilespmem:v33+s11+$0x0], $0xffff  }
0x225: {  	v61 =	vor.u32 v19, v60;
	v32 =	vor.u32 v20, v60;
	v33 =	vor.u32 v25, v60;
	v25 =	vld [tilespmem:$0x1FA20]  }
0x226: {  	v54 =	vsel vm2, v14, v54;
	vm2 =	vgt.f32 v47, v2;
	v2 =	vmax.f32 v2, v47  }
0x227: {  	v54 =	vsel vm2, v15, v54;
	vm2 =	vgt.f32 v42, v2;
	v2 =	vmax.f32 v2, v42  }
0x228: {  	v54 =	vsel vm2, v16, v54;
	vm2 =	vgt.f32 v53, v2;
	v2 =	vmax.f32 v2, v53  }
0x229: {  	v54 =	vsel vm2, v17, v54;
	vm2 =	vgt.f32 v39, v2;
	v2 =	vmax.f32 v2, v39;
	v39 =	vld.idx.msk [tilespmem:v57+s11+$0x0], $0xffff  }
0x22a: {  	v57 =	vor.u32 v25, v60;
	v25 =	vld [tilespmem:$0x1FA30]  }
0x22b: {  	v26 =	vld [tilespmem:$0x1FA70];
	_ =	sdelay $0x1  }
0x22c: {  	v61 =	vld.idx.msk [tilespmem:v61+s11+$0x0], $0xffff  }
0x22d: {  	v50 =	vor.u32 v23, v60;
	v42 =	vld.idx.msk [tilespmem:v32+s11+$0x0], $0xffff  }
0x22e: {  	v32 =	vor.u32 v24, v60;
	v53 =	vor.u32 v25, v60;
	v25 =	vld [tilespmem:$0x1FE60]  }
0x22f: {  	v55 =	vor.u32 v26, v60;
	v26 =	vld [tilespmem:$0x1FA80];
	_ =	sdelay $0x1  }
0x230: {  	v54 =	vsel vm2, v18, v54;
	vm2 =	vgt.f32 v61, v2;
	v2 =	vmax.f32 v2, v61  }
0x231: {  	v50 =	vld.idx.msk [tilespmem:v50+s11+$0x0], $0xffff;
	v54 =	vsel vm2, v19, v54;
	vm2 =	vgt.f32 v42, v2  }
0x232: {  	v2 =	vmax.f32 v2, v42;
	v42 =	vld.idx.msk [tilespmem:v32+s11+$0x0], $0xffff;
	v54 =	vsel vm2, v20, v54;
	v32 =	vor.u32 v25, v60  }
0x233: {  	vm2 =	vgt.f32 v62, v2;
	v2 =	vmax.f32 v2, v62;
	v62 =	vor.u32 v26, v60;
	v26 =	vld [tilespmem:$0x1FAA0];
	_ =	sdelay $0x1  }
0x234: {  	v47 =	vld.idx.msk [tilespmem:v33+s11+$0x0], $0xffff;
	v54 =	vsel vm2, v21, v54;
	vm2 =	vgt.f32 v39, v2;
	v2 =	vmax.f32 v2, v39  }
0x235: {  	v39 =	vld.idx.msk [tilespmem:v57+s11+$0x0], $0xffff;
	v54 =	vsel vm2, v22, v54;
	vm2 =	vgt.f32 v50, v2;
	v2 =	vmax.f32 v2, v50  }
0x236: {  	v54 =	vsel vm2, v23, v54;
	vm2 =	vgt.f32 v42, v2;
	v2 =	vmax.f32 v2, v42;
	v42 =	vld.idx.msk [tilespmem:v32+s11+$0x0], $0xffff  }
0x237: {  	v32 =	vor.u32 v26, v60;
	v26 =	vld [tilespmem:$0x1FA60]  }
0x238: {  	v27 =	vld [tilespmem:$0x1FA90];
	_ =	sdelay $0x2  }
0x239: {  	v54 =	vsel vm2, v24, v54;
	vm2 =	vgt.f32 v47, v2;
	v2 =	vmax.f32 v2, v47;
	v25 =	vld [tilespmem:$0x1FA40]  }
0x23a: {  	v53 =	vld.idx.msk [tilespmem:v53+s11+$0x0], $0xffff;
	v54 =	vsel vm2, v26, v54;
	vm2 =	vgt.f32 v39, v2  }
0x23b: {  	v54 =	vsel vm2, v27, v54;
	v27 =	vld [tilespmem:$0x1FE90];
	_ =	sdelay $0x2  }
0x23c: {  	v2 =	vmax.f32 v2, v39  }
0x23d: {  	v57 =	vor.u32 v25, v60;
	vm2 =	vgt.f32 v53, v2;
	v2 =	vmax.f32 v2, v53;
	v53 =	vld.idx.msk [tilespmem:v55+s11+$0x0], $0xffff  }
0x23e: {  	v55 =	vor.u32 v27, v60;
	v27 =	vmov v29;
	v29 =	vld [tilespmem:$0x1FEA0]  }
0x23f: {  	v25 =	vld [tilespmem:$0x1FA50];
	_ =	sdelay $0x2  }
0x240: {  	v61 =	vld.idx.msk [tilespmem:v57+s11+$0x0], $0xffff  }
0x241: {  	v57 =	vor.u32 v29, v60;
	v29 =	vld [tilespmem:$0x1FEB0]  }
0x242: {  	v33 =	vor.u32 v25, v60;
	_ =	sdelay $0x1  }
0x243: {  	v36 =	vmov v34;
	v34 =	vmov v37  }
0x244: {  	v54 =	vsel vm2, v36, v54;
	vm2 =	vgt.f32 v42, v2;
	v2 =	vmax.f32 v2, v42;
	v42 =	vld.idx.msk [tilespmem:v32+s11+$0x0], $0xffff  }
0x245: {  	v37 =	vmovc v38;
	v25 =	vmov v56;
	v56 =	vor.u32 v34, v60;
	v32 =	vor.u32 v29, v60;
	v29 =	vld [tilespmem:$0x1FEC0]  }
0x246: {  	v39 =	vld.idx.msk [tilespmem:v33+s11+$0x0], $0xffff;
	v33 =	vor.u32 v37, v60;
	_ =	sdelay $0x1  }
0x247: {  	v38 =	vmov v40;
	v40 =	vmov v41;
	v41 =	vmov v43;
	v62 =	vld.idx.msk [tilespmem:v62+s11+$0x0], $0xffff  }
0x248: {  	v43 =	vmovc v44;
	v44 =	vmovc v45;
	v45 =	vmov v35;
	v35 =	vmov v48;
	v54 =	vsel vm2, v38, v54  }
0x249: {  	vm2 =	vgt.f32 v61, v2;
	v2 =	vmax.f32 v2, v61;
	v56 =	vld.idx.msk [tilespmem:v56+s11+$0x0], $0xffff;
	v60 =	vor.u32 v29, v60  }
0x24a: {  	v54 =	vsel vm2, v40, v54;
	vm2 =	vgt.f32 v39, v2;
	v2 =	vmax.f32 v2, v39;
	v39 =	vld.idx.msk [tilespmem:v33+s11+$0x0], $0xffff  }
0x24b: {  	v33 =	vsel vm2, v41, v54;
	vm2 =	vgt.f32 v53, v2;
	v2 =	vmax.f32 v2, v53;
	v53 =	vld.idx.msk [tilespmem:v55+s11+$0x0], $0xffff  }
0x24c: {  	v50 =	vsel vm2, v43, v33;
	vm2 =	vgt.f32 v62, v2;
	v2 =	vmax.f32 v2, v62;
	v54 =	vld.idx.msk [tilespmem:v57+s11+$0x0], $0xffff  }
0x24d: {  	v50 =	vsel vm2, v44, v50;
	vm2 =	vgt.f32 v42, v2;
	v2 =	vmax.f32 v2, v42;
	v61 =	vld.idx.msk [tilespmem:v32+s11+$0x0], $0xffff  }
0x24e: {  	v62 =	vsel vm2, v45, v50;
	vm2 =	vgt.f32 v56, v2;
	v2 =	vmax.f32 v2, v56;
	v32 =	vld.idx.msk [tilespmem:v60+s11+$0x0], $0xffff  }
0x24f: {  	v47 =	vsel vm2, v35, v62;
	vm2 =	vgt.f32 v39, v2;
	v2 =	vmax.f32 v2, v39  }
0x250: {  	v33 =	vsel vm2, v46, v47;
	vm2 =	vgt.f32 v53, v2;
	v2 =	vmax.f32 v2, v53;
	v53 =	vld [tilespmem:s25+$0x0]  }
0x251: {  	v39 =	vsel vm2, v51, v33;
	vm2 =	vgt.f32 v54, v2;
	v2 =	vmax.f32 v2, v54  }
0x252: {  	v39 =	vsel vm2, v49, v39;
	vm2 =	vgt.f32 v61, v2;
	v2 =	vmax.f32 v2, v61  }
0x253: {  	v39 =	vsel vm2, v52, v39;
	vm2 =	vgt.f32 v32, v2  }
0x254: {  	v2 =	vsel vm2, v58, v39  }
0x255: {  	v54 =	vmul.u32 $0x64, v53;
	v39 =	vadd.s32 $0xFFFFFF9C, v2  }
0x256: {  	v2 =	vmin.u32 v2, v39  }
0x257: {  	v2 =	vadd.s32 v54, v2  }
0x258: {  	v56 =	vxor.u32 $0x80000000, v2  }
0x259: {  	(xrf1) =	vsort.ascd.msk.u32 $0xffff, v56, v2;
	_ =	sdelay $0xd  }
0x25a: {  	v2, _, _ =	vpop (xrf1)  }
0x25b: {  	v2 =	vxor.u32 $0x80000000, v2  }
0x25c: {  	v60 =	vperm.xlane v2, v28  }
0x25d: {  	v55 =	vmov v30;
	v30 =	vld [tilespmem:$0x1FF20]  }
0x25e: {  	vm2 =	veq.s32 v2, v60  }
0x25f: {  	v39 =	vsel vm2, $0x80000000, v59  }
0x260: {  	(xrf0) =	vmax.scan.msk.u32 $0xffff, v39;
	_ =	sdelay $0x1  }
0x261: {  	v61 =	vperm.xlane v2, v30;
	_ =	sdelay $0x1  }
0x262: {  	vm2 =	vne.s32 v2, v61  }
0x263: {  	vm2 =	vmor vm2, vm1  }
0x264: {  	v62, _, _ =	vpop (xrf0)  }
0x265: {  	v29 =	vmov v25;
	v39 =	vxor.u32 $0x80000000, v62  }
0x266: {  	v39 =	vsub.s32 v29, v39  }
0x267: {  	p1 =	sne.s32 s24, $0x50;
	v39 =	vcvt.s32.f32 v39  }
.Ltmp4:
0x268: {  	v26 =	vld [tilespmem:$0x1FCA0];
	(pc) =	sbr.rel @p1 .LBB2_7-.Ltmp4, $4  }
0x269: {  	[tilespmem:v2+s14+$0x0] =	vst.idx.add.f32.msk vm2, v39  }
0x26a: {  	v39 =	vld [tilespmem:$0x1FC80]  }
0x26b: {  	v57 =	vmov v27;
	v27 =	vld [tilespmem:$0x1FCB0]  }
0x26c: {  	s24 =	sadd.s32 $0x10, s24;
	v48 =	vmov v51;
	s25 =	sadd.s32 $0x10, s25;
	v25 =	vld [tilespmem:$0x1FC90];
	v50 =	vmov v29  }
.Ltmp5:
0x26d: {  	v2 =	vld [tilespmem:$0x1FFF0];
	(pc) =	sbr.rel @p0 .LBB2_10-.Ltmp5, $4  }
0x26e: {  	v54 =	vld [tilespmem:$0x1FAD0]  }
0x26f: {  	v53 =	vld [tilespmem:$0x1FAC0]  }
0x270: {  	v0 =	vld [tilespmem:$0x1FC70]  }
0x271: {  	v62 =	vmov v28;
	v56 =	vld [tilespmem:$0x1FFE0]  }
0x272: {  	s23 =	sadd.s32 $0x3, s23  }
0x273: {  	s24 =	smulhi.u32 $0x2AAAAAAB, s23;
	_ =	sdelay $0x1  }
0x274: {  	s25 =	smul.u32 $0x6, s24  }
0x275: {  	s24 =	sadd.s32 s5, s24  }
0x276: {  	s24 =	smul.u32 $0x12000, s24;
	s23 =	ssub.s32 s23, s25  }
0x277: {  	s23 =	smul.u32 $0x3000, s23  }
.Ltmp6:
0x278: {  	_ = 	snop;
	(pc) =	sbr.rel .LBB2_4-.Ltmp6, $4  }
0x279: {  	s23 =	sadd.s32 s23, s24  }
0x27a: {  	s22 =	sadd.s32 $0x1, s22;
	s23 =	sshrl.u32 s23, $0x3  }
0x27b: {  	s20 =	sadd.s32 $0xC0, s20;
	s21 =	sadd.s32 $0xC0, s21;
	s23 =	sadd.s32 s3, s23  }
0x27c: {  	v10 =	vmovc v2;
	v60 =	vmov v53;
	v53 =	vmov v54;
	v9 =	vmov v0;
	[tilespmem:s11], [sflag:$0x2] =	stream.linear.gather [hbm4b:s23+s2], $0x3000, $0x38;
	[tilespmem:$0x8C00] =	vst v63  }
.LBB2_11:
0x27d: {  	_ =	sfence.sel $0x180000  }
0x27e: {  	[bflag:$0x0] =	sbarrier.arrive $0xFFFF  }
0x27f: {  	p0 =	sne.s32 s1, $0x0;
	_ =	strace $0x90000047  }
0x280: {  	s0 =	sadd.s32 @!p0 $0x100000, s0;
	[bflag:$0x2] =	sbarrier.arrive $0xFFFF  }
0x281: {  	[sflag:s0] =	ssyncadd.tile.s32 @!p0 $0x1;
	_ =	shalt  }
.Lfunc_end2:
_tile_overlayer_lowered:
.L_overlay_start_2:
0x282: {  	(tag) =	ssettag $0x2  }
0x283: {  	s0 =	rddreg [dreg:$0x0];
	s2 =	stileid.u32  }
0x284: {  	s1 =	rddreg [dreg:$0x1];
	p0 =	sne.s32 s2, $0x0  }
0x285: {  	s3 =	rddreg [dreg:$0x2];
	[bflag:$0x3] =	sbarrier.arrive $0xFFFF;
	s2 =	simm.s32 @!p0 $0x1C04  }
0x286: {  	[timem:s3], [sflag:s2] =	dma.local @!p0 [hbm:s0], s1  }
0x287: {  	s0 =	simm.s32 @!p0 $0x4  }
0x288: {  	_ =	swait.ge @!p0 [sflag:s0], s1  }
0x289: {  	s1 =	ssub.s32 @!p0 $0x0, s1;
	[sflag:s0] =	ssyncset.done @!p0 $0x0  }
0x28a: {  	[sflag:s0] =	ssyncadd.s32 @!p0 s1  }
0x28b: {  	[bflag:$0x3] =	sbarrier.arrive $0xFFFF  }
0x28c: {  	_ =	shalt  }

</sc_bundles>
